<compile_context>
chip_gen: v7x
topology: tpu7x:2x2x1
jax: 0.10.2.dev20260603
libtpu: 0.0.44.dev20260713+nightly
codegen_flags: <defaults>
</compile_context>

<pallas_src>
import jax
import jax.numpy as jnp
from jax import lax
from jax.experimental import pallas as pl
from jax.experimental.pallas import tpu as pltpu
from jax.experimental.pallas import tpu_sc as plsc

_NUM_WORKERS = 32
_LANES = 16


def _sc_lookup_body(nl, tpw):
    def body(cent_hbm, wid_hbm, idx_hbm, out_hbm, cent_v, wid_v, idx_s0,
             idx_s1, out_v, isem0, isem1, osem0, osem1):
        w = lax.axis_index("s") * 2 + lax.axis_index("c")
        t0 = w * tpw
        idx_bufs = (idx_s0, idx_s1)
        isems = (isem0, isem1)
        osems = (osem0, osem1)
        in_copies = [
            pltpu.async_copy(idx_hbm.at[:, t0], idx_bufs[0], isems[0])
        ]
        tab_c = pltpu.async_copy(cent_hbm, cent_v, osems[0])
        tab_w = pltpu.async_copy(wid_hbm, wid_v, osems[1])
        tab_c.wait()
        tab_w.wait()
        out_copies = []
        for tp in range(tpw):
            ibuf = tp % 2
            if tp + 1 < tpw:
                in_copies.append(
                    pltpu.async_copy(idx_hbm.at[:, t0 + tp + 1],
                                     idx_bufs[1 - ibuf], isems[1 - ibuf]))
            in_copies[tp].wait()
            if tp >= 2:
                out_copies[tp - 2].wait()

            @plsc.parallel_loop(0, nl, unroll=2)
            def l_step(l, ibuf=ibuf, obuf=ibuf):
                lt = l >> 3
                ls = l & 7
                for v in range(128 // _LANES):
                    ids = idx_bufs[ibuf][lt, ls, pl.ds(v * _LANES, _LANES)]
                    cv = plsc.load_gather(cent_v, [ids])
                    wv = plsc.load_gather(wid_v, [ids])
                    out_v[obuf, l, 0, pl.ds(v * _LANES, _LANES)] = cv
                    out_v[obuf, l, 1, pl.ds(v * _LANES, _LANES)] = wv

            out_copies.append(
                pltpu.async_copy(out_v.at[ibuf], out_hbm.at[:, t0 + tp],
                                 osems[ibuf]))
        out_copies[-2].wait()
        out_copies[-1].wait()

    return body


def kernel(idx, center_w, width_w):
    b, nl = idx.shape
    nt = b // 128
    tpw = nt // _NUM_WORKERS
    nlt = (nl + 7) // 8
    nv = center_w.shape[0]
    cent = center_w[:, 0]
    wid = width_w[:, 0]
    idx_p = jnp.pad(idx, ((0, 0), (0, nlt * 8 - nl)))
    idx4 = idx_p.T.reshape(nlt, 8, nt, 128).transpose(0, 2, 1, 3)
    mesh = plsc.VectorSubcoreMesh(core_axis_name="c", subcore_axis_name="s")
    f = pl.kernel(
        _sc_lookup_body(nl, tpw),
        out_type=jax.ShapeDtypeStruct((nl, nt, 2, 128), jnp.float32),
        mesh=mesh,
        compiler_params=pltpu.CompilerParams(needs_layout_passes=False),
        scratch_types=[
            pltpu.VMEM((nv,), jnp.float32),
            pltpu.VMEM((nv,), jnp.float32),
            pltpu.VMEM((nlt, 8, 128), jnp.int32),
            pltpu.VMEM((nlt, 8, 128), jnp.int32),
            pltpu.VMEM((2, nl, 2, 128), jnp.float32),
            pltpu.SemaphoreType.DMA,
            pltpu.SemaphoreType.DMA,
            pltpu.SemaphoreType.DMA,
            pltpu.SemaphoreType.DMA,
        ],
    )
    out = f(cent, wid, idx4)
    return out.transpose(1, 3, 0, 2).reshape(b, nl, 2)

# --- scband reference (transcript-rebuilt; emitter-appended) ---
"""Pipeline reference for scband-layer-anchor-8650064134680 (READ-ONLY COPY).

The authoritative reference and input builder live on the scoring server;
editing this copy changes nothing except your own understanding.
"""

import jax, jax.numpy as jnp
import numpy as np

NUM_QUERIES = 1000
RATIOS = (0.5, 0.35)
SPECIAL_ANCHOR = True


def inverse_sigmoid(x, eps=1e-5):
    x = np.clip(x, 0.0, 1.0)
    x1 = np.clip(x, eps, None)
    x2 = np.clip(1.0 - x, eps, None)
    return np.log(x1 / x2)


def build_tables(num_queries=NUM_QUERIES, ratios=RATIOS, special_anchor=SPECIAL_ANCHOR):
    layers_num_queries = num_queries - 1 if special_anchor else num_queries
    ratios_n = [int(r * layers_num_queries) for r in ratios]
    ratios_n.append(layers_num_queries - sum(ratios_n))
    centers = []
    widths = []
    for rn in ratios_n:
        centers.extend(np.linspace(0.0, 1.0, rn + 2)[1:-1].tolist())
        widths.extend([1.0 / rn] * rn)
    if special_anchor:
        centers.append(0.5)
        widths.append(1.0)
    center_w = inverse_sigmoid(np.asarray(centers, dtype=np.float32))[:, None]
    width_w = inverse_sigmoid(np.asarray(widths, dtype=np.float32))[:, None]
    return jnp.asarray(center_w, dtype=jnp.float32), jnp.asarray(width_w, dtype=jnp.float32)


def setup_inputs(seed: int = 0) -> dict:
    key = jax.random.key(seed)
    idx = jax.random.randint(key, (16384, 50), 0, NUM_QUERIES, dtype=jnp.int32)
    center_w, width_w = build_tables()
    return {"idx": idx, "center_w": center_w, "width_w": width_w}


def reference(idx, center_w, width_w):
    # Embedding lookup into center table and width table, then concat on last dim.
    centers = jnp.take(center_w, idx, axis=0)  # [B, L, 1]
    widths = jnp.take(width_w, idx, axis=0)    # [B, L, 1]
    return jnp.concatenate([centers, widths], axis=-1)  # [B, L, 2]

if __name__ == "__main__":
    import jax
    _d = setup_inputs()
    print(jax.jit(kernel)(*tuple(_d.values())))

</pallas_src>

<mosaic_0001>
#map = affine_map<(d0, d1) -> (0)>
#map1 = affine_map<(d0, d1) -> (0, 0, 0, 0)>
module attributes {stable_mosaic.version = 14 : i64} {
  func.func @body(%arg0: i32, %arg1: i32, %arg2: memref<1000xf32, #tpu.memory_space<hbm>>, %arg3: memref<1000xf32, #tpu.memory_space<hbm>>, %arg4: memref<7x128x8x128xi32, #tpu.memory_space<hbm>>, %arg5: memref<50x128x2x128xf32, #tpu.memory_space<hbm>>, %arg6: memref<1000xf32, #tpu.memory_space<vmem>>, %arg7: memref<1000xf32, #tpu.memory_space<vmem>>, %arg8: memref<7x8x128xi32, #tpu.memory_space<vmem>>, %arg9: memref<7x8x128xi32, #tpu.memory_space<vmem>>, %arg10: memref<2x50x2x128xf32, #tpu.memory_space<vmem>>, %arg11: memref<!tpu.dma_semaphore, #tpu.memory_space<semaphore_mem>>, %arg12: memref<!tpu.dma_semaphore, #tpu.memory_space<semaphore_mem>>, %arg13: memref<!tpu.dma_semaphore, #tpu.memory_space<semaphore_mem>>, %arg14: memref<!tpu.dma_semaphore, #tpu.memory_space<semaphore_mem>>) attributes {dimension_semantics = [#tpu.dimension_semantics<core_parallel>, #tpu.dimension_semantics<subcore_parallel>], iteration_bounds = array<i64: 2, 16>, scalar_prefetch = 0 : i64, scratch_operands = 9 : i64, tpu.core_type = #tpu.core_type<sc_vector_subcore>, window_params = [{transform_indices = #map}, {transform_indices = #map}, {transform_indices = #map1}, {transform_indices = #map1}]} {
    %mul3A = arith.constant 2 : i32
    %mul3A_0 = arith.muli %arg1, %mul3A : i32
    %add3A = arith.addi %mul3A_0, %arg0 : i32
    %mul3A_1 = arith.constant 4 : i32
    %mul3A_2 = arith.muli %add3A, %mul3A_1 : i32
    %dma_start3A = arith.constant 0 : i32
    %dma_start3A_3 = arith.constant 0 : i32
    %dma_start3A_4 = arith.constant 0 : i32
    %dma_start3A_5 = tpu.memref_slice %arg4[%dma_start3A, %mul3A_2, %dma_start3A_3, %dma_start3A_4] : memref<7x128x8x128xi32, #tpu.memory_space<hbm>> -> memref<7x1x8x128xi32, #tpu.memory_space<hbm>>
    %dma_start3A_6 = tpu.memref_squeeze %dma_start3A_5 : memref<7x1x8x128xi32, #tpu.memory_space<hbm>> -> memref<7x8x128xi32, #tpu.memory_space<hbm>>
    %dma_start3A_7 = arith.constant 0 : i32
    %dma_start3A_8 = arith.constant 0 : i32
    %dma_start3A_9 = arith.constant 0 : i32
    %dma_start3A_10 = tpu.memref_slice %arg4[%dma_start3A_7, %mul3A_2, %dma_start3A_8, %dma_start3A_9] : memref<7x128x8x128xi32, #tpu.memory_space<hbm>> -> memref<7x1x8x128xi32, #tpu.memory_space<hbm>>
    %dma_start3A_11 = tpu.memref_squeeze %dma_start3A_10 : memref<7x1x8x128xi32, #tpu.memory_space<hbm>> -> memref<7x8x128xi32, #tpu.memory_space<hbm>>
    tpu.enqueue_dma source(%dma_start3A_11 : memref<7x8x128xi32, #tpu.memory_space<hbm>>) target(%arg8 : memref<7x8x128xi32, #tpu.memory_space<vmem>>) target_semaphore(%arg11 : memref<!tpu.dma_semaphore, #tpu.memory_space<semaphore_mem>>)
    tpu.enqueue_dma source(%arg2 : memref<1000xf32, #tpu.memory_space<hbm>>) target(%arg6 : memref<1000xf32, #tpu.memory_space<vmem>>) target_semaphore(%arg13 : memref<!tpu.dma_semaphore, #tpu.memory_space<semaphore_mem>>)
    tpu.enqueue_dma source(%arg3 : memref<1000xf32, #tpu.memory_space<hbm>>) target(%arg7 : memref<1000xf32, #tpu.memory_space<vmem>>) target_semaphore(%arg14 : memref<!tpu.dma_semaphore, #tpu.memory_space<semaphore_mem>>)
    tpu.wait_dma2 semaphore(%arg13 : memref<!tpu.dma_semaphore, #tpu.memory_space<semaphore_mem>>) src(%arg2 : memref<1000xf32, #tpu.memory_space<hbm>>) dst(%arg6 : memref<1000xf32, #tpu.memory_space<vmem>>)
    tpu.wait_dma2 semaphore(%arg14 : memref<!tpu.dma_semaphore, #tpu.memory_space<semaphore_mem>>) src(%arg3 : memref<1000xf32, #tpu.memory_space<hbm>>) dst(%arg7 : memref<1000xf32, #tpu.memory_space<vmem>>)
    %add3A_12 = arith.constant 0 : i32
    %add3A_13 = arith.addi %mul3A_2, %add3A_12 : i32
    %add3A_14 = arith.constant 1 : i32
    %add3A_15 = arith.addi %add3A_13, %add3A_14 : i32
    %dma_start3A_16 = arith.constant 0 : i32
    %dma_start3A_17 = arith.constant 0 : i32
    %dma_start3A_18 = arith.constant 0 : i32
    %dma_start3A_19 = tpu.memref_slice %arg4[%dma_start3A_16, %add3A_15, %dma_start3A_17, %dma_start3A_18] : memref<7x128x8x128xi32, #tpu.memory_space<hbm>> -> memref<7x1x8x128xi32, #tpu.memory_space<hbm>>
    %dma_start3A_20 = tpu.memref_squeeze %dma_start3A_19 : memref<7x1x8x128xi32, #tpu.memory_space<hbm>> -> memref<7x8x128xi32, #tpu.memory_space<hbm>>
    %dma_start3A_21 = arith.constant 0 : i32
    %dma_start3A_22 = arith.constant 0 : i32
    %dma_start3A_23 = arith.constant 0 : i32
    %dma_start3A_24 = tpu.memref_slice %arg4[%dma_start3A_21, %add3A_15, %dma_start3A_22, %dma_start3A_23] : memref<7x128x8x128xi32, #tpu.memory_space<hbm>> -> memref<7x1x8x128xi32, #tpu.memory_space<hbm>>
    %dma_start3A_25 = tpu.memref_squeeze %dma_start3A_24 : memref<7x1x8x128xi32, #tpu.memory_space<hbm>> -> memref<7x8x128xi32, #tpu.memory_space<hbm>>
    tpu.enqueue_dma source(%dma_start3A_25 : memref<7x8x128xi32, #tpu.memory_space<hbm>>) target(%arg9 : memref<7x8x128xi32, #tpu.memory_space<vmem>>) target_semaphore(%arg12 : memref<!tpu.dma_semaphore, #tpu.memory_space<semaphore_mem>>)
    %dma_wait3A = arith.constant 0 : i32
    %dma_wait3A_26 = arith.constant 0 : i32
    %dma_wait3A_27 = arith.constant 0 : i32
    %dma_wait3A_28 = tpu.memref_slice %arg4[%dma_wait3A, %mul3A_2, %dma_wait3A_26, %dma_wait3A_27] : memref<7x128x8x128xi32, #tpu.memory_space<hbm>> -> memref<7x1x8x128xi32, #tpu.memory_space<hbm>>
    %dma_wait3A_29 = tpu.memref_squeeze %dma_wait3A_28 : memref<7x1x8x128xi32, #tpu.memory_space<hbm>> -> memref<7x8x128xi32, #tpu.memory_space<hbm>>
    %dma_wait3A_30 = arith.constant 0 : i32
    %dma_wait3A_31 = arith.constant 0 : i32
    %dma_wait3A_32 = arith.constant 0 : i32
    %dma_wait3A_33 = tpu.memref_slice %arg4[%dma_wait3A_30, %mul3A_2, %dma_wait3A_31, %dma_wait3A_32] : memref<7x128x8x128xi32, #tpu.memory_space<hbm>> -> memref<7x1x8x128xi32, #tpu.memory_space<hbm>>
    %dma_wait3A_34 = tpu.memref_squeeze %dma_wait3A_33 : memref<7x1x8x128xi32, #tpu.memory_space<hbm>> -> memref<7x8x128xi32, #tpu.memory_space<hbm>>
    tpu.wait_dma2 semaphore(%arg11 : memref<!tpu.dma_semaphore, #tpu.memory_space<semaphore_mem>>) src(%dma_wait3A_34 : memref<7x8x128xi32, #tpu.memory_space<hbm>>) dst(%arg8 : memref<7x8x128xi32, #tpu.memory_space<vmem>>)
    %parallel_loop3A = arith.constant 0 : i32
    %parallel_loop3A_35 = arith.constant 50 : i32
    %parallel_loop3A_36 = arith.constant 1 : i32
    scf.for %parallel_loop3A_280 = %parallel_loop3A to %parallel_loop3A_35 step %parallel_loop3A_36  : i32 {
      %parallel_loop3A_281 = arith.constant 3 : i32
      %parallel_loop3A_282 = arith.shrsi %parallel_loop3A_280, %parallel_loop3A_281 : i32
      %parallel_loop3A_283 = arith.constant 7 : i32
      %parallel_loop3A_284 = arith.andi %parallel_loop3A_280, %parallel_loop3A_283 : i32
      %parallel_loop3A_285 = arith.index_cast %parallel_loop3A_282 : i32 to index
      %parallel_loop3A_286 = arith.index_cast %parallel_loop3A_284 : i32 to index
      %parallel_loop3A_287 = arith.constant 0 : index
      %parallel_loop3A_288 = tpu.vector_load %arg8[%parallel_loop3A_285, %parallel_loop3A_286, %parallel_loop3A_287] {strides = array<i32>} : memref<7x8x128xi32, #tpu.memory_space<vmem>>, vector<16xi32>,
      %parallel_loop3A_289 = tpu.vector_load_idx %arg6[%parallel_loop3A_288] : memref<1000xf32, #tpu.memory_space<vmem>>[vector<16xi32>], vector<16xf32>,
      %parallel_loop3A_290 = tpu.vector_load_idx %arg7[%parallel_loop3A_288] : memref<1000xf32, #tpu.memory_space<vmem>>[vector<16xi32>], vector<16xf32>,
      %parallel_loop3A_291 = arith.constant 0 : i32
      %parallel_loop3A_292 = arith.constant 0 : i32
      %parallel_loop3A_293 = arith.index_cast %parallel_loop3A_291 : i32 to index
      %parallel_loop3A_294 = arith.index_cast %parallel_loop3A_280 : i32 to index
      %parallel_loop3A_295 = arith.index_cast %parallel_loop3A_292 : i32 to index
      %parallel_loop3A_296 = arith.constant 0 : index
      %parallel_loop3A_297 = tpu.vector_load %arg10[%parallel_loop3A_293, %parallel_loop3A_294, %parallel_loop3A_295, %parallel_loop3A_296] {strides = array<i32>} : memref<2x50x2x128xf32, #tpu.memory_space<vmem>>, vector<16xf32>,
      tpu.vector_store %arg10[%parallel_loop3A_293, %parallel_loop3A_294, %parallel_loop3A_295, %parallel_loop3A_296], %parallel_loop3A_289 {strides = array<i32>} : memref<2x50x2x128xf32, #tpu.memory_space<vmem>>, vector<16xf32>,
      %parallel_loop3A_298 = arith.constant 0 : i32
      %parallel_loop3A_299 = arith.constant 1 : i32
      %parallel_loop3A_300 = arith.index_cast %parallel_loop3A_298 : i32 to index
      %parallel_loop3A_301 = arith.index_cast %parallel_loop3A_280 : i32 to index
      %parallel_loop3A_302 = arith.index_cast %parallel_loop3A_299 : i32 to index
      %parallel_loop3A_303 = arith.constant 0 : index
      %parallel_loop3A_304 = tpu.vector_load %arg10[%parallel_loop3A_300, %parallel_loop3A_301, %parallel_loop3A_302, %parallel_loop3A_303] {strides = array<i32>} : memref<2x50x2x128xf32, #tpu.memory_space<vmem>>, vector<16xf32>,
      tpu.vector_store %arg10[%parallel_loop3A_300, %parallel_loop3A_301, %parallel_loop3A_302, %parallel_loop3A_303], %parallel_loop3A_290 {strides = array<i32>} : memref<2x50x2x128xf32, #tpu.memory_space<vmem>>, vector<16xf32>,
      %parallel_loop3A_305 = arith.index_cast %parallel_loop3A_282 : i32 to index
      %parallel_loop3A_306 = arith.index_cast %parallel_loop3A_284 : i32 to index
      %parallel_loop3A_307 = arith.constant 16 : index
      %parallel_loop3A_308 = tpu.vector_load %arg8[%parallel_loop3A_305, %parallel_loop3A_306, %parallel_loop3A_307] {strides = array<i32>} : memref<7x8x128xi32, #tpu.memory_space<vmem>>, vector<16xi32>,
      %parallel_loop3A_309 = tpu.vector_load_idx %arg6[%parallel_loop3A_308] : memref<1000xf32, #tpu.memory_space<vmem>>[vector<16xi32>], vector<16xf32>,
      %parallel_loop3A_310 = tpu.vector_load_idx %arg7[%parallel_loop3A_308] : memref<1000xf32, #tpu.memory_space<vmem>>[vector<16xi32>], vector<16xf32>,
      %parallel_loop3A_311 = arith.constant 0 : i32
      %parallel_loop3A_312 = arith.constant 0 : i32
      %parallel_loop3A_313 = arith.index_cast %parallel_loop3A_311 : i32 to index
      %parallel_loop3A_314 = arith.index_cast %parallel_loop3A_280 : i32 to index
      %parallel_loop3A_315 = arith.index_cast %parallel_loop3A_312 : i32 to index
      %parallel_loop3A_316 = arith.constant 16 : index
      %parallel_loop3A_317 = tpu.vector_load %arg10[%parallel_loop3A_313, %parallel_loop3A_314, %parallel_loop3A_315, %parallel_loop3A_316] {strides = array<i32>} : memref<2x50x2x128xf32, #tpu.memory_space<vmem>>, vector<16xf32>,
      tpu.vector_store %arg10[%parallel_loop3A_313, %parallel_loop3A_314, %parallel_loop3A_315, %parallel_loop3A_316], %parallel_loop3A_309 {strides = array<i32>} : memref<2x50x2x128xf32, #tpu.memory_space<vmem>>, vector<16xf32>,
      %parallel_loop3A_318 = arith.constant 0 : i32
      %parallel_loop3A_319 = arith.constant 1 : i32
      %parallel_loop3A_320 = arith.index_cast %parallel_loop3A_318 : i32 to index
      %parallel_loop3A_321 = arith.index_cast %parallel_loop3A_280 : i32 to index
      %parallel_loop3A_322 = arith.index_cast %parallel_loop3A_319 : i32 to index
      %parallel_loop3A_323 = arith.constant 16 : index
      %parallel_loop3A_324 = tpu.vector_load %arg10[%parallel_loop3A_320, %parallel_loop3A_321, %parallel_loop3A_322, %parallel_loop3A_323] {strides = array<i32>} : memref<2x50x2x128xf32, #tpu.memory_space<vmem>>, vector<16xf32>,
      tpu.vector_store %arg10[%parallel_loop3A_320, %parallel_loop3A_321, %parallel_loop3A_322, %parallel_loop3A_323], %parallel_loop3A_310 {strides = array<i32>} : memref<2x50x2x128xf32, #tpu.memory_space<vmem>>, vector<16xf32>,
      %parallel_loop3A_325 = arith.index_cast %parallel_loop3A_282 : i32 to index
      %parallel_loop3A_326 = arith.index_cast %parallel_loop3A_284 : i32 to index
      %parallel_loop3A_327 = arith.constant 32 : index
      %parallel_loop3A_328 = tpu.vector_load %arg8[%parallel_loop3A_325, %parallel_loop3A_326, %parallel_loop3A_327] {strides = array<i32>} : memref<7x8x128xi32, #tpu.memory_space<vmem>>, vector<16xi32>,
      %parallel_loop3A_329 = tpu.vector_load_idx %arg6[%parallel_loop3A_328] : memref<1000xf32, #tpu.memory_space<vmem>>[vector<16xi32>], vector<16xf32>,
      %parallel_loop3A_330 = tpu.vector_load_idx %arg7[%parallel_loop3A_328] : memref<1000xf32, #tpu.memory_space<vmem>>[vector<16xi32>], vector<16xf32>,
      %parallel_loop3A_331 = arith.constant 0 : i32
      %parallel_loop3A_332 = arith.constant 0 : i32
      %parallel_loop3A_333 = arith.index_cast %parallel_loop3A_331 : i32 to index
      %parallel_loop3A_334 = arith.index_cast %parallel_loop3A_280 : i32 to index
      %parallel_loop3A_335 = arith.index_cast %parallel_loop3A_332 : i32 to index
      %parallel_loop3A_336 = arith.constant 32 : index
      %parallel_loop3A_337 = tpu.vector_load %arg10[%parallel_loop3A_333, %parallel_loop3A_334, %parallel_loop3A_335, %parallel_loop3A_336] {strides = array<i32>} : memref<2x50x2x128xf32, #tpu.memory_space<vmem>>, vector<16xf32>,
      tpu.vector_store %arg10[%parallel_loop3A_333, %parallel_loop3A_334, %parallel_loop3A_335, %parallel_loop3A_336], %parallel_loop3A_329 {strides = array<i32>} : memref<2x50x2x128xf32, #tpu.memory_space<vmem>>, vector<16xf32>,
      %parallel_loop3A_338 = arith.constant 0 : i32
      %parallel_loop3A_339 = arith.constant 1 : i32
      %parallel_loop3A_340 = arith.index_cast %parallel_loop3A_338 : i32 to index
      %parallel_loop3A_341 = arith.index_cast %parallel_loop3A_280 : i32 to index
      %parallel_loop3A_342 = arith.index_cast %parallel_loop3A_339 : i32 to index
      %parallel_loop3A_343 = arith.constant 32 : index
      %parallel_loop3A_344 = tpu.vector_load %arg10[%parallel_loop3A_340, %parallel_loop3A_341, %parallel_loop3A_342, %parallel_loop3A_343] {strides = array<i32>} : memref<2x50x2x128xf32, #tpu.memory_space<vmem>>, vector<16xf32>,
      tpu.vector_store %arg10[%parallel_loop3A_340, %parallel_loop3A_341, %parallel_loop3A_342, %parallel_loop3A_343], %parallel_loop3A_330 {strides = array<i32>} : memref<2x50x2x128xf32, #tpu.memory_space<vmem>>, vector<16xf32>,
      %parallel_loop3A_345 = arith.index_cast %parallel_loop3A_282 : i32 to index
      %parallel_loop3A_346 = arith.index_cast %parallel_loop3A_284 : i32 to index
      %parallel_loop3A_347 = arith.constant 48 : index
      %parallel_loop3A_348 = tpu.vector_load %arg8[%parallel_loop3A_345, %parallel_loop3A_346, %parallel_loop3A_347] {strides = array<i32>} : memref<7x8x128xi32, #tpu.memory_space<vmem>>, vector<16xi32>,
      %parallel_loop3A_349 = tpu.vector_load_idx %arg6[%parallel_loop3A_348] : memref<1000xf32, #tpu.memory_space<vmem>>[vector<16xi32>], vector<16xf32>,
      %parallel_loop3A_350 = tpu.vector_load_idx %arg7[%parallel_loop3A_348] : memref<1000xf32, #tpu.memory_space<vmem>>[vector<16xi32>], vector<16xf32>,
      %parallel_loop3A_351 = arith.constant 0 : i32
      %parallel_loop3A_352 = arith.constant 0 : i32
      %parallel_loop3A_353 = arith.index_cast %parallel_loop3A_351 : i32 to index
      %parallel_loop3A_354 = arith.index_cast %parallel_loop3A_280 : i32 to index
      %parallel_loop3A_355 = arith.index_cast %parallel_loop3A_352 : i32 to index
      %parallel_loop3A_356 = arith.constant 48 : index
      %parallel_loop3A_357 = tpu.vector_load %arg10[%parallel_loop3A_353, %parallel_loop3A_354, %parallel_loop3A_355, %parallel_loop3A_356] {strides = array<i32>} : memref<2x50x2x128xf32, #tpu.memory_space<vmem>>, vector<16xf32>,
      tpu.vector_store %arg10[%parallel_loop3A_353, %parallel_loop3A_354, %parallel_loop3A_355, %parallel_loop3A_356], %parallel_loop3A_349 {strides = array<i32>} : memref<2x50x2x128xf32, #tpu.memory_space<vmem>>, vector<16xf32>,
      %parallel_loop3A_358 = arith.constant 0 : i32
      %parallel_loop3A_359 = arith.constant 1 : i32
      %parallel_loop3A_360 = arith.index_cast %parallel_loop3A_358 : i32 to index
      %parallel_loop3A_361 = arith.index_cast %parallel_loop3A_280 : i32 to index
      %parallel_loop3A_362 = arith.index_cast %parallel_loop3A_359 : i32 to index
      %parallel_loop3A_363 = arith.constant 48 : index
      %parallel_loop3A_364 = tpu.vector_load %arg10[%parallel_loop3A_360, %parallel_loop3A_361, %parallel_loop3A_362, %parallel_loop3A_363] {strides = array<i32>} : memref<2x50x2x128xf32, #tpu.memory_space<vmem>>, vector<16xf32>,
      tpu.vector_store %arg10[%parallel_loop3A_360, %parallel_loop3A_361, %parallel_loop3A_362, %parallel_loop3A_363], %parallel_loop3A_350 {strides = array<i32>} : memref<2x50x2x128xf32, #tpu.memory_space<vmem>>, vector<16xf32>,
      %parallel_loop3A_365 = arith.index_cast %parallel_loop3A_282 : i32 to index
      %parallel_loop3A_366 = arith.index_cast %parallel_loop3A_284 : i32 to index
      %parallel_loop3A_367 = arith.constant 64 : index
      %parallel_loop3A_368 = tpu.vector_load %arg8[%parallel_loop3A_365, %parallel_loop3A_366, %parallel_loop3A_367] {strides = array<i32>} : memref<7x8x128xi32, #tpu.memory_space<vmem>>, vector<16xi32>,
      %parallel_loop3A_369 = tpu.vector_load_idx %arg6[%parallel_loop3A_368] : memref<1000xf32, #tpu.memory_space<vmem>>[vector<16xi32>], vector<16xf32>,
      %parallel_loop3A_370 = tpu.vector_load_idx %arg7[%parallel_loop3A_368] : memref<1000xf32, #tpu.memory_space<vmem>>[vector<16xi32>], vector<16xf32>,
      %parallel_loop3A_371 = arith.constant 0 : i32
      %parallel_loop3A_372 = arith.constant 0 : i32
      %parallel_loop3A_373 = arith.index_cast %parallel_loop3A_371 : i32 to index
      %parallel_loop3A_374 = arith.index_cast %parallel_loop3A_280 : i32 to index
      %parallel_loop3A_375 = arith.index_cast %parallel_loop3A_372 : i32 to index
      %parallel_loop3A_376 = arith.constant 64 : index
      %parallel_loop3A_377 = tpu.vector_load %arg10[%parallel_loop3A_373, %parallel_loop3A_374, %parallel_loop3A_375, %parallel_loop3A_376] {strides = array<i32>} : memref<2x50x2x128xf32, #tpu.memory_space<vmem>>, vector<16xf32>,
      tpu.vector_store %arg10[%parallel_loop3A_373, %parallel_loop3A_374, %parallel_loop3A_375, %parallel_loop3A_376], %parallel_loop3A_369 {strides = array<i32>} : memref<2x50x2x128xf32, #tpu.memory_space<vmem>>, vector<16xf32>,
      %parallel_loop3A_378 = arith.constant 0 : i32
      %parallel_loop3A_379 = arith.constant 1 : i32
      %parallel_loop3A_380 = arith.index_cast %parallel_loop3A_378 : i32 to index
      %parallel_loop3A_381 = arith.index_cast %parallel_loop3A_280 : i32 to index
      %parallel_loop3A_382 = arith.index_cast %parallel_loop3A_379 : i32 to index
      %parallel_loop3A_383 = arith.constant 64 : index
      %parallel_loop3A_384 = tpu.vector_load %arg10[%parallel_loop3A_380, %parallel_loop3A_381, %parallel_loop3A_382, %parallel_loop3A_383] {strides = array<i32>} : memref<2x50x2x128xf32, #tpu.memory_space<vmem>>, vector<16xf32>,
      tpu.vector_store %arg10[%parallel_loop3A_380, %parallel_loop3A_381, %parallel_loop3A_382, %parallel_loop3A_383], %parallel_loop3A_370 {strides = array<i32>} : memref<2x50x2x128xf32, #tpu.memory_space<vmem>>, vector<16xf32>,
      %parallel_loop3A_385 = arith.index_cast %parallel_loop3A_282 : i32 to index
      %parallel_loop3A_386 = arith.index_cast %parallel_loop3A_284 : i32 to index
      %parallel_loop3A_387 = arith.constant 80 : index
      %parallel_loop3A_388 = tpu.vector_load %arg8[%parallel_loop3A_385, %parallel_loop3A_386, %parallel_loop3A_387] {strides = array<i32>} : memref<7x8x128xi32, #tpu.memory_space<vmem>>, vector<16xi32>,
      %parallel_loop3A_389 = tpu.vector_load_idx %arg6[%parallel_loop3A_388] : memref<1000xf32, #tpu.memory_space<vmem>>[vector<16xi32>], vector<16xf32>,
      %parallel_loop3A_390 = tpu.vector_load_idx %arg7[%parallel_loop3A_388] : memref<1000xf32, #tpu.memory_space<vmem>>[vector<16xi32>], vector<16xf32>,
      %parallel_loop3A_391 = arith.constant 0 : i32
      %parallel_loop3A_392 = arith.constant 0 : i32
      %parallel_loop3A_393 = arith.index_cast %parallel_loop3A_391 : i32 to index
      %parallel_loop3A_394 = arith.index_cast %parallel_loop3A_280 : i32 to index
      %parallel_loop3A_395 = arith.index_cast %parallel_loop3A_392 : i32 to index
      %parallel_loop3A_396 = arith.constant 80 : index
      %parallel_loop3A_397 = tpu.vector_load %arg10[%parallel_loop3A_393, %parallel_loop3A_394, %parallel_loop3A_395, %parallel_loop3A_396] {strides = array<i32>} : memref<2x50x2x128xf32, #tpu.memory_space<vmem>>, vector<16xf32>,
      tpu.vector_store %arg10[%parallel_loop3A_393, %parallel_loop3A_394, %parallel_loop3A_395, %parallel_loop3A_396], %parallel_loop3A_389 {strides = array<i32>} : memref<2x50x2x128xf32, #tpu.memory_space<vmem>>, vector<16xf32>,
      %parallel_loop3A_398 = arith.constant 0 : i32
      %parallel_loop3A_399 = arith.constant 1 : i32
      %parallel_loop3A_400 = arith.index_cast %parallel_loop3A_398 : i32 to index
      %parallel_loop3A_401 = arith.index_cast %parallel_loop3A_280 : i32 to index
      %parallel_loop3A_402 = arith.index_cast %parallel_loop3A_399 : i32 to index
      %parallel_loop3A_403 = arith.constant 80 : index
      %parallel_loop3A_404 = tpu.vector_load %arg10[%parallel_loop3A_400, %parallel_loop3A_401, %parallel_loop3A_402, %parallel_loop3A_403] {strides = array<i32>} : memref<2x50x2x128xf32, #tpu.memory_space<vmem>>, vector<16xf32>,
      tpu.vector_store %arg10[%parallel_loop3A_400, %parallel_loop3A_401, %parallel_loop3A_402, %parallel_loop3A_403], %parallel_loop3A_390 {strides = array<i32>} : memref<2x50x2x128xf32, #tpu.memory_space<vmem>>, vector<16xf32>,
      %parallel_loop3A_405 = arith.index_cast %parallel_loop3A_282 : i32 to index
      %parallel_loop3A_406 = arith.index_cast %parallel_loop3A_284 : i32 to index
      %parallel_loop3A_407 = arith.constant 96 : index
      %parallel_loop3A_408 = tpu.vector_load %arg8[%parallel_loop3A_405, %parallel_loop3A_406, %parallel_loop3A_407] {strides = array<i32>} : memref<7x8x128xi32, #tpu.memory_space<vmem>>, vector<16xi32>,
      %parallel_loop3A_409 = tpu.vector_load_idx %arg6[%parallel_loop3A_408] : memref<1000xf32, #tpu.memory_space<vmem>>[vector<16xi32>], vector<16xf32>,
      %parallel_loop3A_410 = tpu.vector_load_idx %arg7[%parallel_loop3A_408] : memref<1000xf32, #tpu.memory_space<vmem>>[vector<16xi32>], vector<16xf32>,
      %parallel_loop3A_411 = arith.constant 0 : i32
      %parallel_loop3A_412 = arith.constant 0 : i32
      %parallel_loop3A_413 = arith.index_cast %parallel_loop3A_411 : i32 to index
      %parallel_loop3A_414 = arith.index_cast %parallel_loop3A_280 : i32 to index
      %parallel_loop3A_415 = arith.index_cast %parallel_loop3A_412 : i32 to index
      %parallel_loop3A_416 = arith.constant 96 : index
      %parallel_loop3A_417 = tpu.vector_load %arg10[%parallel_loop3A_413, %parallel_loop3A_414, %parallel_loop3A_415, %parallel_loop3A_416] {strides = array<i32>} : memref<2x50x2x128xf32, #tpu.memory_space<vmem>>, vector<16xf32>,
      tpu.vector_store %arg10[%parallel_loop3A_413, %parallel_loop3A_414, %parallel_loop3A_415, %parallel_loop3A_416], %parallel_loop3A_409 {strides = array<i32>} : memref<2x50x2x128xf32, #tpu.memory_space<vmem>>, vector<16xf32>,
      %parallel_loop3A_418 = arith.constant 0 : i32
      %parallel_loop3A_419 = arith.constant 1 : i32
      %parallel_loop3A_420 = arith.index_cast %parallel_loop3A_418 : i32 to index
      %parallel_loop3A_421 = arith.index_cast %parallel_loop3A_280 : i32 to index
      %parallel_loop3A_422 = arith.index_cast %parallel_loop3A_419 : i32 to index
      %parallel_loop3A_423 = arith.constant 96 : index
      %parallel_loop3A_424 = tpu.vector_load %arg10[%parallel_loop3A_420, %parallel_loop3A_421, %parallel_loop3A_422, %parallel_loop3A_423] {strides = array<i32>} : memref<2x50x2x128xf32, #tpu.memory_space<vmem>>, vector<16xf32>,
      tpu.vector_store %arg10[%parallel_loop3A_420, %parallel_loop3A_421, %parallel_loop3A_422, %parallel_loop3A_423], %parallel_loop3A_410 {strides = array<i32>} : memref<2x50x2x128xf32, #tpu.memory_space<vmem>>, vector<16xf32>,
      %parallel_loop3A_425 = arith.index_cast %parallel_loop3A_282 : i32 to index
      %parallel_loop3A_426 = arith.index_cast %parallel_loop3A_284 : i32 to index
      %parallel_loop3A_427 = arith.constant 112 : index
      %parallel_loop3A_428 = tpu.vector_load %arg8[%parallel_loop3A_425, %parallel_loop3A_426, %parallel_loop3A_427] {strides = array<i32>} : memref<7x8x128xi32, #tpu.memory_space<vmem>>, vector<16xi32>,
      %parallel_loop3A_429 = tpu.vector_load_idx %arg6[%parallel_loop3A_428] : memref<1000xf32, #tpu.memory_space<vmem>>[vector<16xi32>], vector<16xf32>,
      %parallel_loop3A_430 = tpu.vector_load_idx %arg7[%parallel_loop3A_428] : memref<1000xf32, #tpu.memory_space<vmem>>[vector<16xi32>], vector<16xf32>,
      %parallel_loop3A_431 = arith.constant 0 : i32
      %parallel_loop3A_432 = arith.constant 0 : i32
      %parallel_loop3A_433 = arith.index_cast %parallel_loop3A_431 : i32 to index
      %parallel_loop3A_434 = arith.index_cast %parallel_loop3A_280 : i32 to index
      %parallel_loop3A_435 = arith.index_cast %parallel_loop3A_432 : i32 to index
      %parallel_loop3A_436 = arith.constant 112 : index
      %parallel_loop3A_437 = tpu.vector_load %arg10[%parallel_loop3A_433, %parallel_loop3A_434, %parallel_loop3A_435, %parallel_loop3A_436] {strides = array<i32>} : memref<2x50x2x128xf32, #tpu.memory_space<vmem>>, vector<16xf32>,
      tpu.vector_store %arg10[%parallel_loop3A_433, %parallel_loop3A_434, %parallel_loop3A_435, %parallel_loop3A_436], %parallel_loop3A_429 {strides = array<i32>} : memref<2x50x2x128xf32, #tpu.memory_space<vmem>>, vector<16xf32>,
      %parallel_loop3A_438 = arith.constant 0 : i32
      %parallel_loop3A_439 = arith.constant 1 : i32
      %parallel_loop3A_440 = arith.index_cast %parallel_loop3A_438 : i32 to index
      %parallel_loop3A_441 = arith.index_cast %parallel_loop3A_280 : i32 to index
      %parallel_loop3A_442 = arith.index_cast %parallel_loop3A_439 : i32 to index
      %parallel_loop3A_443 = arith.constant 112 : index
      %parallel_loop3A_444 = tpu.vector_load %arg10[%parallel_loop3A_440, %parallel_loop3A_441, %parallel_loop3A_442, %parallel_loop3A_443] {strides = array<i32>} : memref<2x50x2x128xf32, #tpu.memory_space<vmem>>, vector<16xf32>,
      tpu.vector_store %arg10[%parallel_loop3A_440, %parallel_loop3A_441, %parallel_loop3A_442, %parallel_loop3A_443], %parallel_loop3A_430 {strides = array<i32>} : memref<2x50x2x128xf32, #tpu.memory_space<vmem>>, vector<16xf32>,
    } {sc.loop_unroll_factor = 2 : i64, sc.parallel_access}
    %add3A_37 = arith.constant 0 : i32
    %add3A_38 = arith.addi %mul3A_2, %add3A_37 : i32
    %dma_start3A_39 = arith.constant 0 : i32
    %dma_start3A_40 = arith.constant 0 : i32
    %dma_start3A_41 = arith.constant 0 : i32
    %dma_start3A_42 = arith.constant 0 : i32
    %dma_start3A_43 = tpu.memref_slice %arg10[%dma_start3A_39, %dma_start3A_40, %dma_start3A_41, %dma_start3A_42] : memref<2x50x2x128xf32, #tpu.memory_space<vmem>> -> memref<1x50x2x128xf32, #tpu.memory_space<vmem>>
    %dma_start3A_44 = tpu.memref_squeeze %dma_start3A_43 : memref<1x50x2x128xf32, #tpu.memory_space<vmem>> -> memref<50x2x128xf32, #tpu.memory_space<vmem>>
    %dma_start3A_45 = arith.constant 0 : i32
    %dma_start3A_46 = arith.constant 0 : i32
    %dma_start3A_47 = arith.constant 0 : i32
    %dma_start3A_48 = tpu.memref_slice %arg5[%dma_start3A_45, %add3A_38, %dma_start3A_46, %dma_start3A_47] : memref<50x128x2x128xf32, #tpu.memory_space<hbm>> -> memref<50x1x2x128xf32, #tpu.memory_space<hbm>>
    %dma_start3A_49 = tpu.memref_squeeze %dma_start3A_48 : memref<50x1x2x128xf32, #tpu.memory_space<hbm>> -> memref<50x2x128xf32, #tpu.memory_space<hbm>>
    %dma_start3A_50 = arith.constant 0 : i32
    %dma_start3A_51 = arith.constant 0 : i32
    %dma_start3A_52 = arith.constant 0 : i32
    %dma_start3A_53 = tpu.memref_slice %arg5[%dma_start3A_50, %add3A_38, %dma_start3A_51, %dma_start3A_52] : memref<50x128x2x128xf32, #tpu.memory_space<hbm>> -> memref<50x1x2x128xf32, #tpu.memory_space<hbm>>
    %dma_start3A_54 = tpu.memref_squeeze %dma_start3A_53 : memref<50x1x2x128xf32, #tpu.memory_space<hbm>> -> memref<50x2x128xf32, #tpu.memory_space<hbm>>
    %dma_start3A_55 = arith.constant 0 : i32
    %dma_start3A_56 = arith.constant 0 : i32
    %dma_start3A_57 = arith.constant 0 : i32
    %dma_start3A_58 = tpu.memref_slice %arg10[%dma_start3A_39, %dma_start3A_55, %dma_start3A_56, %dma_start3A_57] : memref<2x50x2x128xf32, #tpu.memory_space<vmem>> -> memref<1x50x2x128xf32, #tpu.memory_space<vmem>>
    %dma_start3A_59 = tpu.memref_squeeze %dma_start3A_58 : memref<1x50x2x128xf32, #tpu.memory_space<vmem>> -> memref<50x2x128xf32, #tpu.memory_space<vmem>>
    tpu.enqueue_dma source(%dma_start3A_59 : memref<50x2x128xf32, #tpu.memory_space<vmem>>) target(%dma_start3A_54 : memref<50x2x128xf32, #tpu.memory_space<hbm>>) target_semaphore(%arg13 : memref<!tpu.dma_semaphore, #tpu.memory_space<semaphore_mem>>)
    %add3A_60 = arith.constant 1 : i32
    %add3A_61 = arith.addi %mul3A_2, %add3A_60 : i32
    %add3A_62 = arith.constant 1 : i32
    %add3A_63 = arith.addi %add3A_61, %add3A_62 : i32
    %dma_start3A_64 = arith.constant 0 : i32
    %dma_start3A_65 = arith.constant 0 : i32
    %dma_start3A_66 = arith.constant 0 : i32
    %dma_start3A_67 = tpu.memref_slice %arg4[%dma_start3A_64, %add3A_63, %dma_start3A_65, %dma_start3A_66] : memref<7x128x8x128xi32, #tpu.memory_space<hbm>> -> memref<7x1x8x128xi32, #tpu.memory_space<hbm>>
    %dma_start3A_68 = tpu.memref_squeeze %dma_start3A_67 : memref<7x1x8x128xi32, #tpu.memory_space<hbm>> -> memref<7x8x128xi32, #tpu.memory_space<hbm>>
    %dma_start3A_69 = arith.constant 0 : i32
    %dma_start3A_70 = arith.constant 0 : i32
    %dma_start3A_71 = arith.constant 0 : i32
    %dma_start3A_72 = tpu.memref_slice %arg4[%dma_start3A_69, %add3A_63, %dma_start3A_70, %dma_start3A_71] : memref<7x128x8x128xi32, #tpu.memory_space<hbm>> -> memref<7x1x8x128xi32, #tpu.memory_space<hbm>>
    %dma_start3A_73 = tpu.memref_squeeze %dma_start3A_72 : memref<7x1x8x128xi32, #tpu.memory_space<hbm>> -> memref<7x8x128xi32, #tpu.memory_space<hbm>>
    tpu.enqueue_dma source(%dma_start3A_73 : memref<7x8x128xi32, #tpu.memory_space<hbm>>) target(%arg8 : memref<7x8x128xi32, #tpu.memory_space<vmem>>) target_semaphore(%arg11 : memref<!tpu.dma_semaphore, #tpu.memory_space<semaphore_mem>>)
    %dma_wait3A_74 = arith.constant 0 : i32
    %dma_wait3A_75 = arith.constant 0 : i32
    %dma_wait3A_76 = arith.constant 0 : i32
    %dma_wait3A_77 = tpu.memref_slice %arg4[%dma_wait3A_74, %add3A_15, %dma_wait3A_75, %dma_wait3A_76] : memref<7x128x8x128xi32, #tpu.memory_space<hbm>> -> memref<7x1x8x128xi32, #tpu.memory_space<hbm>>
    %dma_wait3A_78 = tpu.memref_squeeze %dma_wait3A_77 : memref<7x1x8x128xi32, #tpu.memory_space<hbm>> -> memref<7x8x128xi32, #tpu.memory_space<hbm>>
    %dma_wait3A_79 = arith.constant 0 : i32
    %dma_wait3A_80 = arith.constant 0 : i32
    %dma_wait3A_81 = arith.constant 0 : i32
    %dma_wait3A_82 = tpu.memref_slice %arg4[%dma_wait3A_79, %add3A_15, %dma_wait3A_80, %dma_wait3A_81] : memref<7x128x8x128xi32, #tpu.memory_space<hbm>> -> memref<7x1x8x128xi32, #tpu.memory_space<hbm>>
    %dma_wait3A_83 = tpu.memref_squeeze %dma_wait3A_82 : memref<7x1x8x128xi32, #tpu.memory_space<hbm>> -> memref<7x8x128xi32, #tpu.memory_space<hbm>>
    tpu.wait_dma2 semaphore(%arg12 : memref<!tpu.dma_semaphore, #tpu.memory_space<semaphore_mem>>) src(%dma_wait3A_83 : memref<7x8x128xi32, #tpu.memory_space<hbm>>) dst(%arg9 : memref<7x8x128xi32, #tpu.memory_space<vmem>>)
    %parallel_loop3A_84 = arith.constant 0 : i32
    %parallel_loop3A_85 = arith.constant 50 : i32
    %parallel_loop3A_86 = arith.constant 1 : i32
    scf.for %parallel_loop3A_280 = %parallel_loop3A_84 to %parallel_loop3A_85 step %parallel_loop3A_86  : i32 {
      %parallel_loop3A_281 = arith.constant 3 : i32
      %parallel_loop3A_282 = arith.shrsi %parallel_loop3A_280, %parallel_loop3A_281 : i32
      %parallel_loop3A_283 = arith.constant 7 : i32
      %parallel_loop3A_284 = arith.andi %parallel_loop3A_280, %parallel_loop3A_283 : i32
      %parallel_loop3A_285 = arith.index_cast %parallel_loop3A_282 : i32 to index
      %parallel_loop3A_286 = arith.index_cast %parallel_loop3A_284 : i32 to index
      %parallel_loop3A_287 = arith.constant 0 : index
      %parallel_loop3A_288 = tpu.vector_load %arg9[%parallel_loop3A_285, %parallel_loop3A_286, %parallel_loop3A_287] {strides = array<i32>} : memref<7x8x128xi32, #tpu.memory_space<vmem>>, vector<16xi32>,
      %parallel_loop3A_289 = tpu.vector_load_idx %arg6[%parallel_loop3A_288] : memref<1000xf32, #tpu.memory_space<vmem>>[vector<16xi32>], vector<16xf32>,
      %parallel_loop3A_290 = tpu.vector_load_idx %arg7[%parallel_loop3A_288] : memref<1000xf32, #tpu.memory_space<vmem>>[vector<16xi32>], vector<16xf32>,
      %parallel_loop3A_291 = arith.constant 1 : i32
      %parallel_loop3A_292 = arith.constant 0 : i32
      %parallel_loop3A_293 = arith.index_cast %parallel_loop3A_291 : i32 to index
      %parallel_loop3A_294 = arith.index_cast %parallel_loop3A_280 : i32 to index
      %parallel_loop3A_295 = arith.index_cast %parallel_loop3A_292 : i32 to index
      %parallel_loop3A_296 = arith.constant 0 : index
      %parallel_loop3A_297 = tpu.vector_load %arg10[%parallel_loop3A_293, %parallel_loop3A_294, %parallel_loop3A_295, %parallel_loop3A_296] {strides = array<i32>} : memref<2x50x2x128xf32, #tpu.memory_space<vmem>>, vector<16xf32>,
      tpu.vector_store %arg10[%parallel_loop3A_293, %parallel_loop3A_294, %parallel_loop3A_295, %parallel_loop3A_296], %parallel_loop3A_289 {strides = array<i32>} : memref<2x50x2x128xf32, #tpu.memory_space<vmem>>, vector<16xf32>,
      %parallel_loop3A_298 = arith.constant 1 : i32
      %parallel_loop3A_299 = arith.constant 1 : i32
      %parallel_loop3A_300 = arith.index_cast %parallel_loop3A_298 : i32 to index
      %parallel_loop3A_301 = arith.index_cast %parallel_loop3A_280 : i32 to index
      %parallel_loop3A_302 = arith.index_cast %parallel_loop3A_299 : i32 to index
      %parallel_loop3A_303 = arith.constant 0 : index
      %parallel_loop3A_304 = tpu.vector_load %arg10[%parallel_loop3A_300, %parallel_loop3A_301, %parallel_loop3A_302, %parallel_loop3A_303] {strides = array<i32>} : memref<2x50x2x128xf32, #tpu.memory_space<vmem>>, vector<16xf32>,
      tpu.vector_store %arg10[%parallel_loop3A_300, %parallel_loop3A_301, %parallel_loop3A_302, %parallel_loop3A_303], %parallel_loop3A_290 {strides = array<i32>} : memref<2x50x2x128xf32, #tpu.memory_space<vmem>>, vector<16xf32>,
      %parallel_loop3A_305 = arith.index_cast %parallel_loop3A_282 : i32 to index
      %parallel_loop3A_306 = arith.index_cast %parallel_loop3A_284 : i32 to index
      %parallel_loop3A_307 = arith.constant 16 : index
      %parallel_loop3A_308 = tpu.vector_load %arg9[%parallel_loop3A_305, %parallel_loop3A_306, %parallel_loop3A_307] {strides = array<i32>} : memref<7x8x128xi32, #tpu.memory_space<vmem>>, vector<16xi32>,
      %parallel_loop3A_309 = tpu.vector_load_idx %arg6[%parallel_loop3A_308] : memref<1000xf32, #tpu.memory_space<vmem>>[vector<16xi32>], vector<16xf32>,
      %parallel_loop3A_310 = tpu.vector_load_idx %arg7[%parallel_loop3A_308] : memref<1000xf32, #tpu.memory_space<vmem>>[vector<16xi32>], vector<16xf32>,
      %parallel_loop3A_311 = arith.constant 1 : i32
      %parallel_loop3A_312 = arith.constant 0 : i32
      %parallel_loop3A_313 = arith.index_cast %parallel_loop3A_311 : i32 to index
      %parallel_loop3A_314 = arith.index_cast %parallel_loop3A_280 : i32 to index
      %parallel_loop3A_315 = arith.index_cast %parallel_loop3A_312 : i32 to index
      %parallel_loop3A_316 = arith.constant 16 : index
      %parallel_loop3A_317 = tpu.vector_load %arg10[%parallel_loop3A_313, %parallel_loop3A_314, %parallel_loop3A_315, %parallel_loop3A_316] {strides = array<i32>} : memref<2x50x2x128xf32, #tpu.memory_space<vmem>>, vector<16xf32>,
      tpu.vector_store %arg10[%parallel_loop3A_313, %parallel_loop3A_314, %parallel_loop3A_315, %parallel_loop3A_316], %parallel_loop3A_309 {strides = array<i32>} : memref<2x50x2x128xf32, #tpu.memory_space<vmem>>, vector<16xf32>,
      %parallel_loop3A_318 = arith.constant 1 : i32
      %parallel_loop3A_319 = arith.constant 1 : i32
      %parallel_loop3A_320 = arith.index_cast %parallel_loop3A_318 : i32 to index
      %parallel_loop3A_321 = arith.index_cast %parallel_loop3A_280 : i32 to index
      %parallel_loop3A_322 = arith.index_cast %parallel_loop3A_319 : i32 to index
      %parallel_loop3A_323 = arith.constant 16 : index
      %parallel_loop3A_324 = tpu.vector_load %arg10[%parallel_loop3A_320, %parallel_loop3A_321, %parallel_loop3A_322, %parallel_loop3A_323] {strides = array<i32>} : memref<2x50x2x128xf32, #tpu.memory_space<vmem>>, vector<16xf32>,
      tpu.vector_store %arg10[%parallel_loop3A_320, %parallel_loop3A_321, %parallel_loop3A_322, %parallel_loop3A_323], %parallel_loop3A_310 {strides = array<i32>} : memref<2x50x2x128xf32, #tpu.memory_space<vmem>>, vector<16xf32>,
      %parallel_loop3A_325 = arith.index_cast %parallel_loop3A_282 : i32 to index
      %parallel_loop3A_326 = arith.index_cast %parallel_loop3A_284 : i32 to index
      %parallel_loop3A_327 = arith.constant 32 : index
      %parallel_loop3A_328 = tpu.vector_load %arg9[%parallel_loop3A_325, %parallel_loop3A_326, %parallel_loop3A_327] {strides = array<i32>} : memref<7x8x128xi32, #tpu.memory_space<vmem>>, vector<16xi32>,
      %parallel_loop3A_329 = tpu.vector_load_idx %arg6[%parallel_loop3A_328] : memref<1000xf32, #tpu.memory_space<vmem>>[vector<16xi32>], vector<16xf32>,
      %parallel_loop3A_330 = tpu.vector_load_idx %arg7[%parallel_loop3A_328] : memref<1000xf32, #tpu.memory_space<vmem>>[vector<16xi32>], vector<16xf32>,
      %parallel_loop3A_331 = arith.constant 1 : i32
      %parallel_loop3A_332 = arith.constant 0 : i32
      %parallel_loop3A_333 = arith.index_cast %parallel_loop3A_331 : i32 to index
      %parallel_loop3A_334 = arith.index_cast %parallel_loop3A_280 : i32 to index
      %parallel_loop3A_335 = arith.index_cast %parallel_loop3A_332 : i32 to index
      %parallel_loop3A_336 = arith.constant 32 : index
      %parallel_loop3A_337 = tpu.vector_load %arg10[%parallel_loop3A_333, %parallel_loop3A_334, %parallel_loop3A_335, %parallel_loop3A_336] {strides = array<i32>} : memref<2x50x2x128xf32, #tpu.memory_space<vmem>>, vector<16xf32>,
      tpu.vector_store %arg10[%parallel_loop3A_333, %parallel_loop3A_334, %parallel_loop3A_335, %parallel_loop3A_336], %parallel_loop3A_329 {strides = array<i32>} : memref<2x50x2x128xf32, #tpu.memory_space<vmem>>, vector<16xf32>,
      %parallel_loop3A_338 = arith.constant 1 : i32
      %parallel_loop3A_339 = arith.constant 1 : i32
      %parallel_loop3A_340 = arith.index_cast %parallel_loop3A_338 : i32 to index
      %parallel_loop3A_341 = arith.index_cast %parallel_loop3A_280 : i32 to index
      %parallel_loop3A_342 = arith.index_cast %parallel_loop3A_339 : i32 to index
      %parallel_loop3A_343 = arith.constant 32 : index
      %parallel_loop3A_344 = tpu.vector_load %arg10[%parallel_loop3A_340, %parallel_loop3A_341, %parallel_loop3A_342, %parallel_loop3A_343] {strides = array<i32>} : memref<2x50x2x128xf32, #tpu.memory_space<vmem>>, vector<16xf32>,
      tpu.vector_store %arg10[%parallel_loop3A_340, %parallel_loop3A_341, %parallel_loop3A_342, %parallel_loop3A_343], %parallel_loop3A_330 {strides = array<i32>} : memref<2x50x2x128xf32, #tpu.memory_space<vmem>>, vector<16xf32>,
      %parallel_loop3A_345 = arith.index_cast %parallel_loop3A_282 : i32 to index
      %parallel_loop3A_346 = arith.index_cast %parallel_loop3A_284 : i32 to index
      %parallel_loop3A_347 = arith.constant 48 : index
      %parallel_loop3A_348 = tpu.vector_load %arg9[%parallel_loop3A_345, %parallel_loop3A_346, %parallel_loop3A_347] {strides = array<i32>} : memref<7x8x128xi32, #tpu.memory_space<vmem>>, vector<16xi32>,
      %parallel_loop3A_349 = tpu.vector_load_idx %arg6[%parallel_loop3A_348] : memref<1000xf32, #tpu.memory_space<vmem>>[vector<16xi32>], vector<16xf32>,
      %parallel_loop3A_350 = tpu.vector_load_idx %arg7[%parallel_loop3A_348] : memref<1000xf32, #tpu.memory_space<vmem>>[vector<16xi32>], vector<16xf32>,
      %parallel_loop3A_351 = arith.constant 1 : i32
      %parallel_loop3A_352 = arith.constant 0 : i32
      %parallel_loop3A_353 = arith.index_cast %parallel_loop3A_351 : i32 to index
      %parallel_loop3A_354 = arith.index_cast %parallel_loop3A_280 : i32 to index
      %parallel_loop3A_355 = arith.index_cast %parallel_loop3A_352 : i32 to index
      %parallel_loop3A_356 = arith.constant 48 : index
      %parallel_loop3A_357 = tpu.vector_load %arg10[%parallel_loop3A_353, %parallel_loop3A_354, %parallel_loop3A_355, %parallel_loop3A_356] {strides = array<i32>} : memref<2x50x2x128xf32, #tpu.memory_space<vmem>>, vector<16xf32>,
      tpu.vector_store %arg10[%parallel_loop3A_353, %parallel_loop3A_354, %parallel_loop3A_355, %parallel_loop3A_356], %parallel_loop3A_349 {strides = array<i32>} : memref<2x50x2x128xf32, #tpu.memory_space<vmem>>, vector<16xf32>,
      %parallel_loop3A_358 = arith.constant 1 : i32
      %parallel_loop3A_359 = arith.constant 1 : i32
      %parallel_loop3A_360 = arith.index_cast %parallel_loop3A_358 : i32 to index
      %parallel_loop3A_361 = arith.index_cast %parallel_loop3A_280 : i32 to index
      %parallel_loop3A_362 = arith.index_cast %parallel_loop3A_359 : i32 to index
      %parallel_loop3A_363 = arith.constant 48 : index
      %parallel_loop3A_364 = tpu.vector_load %arg10[%parallel_loop3A_360, %parallel_loop3A_361, %parallel_loop3A_362, %parallel_loop3A_363] {strides = array<i32>} : memref<2x50x2x128xf32, #tpu.memory_space<vmem>>, vector<16xf32>,
      tpu.vector_store %arg10[%parallel_loop3A_360, %parallel_loop3A_361, %parallel_loop3A_362, %parallel_loop3A_363], %parallel_loop3A_350 {strides = array<i32>} : memref<2x50x2x128xf32, #tpu.memory_space<vmem>>, vector<16xf32>,
      %parallel_loop3A_365 = arith.index_cast %parallel_loop3A_282 : i32 to index
      %parallel_loop3A_366 = arith.index_cast %parallel_loop3A_284 : i32 to index
      %parallel_loop3A_367 = arith.constant 64 : index
      %parallel_loop3A_368 = tpu.vector_load %arg9[%parallel_loop3A_365, %parallel_loop3A_366, %parallel_loop3A_367] {strides = array<i32>} : memref<7x8x128xi32, #tpu.memory_space<vmem>>, vector<16xi32>,
      %parallel_loop3A_369 = tpu.vector_load_idx %arg6[%parallel_loop3A_368] : memref<1000xf32, #tpu.memory_space<vmem>>[vector<16xi32>], vector<16xf32>,
      %parallel_loop3A_370 = tpu.vector_load_idx %arg7[%parallel_loop3A_368] : memref<1000xf32, #tpu.memory_space<vmem>>[vector<16xi32>], vector<16xf32>,
      %parallel_loop3A_371 = arith.constant 1 : i32
      %parallel_loop3A_372 = arith.constant 0 : i32
      %parallel_loop3A_373 = arith.index_cast %parallel_loop3A_371 : i32 to index
      %parallel_loop3A_374 = arith.index_cast %parallel_loop3A_280 : i32 to index
      %parallel_loop3A_375 = arith.index_cast %parallel_loop3A_372 : i32 to index
      %parallel_loop3A_376 = arith.constant 64 : index
      %parallel_loop3A_377 = tpu.vector_load %arg10[%parallel_loop3A_373, %parallel_loop3A_374, %parallel_loop3A_375, %parallel_loop3A_376] {strides = array<i32>} : memref<2x50x2x128xf32, #tpu.memory_space<vmem>>, vector<16xf32>,
      tpu.vector_store %arg10[%parallel_loop3A_373, %parallel_loop3A_374, %parallel_loop3A_375, %parallel_loop3A_376], %parallel_loop3A_369 {strides = array<i32>} : memref<2x50x2x128xf32, #tpu.memory_space<vmem>>, vector<16xf32>,
      %parallel_loop3A_378 = arith.constant 1 : i32
      %parallel_loop3A_379 = arith.constant 1 : i32
      %parallel_loop3A_380 = arith.index_cast %parallel_loop3A_378 : i32 to index
      %parallel_loop3A_381 = arith.index_cast %parallel_loop3A_280 : i32 to index
      %parallel_loop3A_382 = arith.index_cast %parallel_loop3A_379 : i32 to index
      %parallel_loop3A_383 = arith.constant 64 : index
      %parallel_loop3A_384 = tpu.vector_load %arg10[%parallel_loop3A_380, %parallel_loop3A_381, %parallel_loop3A_382, %parallel_loop3A_383] {strides = array<i32>} : memref<2x50x2x128xf32, #tpu.memory_space<vmem>>, vector<16xf32>,
      tpu.vector_store %arg10[%parallel_loop3A_380, %parallel_loop3A_381, %parallel_loop3A_382, %parallel_loop3A_383], %parallel_loop3A_370 {strides = array<i32>} : memref<2x50x2x128xf32, #tpu.memory_space<vmem>>, vector<16xf32>,
      %parallel_loop3A_385 = arith.index_cast %parallel_loop3A_282 : i32 to index
      %parallel_loop3A_386 = arith.index_cast %parallel_loop3A_284 : i32 to index
      %parallel_loop3A_387 = arith.constant 80 : index
      %parallel_loop3A_388 = tpu.vector_load %arg9[%parallel_loop3A_385, %parallel_loop3A_386, %parallel_loop3A_387] {strides = array<i32>} : memref<7x8x128xi32, #tpu.memory_space<vmem>>, vector<16xi32>,
      %parallel_loop3A_389 = tpu.vector_load_idx %arg6[%parallel_loop3A_388] : memref<1000xf32, #tpu.memory_space<vmem>>[vector<16xi32>], vector<16xf32>,
      %parallel_loop3A_390 = tpu.vector_load_idx %arg7[%parallel_loop3A_388] : memref<1000xf32, #tpu.memory_space<vmem>>[vector<16xi32>], vector<16xf32>,
      %parallel_loop3A_391 = arith.constant 1 : i32
      %parallel_loop3A_392 = arith.constant 0 : i32
      %parallel_loop3A_393 = arith.index_cast %parallel_loop3A_391 : i32 to index
      %parallel_loop3A_394 = arith.index_cast %parallel_loop3A_280 : i32 to index
      %parallel_loop3A_395 = arith.index_cast %parallel_loop3A_392 : i32 to index
      %parallel_loop3A_396 = arith.constant 80 : index
      %parallel_loop3A_397 = tpu.vector_load %arg10[%parallel_loop3A_393, %parallel_loop3A_394, %parallel_loop3A_395, %parallel_loop3A_396] {strides = array<i32>} : memref<2x50x2x128xf32, #tpu.memory_space<vmem>>, vector<16xf32>,
      tpu.vector_store %arg10[%parallel_loop3A_393, %parallel_loop3A_394, %parallel_loop3A_395, %parallel_loop3A_396], %parallel_loop3A_389 {strides = array<i32>} : memref<2x50x2x128xf32, #tpu.memory_space<vmem>>, vector<16xf32>,
      %parallel_loop3A_398 = arith.constant 1 : i32
      %parallel_loop3A_399 = arith.constant 1 : i32
      %parallel_loop3A_400 = arith.index_cast %parallel_loop3A_398 : i32 to index
      %parallel_loop3A_401 = arith.index_cast %parallel_loop3A_280 : i32 to index
      %parallel_loop3A_402 = arith.index_cast %parallel_loop3A_399 : i32 to index
      %parallel_loop3A_403 = arith.constant 80 : index
      %parallel_loop3A_404 = tpu.vector_load %arg10[%parallel_loop3A_400, %parallel_loop3A_401, %parallel_loop3A_402, %parallel_loop3A_403] {strides = array<i32>} : memref<2x50x2x128xf32, #tpu.memory_space<vmem>>, vector<16xf32>,
      tpu.vector_store %arg10[%parallel_loop3A_400, %parallel_loop3A_401, %parallel_loop3A_402, %parallel_loop3A_403], %parallel_loop3A_390 {strides = array<i32>} : memref<2x50x2x128xf32, #tpu.memory_space<vmem>>, vector<16xf32>,
      %parallel_loop3A_405 = arith.index_cast %parallel_loop3A_282 : i32 to index
      %parallel_loop3A_406 = arith.index_cast %parallel_loop3A_284 : i32 to index
      %parallel_loop3A_407 = arith.constant 96 : index
      %parallel_loop3A_408 = tpu.vector_load %arg9[%parallel_loop3A_405, %parallel_loop3A_406, %parallel_loop3A_407] {strides = array<i32>} : memref<7x8x128xi32, #tpu.memory_space<vmem>>, vector<16xi32>,
      %parallel_loop3A_409 = tpu.vector_load_idx %arg6[%parallel_loop3A_408] : memref<1000xf32, #tpu.memory_space<vmem>>[vector<16xi32>], vector<16xf32>,
      %parallel_loop3A_410 = tpu.vector_load_idx %arg7[%parallel_loop3A_408] : memref<1000xf32, #tpu.memory_space<vmem>>[vector<16xi32>], vector<16xf32>,
      %parallel_loop3A_411 = arith.constant 1 : i32
      %parallel_loop3A_412 = arith.constant 0 : i32
      %parallel_loop3A_413 = arith.index_cast %parallel_loop3A_411 : i32 to index
      %parallel_loop3A_414 = arith.index_cast %parallel_loop3A_280 : i32 to index
      %parallel_loop3A_415 = arith.index_cast %parallel_loop3A_412 : i32 to index
      %parallel_loop3A_416 = arith.constant 96 : index
      %parallel_loop3A_417 = tpu.vector_load %arg10[%parallel_loop3A_413, %parallel_loop3A_414, %parallel_loop3A_415, %parallel_loop3A_416] {strides = array<i32>} : memref<2x50x2x128xf32, #tpu.memory_space<vmem>>, vector<16xf32>,
      tpu.vector_store %arg10[%parallel_loop3A_413, %parallel_loop3A_414, %parallel_loop3A_415, %parallel_loop3A_416], %parallel_loop3A_409 {strides = array<i32>} : memref<2x50x2x128xf32, #tpu.memory_space<vmem>>, vector<16xf32>,
      %parallel_loop3A_418 = arith.constant 1 : i32
      %parallel_loop3A_419 = arith.constant 1 : i32
      %parallel_loop3A_420 = arith.index_cast %parallel_loop3A_418 : i32 to index
      %parallel_loop3A_421 = arith.index_cast %parallel_loop3A_280 : i32 to index
      %parallel_loop3A_422 = arith.index_cast %parallel_loop3A_419 : i32 to index
      %parallel_loop3A_423 = arith.constant 96 : index
      %parallel_loop3A_424 = tpu.vector_load %arg10[%parallel_loop3A_420, %parallel_loop3A_421, %parallel_loop3A_422, %parallel_loop3A_423] {strides = array<i32>} : memref<2x50x2x128xf32, #tpu.memory_space<vmem>>, vector<16xf32>,
      tpu.vector_store %arg10[%parallel_loop3A_420, %parallel_loop3A_421, %parallel_loop3A_422, %parallel_loop3A_423], %parallel_loop3A_410 {strides = array<i32>} : memref<2x50x2x128xf32, #tpu.memory_space<vmem>>, vector<16xf32>,
      %parallel_loop3A_425 = arith.index_cast %parallel_loop3A_282 : i32 to index
      %parallel_loop3A_426 = arith.index_cast %parallel_loop3A_284 : i32 to index
      %parallel_loop3A_427 = arith.constant 112 : index
      %parallel_loop3A_428 = tpu.vector_load %arg9[%parallel_loop3A_425, %parallel_loop3A_426, %parallel_loop3A_427] {strides = array<i32>} : memref<7x8x128xi32, #tpu.memory_space<vmem>>, vector<16xi32>,
      %parallel_loop3A_429 = tpu.vector_load_idx %arg6[%parallel_loop3A_428] : memref<1000xf32, #tpu.memory_space<vmem>>[vector<16xi32>], vector<16xf32>,
      %parallel_loop3A_430 = tpu.vector_load_idx %arg7[%parallel_loop3A_428] : memref<1000xf32, #tpu.memory_space<vmem>>[vector<16xi32>], vector<16xf32>,
      %parallel_loop3A_431 = arith.constant 1 : i32
      %parallel_loop3A_432 = arith.constant 0 : i32
      %parallel_loop3A_433 = arith.index_cast %parallel_loop3A_431 : i32 to index
      %parallel_loop3A_434 = arith.index_cast %parallel_loop3A_280 : i32 to index
      %parallel_loop3A_435 = arith.index_cast %parallel_loop3A_432 : i32 to index
      %parallel_loop3A_436 = arith.constant 112 : index
      %parallel_loop3A_437 = tpu.vector_load %arg10[%parallel_loop3A_433, %parallel_loop3A_434, %parallel_loop3A_435, %parallel_loop3A_436] {strides = array<i32>} : memref<2x50x2x128xf32, #tpu.memory_space<vmem>>, vector<16xf32>,
      tpu.vector_store %arg10[%parallel_loop3A_433, %parallel_loop3A_434, %parallel_loop3A_435, %parallel_loop3A_436], %parallel_loop3A_429 {strides = array<i32>} : memref<2x50x2x128xf32, #tpu.memory_space<vmem>>, vector<16xf32>,
      %parallel_loop3A_438 = arith.constant 1 : i32
      %parallel_loop3A_439 = arith.constant 1 : i32
      %parallel_loop3A_440 = arith.index_cast %parallel_loop3A_438 : i32 to index
      %parallel_loop3A_441 = arith.index_cast %parallel_loop3A_280 : i32 to index
      %parallel_loop3A_442 = arith.index_cast %parallel_loop3A_439 : i32 to index
      %parallel_loop3A_443 = arith.constant 112 : index
      %parallel_loop3A_444 = tpu.vector_load %arg10[%parallel_loop3A_440, %parallel_loop3A_441, %parallel_loop3A_442, %parallel_loop3A_443] {strides = array<i32>} : memref<2x50x2x128xf32, #tpu.memory_space<vmem>>, vector<16xf32>,
      tpu.vector_store %arg10[%parallel_loop3A_440, %parallel_loop3A_441, %parallel_loop3A_442, %parallel_loop3A_443], %parallel_loop3A_430 {strides = array<i32>} : memref<2x50x2x128xf32, #tpu.memory_space<vmem>>, vector<16xf32>,
    } {sc.loop_unroll_factor = 2 : i64, sc.parallel_access}
    %add3A_87 = arith.constant 1 : i32
    %add3A_88 = arith.addi %mul3A_2, %add3A_87 : i32
    %dma_start3A_89 = arith.constant 1 : i32
    %dma_start3A_90 = arith.constant 0 : i32
    %dma_start3A_91 = arith.constant 0 : i32
    %dma_start3A_92 = arith.constant 0 : i32
    %dma_start3A_93 = tpu.memref_slice %arg10[%dma_start3A_89, %dma_start3A_90, %dma_start3A_91, %dma_start3A_92] : memref<2x50x2x128xf32, #tpu.memory_space<vmem>> -> memref<1x50x2x128xf32, #tpu.memory_space<vmem>>
    %dma_start3A_94 = tpu.memref_squeeze %dma_start3A_93 : memref<1x50x2x128xf32, #tpu.memory_space<vmem>> -> memref<50x2x128xf32, #tpu.memory_space<vmem>>
    %dma_start3A_95 = arith.constant 0 : i32
    %dma_start3A_96 = arith.constant 0 : i32
    %dma_start3A_97 = arith.constant 0 : i32
    %dma_start3A_98 = tpu.memref_slice %arg5[%dma_start3A_95, %add3A_88, %dma_start3A_96, %dma_start3A_97] : memref<50x128x2x128xf32, #tpu.memory_space<hbm>> -> memref<50x1x2x128xf32, #tpu.memory_space<hbm>>
    %dma_start3A_99 = tpu.memref_squeeze %dma_start3A_98 : memref<50x1x2x128xf32, #tpu.memory_space<hbm>> -> memref<50x2x128xf32, #tpu.memory_space<hbm>>
    %dma_start3A_100 = arith.constant 0 : i32
    %dma_start3A_101 = arith.constant 0 : i32
    %dma_start3A_102 = arith.constant 0 : i32
    %dma_start3A_103 = tpu.memref_slice %arg5[%dma_start3A_100, %add3A_88, %dma_start3A_101, %dma_start3A_102] : memref<50x128x2x128xf32, #tpu.memory_space<hbm>> -> memref<50x1x2x128xf32, #tpu.memory_space<hbm>>
    %dma_start3A_104 = tpu.memref_squeeze %dma_start3A_103 : memref<50x1x2x128xf32, #tpu.memory_space<hbm>> -> memref<50x2x128xf32, #tpu.memory_space<hbm>>
    %dma_start3A_105 = arith.constant 0 : i32
    %dma_start3A_106 = arith.constant 0 : i32
    %dma_start3A_107 = arith.constant 0 : i32
    %dma_start3A_108 = tpu.memref_slice %arg10[%dma_start3A_89, %dma_start3A_105, %dma_start3A_106, %dma_start3A_107] : memref<2x50x2x128xf32, #tpu.memory_space<vmem>> -> memref<1x50x2x128xf32, #tpu.memory_space<vmem>>
    %dma_start3A_109 = tpu.memref_squeeze %dma_start3A_108 : memref<1x50x2x128xf32, #tpu.memory_space<vmem>> -> memref<50x2x128xf32, #tpu.memory_space<vmem>>
    tpu.enqueue_dma source(%dma_start3A_109 : memref<50x2x128xf32, #tpu.memory_space<vmem>>) target(%dma_start3A_104 : memref<50x2x128xf32, #tpu.memory_space<hbm>>) target_semaphore(%arg14 : memref<!tpu.dma_semaphore, #tpu.memory_space<semaphore_mem>>)
    %add3A_110 = arith.constant 2 : i32
    %add3A_111 = arith.addi %mul3A_2, %add3A_110 : i32
    %add3A_112 = arith.constant 1 : i32
    %add3A_113 = arith.addi %add3A_111, %add3A_112 : i32
    %dma_start3A_114 = arith.constant 0 : i32
    %dma_start3A_115 = arith.constant 0 : i32
    %dma_start3A_116 = arith.constant 0 : i32
    %dma_start3A_117 = tpu.memref_slice %arg4[%dma_start3A_114, %add3A_113, %dma_start3A_115, %dma_start3A_116] : memref<7x128x8x128xi32, #tpu.memory_space<hbm>> -> memref<7x1x8x128xi32, #tpu.memory_space<hbm>>
    %dma_start3A_118 = tpu.memref_squeeze %dma_start3A_117 : memref<7x1x8x128xi32, #tpu.memory_space<hbm>> -> memref<7x8x128xi32, #tpu.memory_space<hbm>>
    %dma_start3A_119 = arith.constant 0 : i32
    %dma_start3A_120 = arith.constant 0 : i32
    %dma_start3A_121 = arith.constant 0 : i32
    %dma_start3A_122 = tpu.memref_slice %arg4[%dma_start3A_119, %add3A_113, %dma_start3A_120, %dma_start3A_121] : memref<7x128x8x128xi32, #tpu.memory_space<hbm>> -> memref<7x1x8x128xi32, #tpu.memory_space<hbm>>
    %dma_start3A_123 = tpu.memref_squeeze %dma_start3A_122 : memref<7x1x8x128xi32, #tpu.memory_space<hbm>> -> memref<7x8x128xi32, #tpu.memory_space<hbm>>
    tpu.enqueue_dma source(%dma_start3A_123 : memref<7x8x128xi32, #tpu.memory_space<hbm>>) target(%arg9 : memref<7x8x128xi32, #tpu.memory_space<vmem>>) target_semaphore(%arg12 : memref<!tpu.dma_semaphore, #tpu.memory_space<semaphore_mem>>)
    %dma_wait3A_124 = arith.constant 0 : i32
    %dma_wait3A_125 = arith.constant 0 : i32
    %dma_wait3A_126 = arith.constant 0 : i32
    %dma_wait3A_127 = tpu.memref_slice %arg4[%dma_wait3A_124, %add3A_63, %dma_wait3A_125, %dma_wait3A_126] : memref<7x128x8x128xi32, #tpu.memory_space<hbm>> -> memref<7x1x8x128xi32, #tpu.memory_space<hbm>>
    %dma_wait3A_128 = tpu.memref_squeeze %dma_wait3A_127 : memref<7x1x8x128xi32, #tpu.memory_space<hbm>> -> memref<7x8x128xi32, #tpu.memory_space<hbm>>
    %dma_wait3A_129 = arith.constant 0 : i32
    %dma_wait3A_130 = arith.constant 0 : i32
    %dma_wait3A_131 = arith.constant 0 : i32
    %dma_wait3A_132 = tpu.memref_slice %arg4[%dma_wait3A_129, %add3A_63, %dma_wait3A_130, %dma_wait3A_131] : memref<7x128x8x128xi32, #tpu.memory_space<hbm>> -> memref<7x1x8x128xi32, #tpu.memory_space<hbm>>
    %dma_wait3A_133 = tpu.memref_squeeze %dma_wait3A_132 : memref<7x1x8x128xi32, #tpu.memory_space<hbm>> -> memref<7x8x128xi32, #tpu.memory_space<hbm>>
    tpu.wait_dma2 semaphore(%arg11 : memref<!tpu.dma_semaphore, #tpu.memory_space<semaphore_mem>>) src(%dma_wait3A_133 : memref<7x8x128xi32, #tpu.memory_space<hbm>>) dst(%arg8 : memref<7x8x128xi32, #tpu.memory_space<vmem>>)
    %dma_wait3A_134 = arith.constant 0 : i32
    %dma_wait3A_135 = arith.constant 0 : i32
    %dma_wait3A_136 = arith.constant 0 : i32
    %dma_wait3A_137 = arith.constant 0 : i32
    %dma_wait3A_138 = tpu.memref_slice %arg10[%dma_wait3A_134, %dma_wait3A_135, %dma_wait3A_136, %dma_wait3A_137] : memref<2x50x2x128xf32, #tpu.memory_space<vmem>> -> memref<1x50x2x128xf32, #tpu.memory_space<vmem>>
    %dma_wait3A_139 = tpu.memref_squeeze %dma_wait3A_138 : memref<1x50x2x128xf32, #tpu.memory_space<vmem>> -> memref<50x2x128xf32, #tpu.memory_space<vmem>>
    %dma_wait3A_140 = arith.constant 0 : i32
    %dma_wait3A_141 = arith.constant 0 : i32
    %dma_wait3A_142 = arith.constant 0 : i32
    %dma_wait3A_143 = tpu.memref_slice %arg5[%dma_wait3A_140, %add3A_38, %dma_wait3A_141, %dma_wait3A_142] : memref<50x128x2x128xf32, #tpu.memory_space<hbm>> -> memref<50x1x2x128xf32, #tpu.memory_space<hbm>>
    %dma_wait3A_144 = tpu.memref_squeeze %dma_wait3A_143 : memref<50x1x2x128xf32, #tpu.memory_space<hbm>> -> memref<50x2x128xf32, #tpu.memory_space<hbm>>
    %dma_wait3A_145 = arith.constant 0 : i32
    %dma_wait3A_146 = arith.constant 0 : i32
    %dma_wait3A_147 = arith.constant 0 : i32
    %dma_wait3A_148 = tpu.memref_slice %arg5[%dma_wait3A_145, %add3A_38, %dma_wait3A_146, %dma_wait3A_147] : memref<50x128x2x128xf32, #tpu.memory_space<hbm>> -> memref<50x1x2x128xf32, #tpu.memory_space<hbm>>
    %dma_wait3A_149 = tpu.memref_squeeze %dma_wait3A_148 : memref<50x1x2x128xf32, #tpu.memory_space<hbm>> -> memref<50x2x128xf32, #tpu.memory_space<hbm>>
    %dma_wait3A_150 = arith.constant 0 : i32
    %dma_wait3A_151 = arith.constant 0 : i32
    %dma_wait3A_152 = arith.constant 0 : i32
    %dma_wait3A_153 = tpu.memref_slice %arg10[%dma_wait3A_134, %dma_wait3A_150, %dma_wait3A_151, %dma_wait3A_152] : memref<2x50x2x128xf32, #tpu.memory_space<vmem>> -> memref<1x50x2x128xf32, #tpu.memory_space<vmem>>
    %dma_wait3A_154 = tpu.memref_squeeze %dma_wait3A_153 : memref<1x50x2x128xf32, #tpu.memory_space<vmem>> -> memref<50x2x128xf32, #tpu.memory_space<vmem>>
    tpu.wait_dma2 semaphore(%arg13 : memref<!tpu.dma_semaphore, #tpu.memory_space<semaphore_mem>>) src(%dma_wait3A_154 : memref<50x2x128xf32, #tpu.memory_space<vmem>>) dst(%dma_wait3A_149 : memref<50x2x128xf32, #tpu.memory_space<hbm>>)
    %parallel_loop3A_155 = arith.constant 0 : i32
    %parallel_loop3A_156 = arith.constant 50 : i32
    %parallel_loop3A_157 = arith.constant 1 : i32
    scf.for %parallel_loop3A_280 = %parallel_loop3A_155 to %parallel_loop3A_156 step %parallel_loop3A_157  : i32 {
      %parallel_loop3A_281 = arith.constant 3 : i32
      %parallel_loop3A_282 = arith.shrsi %parallel_loop3A_280, %parallel_loop3A_281 : i32
      %parallel_loop3A_283 = arith.constant 7 : i32
      %parallel_loop3A_284 = arith.andi %parallel_loop3A_280, %parallel_loop3A_283 : i32
      %parallel_loop3A_285 = arith.index_cast %parallel_loop3A_282 : i32 to index
      %parallel_loop3A_286 = arith.index_cast %parallel_loop3A_284 : i32 to index
      %parallel_loop3A_287 = arith.constant 0 : index
      %parallel_loop3A_288 = tpu.vector_load %arg8[%parallel_loop3A_285, %parallel_loop3A_286, %parallel_loop3A_287] {strides = array<i32>} : memref<7x8x128xi32, #tpu.memory_space<vmem>>, vector<16xi32>,
      %parallel_loop3A_289 = tpu.vector_load_idx %arg6[%parallel_loop3A_288] : memref<1000xf32, #tpu.memory_space<vmem>>[vector<16xi32>], vector<16xf32>,
      %parallel_loop3A_290 = tpu.vector_load_idx %arg7[%parallel_loop3A_288] : memref<1000xf32, #tpu.memory_space<vmem>>[vector<16xi32>], vector<16xf32>,
      %parallel_loop3A_291 = arith.constant 0 : i32
      %parallel_loop3A_292 = arith.constant 0 : i32
      %parallel_loop3A_293 = arith.index_cast %parallel_loop3A_291 : i32 to index
      %parallel_loop3A_294 = arith.index_cast %parallel_loop3A_280 : i32 to index
      %parallel_loop3A_295 = arith.index_cast %parallel_loop3A_292 : i32 to index
      %parallel_loop3A_296 = arith.constant 0 : index
      %parallel_loop3A_297 = tpu.vector_load %arg10[%parallel_loop3A_293, %parallel_loop3A_294, %parallel_loop3A_295, %parallel_loop3A_296] {strides = array<i32>} : memref<2x50x2x128xf32, #tpu.memory_space<vmem>>, vector<16xf32>,
      tpu.vector_store %arg10[%parallel_loop3A_293, %parallel_loop3A_294, %parallel_loop3A_295, %parallel_loop3A_296], %parallel_loop3A_289 {strides = array<i32>} : memref<2x50x2x128xf32, #tpu.memory_space<vmem>>, vector<16xf32>,
      %parallel_loop3A_298 = arith.constant 0 : i32
      %parallel_loop3A_299 = arith.constant 1 : i32
      %parallel_loop3A_300 = arith.index_cast %parallel_loop3A_298 : i32 to index
      %parallel_loop3A_301 = arith.index_cast %parallel_loop3A_280 : i32 to index
      %parallel_loop3A_302 = arith.index_cast %parallel_loop3A_299 : i32 to index
      %parallel_loop3A_303 = arith.constant 0 : index
      %parallel_loop3A_304 = tpu.vector_load %arg10[%parallel_loop3A_300, %parallel_loop3A_301, %parallel_loop3A_302, %parallel_loop3A_303] {strides = array<i32>} : memref<2x50x2x128xf32, #tpu.memory_space<vmem>>, vector<16xf32>,
      tpu.vector_store %arg10[%parallel_loop3A_300, %parallel_loop3A_301, %parallel_loop3A_302, %parallel_loop3A_303], %parallel_loop3A_290 {strides = array<i32>} : memref<2x50x2x128xf32, #tpu.memory_space<vmem>>, vector<16xf32>,
      %parallel_loop3A_305 = arith.index_cast %parallel_loop3A_282 : i32 to index
      %parallel_loop3A_306 = arith.index_cast %parallel_loop3A_284 : i32 to index
      %parallel_loop3A_307 = arith.constant 16 : index
      %parallel_loop3A_308 = tpu.vector_load %arg8[%parallel_loop3A_305, %parallel_loop3A_306, %parallel_loop3A_307] {strides = array<i32>} : memref<7x8x128xi32, #tpu.memory_space<vmem>>, vector<16xi32>,
      %parallel_loop3A_309 = tpu.vector_load_idx %arg6[%parallel_loop3A_308] : memref<1000xf32, #tpu.memory_space<vmem>>[vector<16xi32>], vector<16xf32>,
      %parallel_loop3A_310 = tpu.vector_load_idx %arg7[%parallel_loop3A_308] : memref<1000xf32, #tpu.memory_space<vmem>>[vector<16xi32>], vector<16xf32>,
      %parallel_loop3A_311 = arith.constant 0 : i32
      %parallel_loop3A_312 = arith.constant 0 : i32
      %parallel_loop3A_313 = arith.index_cast %parallel_loop3A_311 : i32 to index
      %parallel_loop3A_314 = arith.index_cast %parallel_loop3A_280 : i32 to index
      %parallel_loop3A_315 = arith.index_cast %parallel_loop3A_312 : i32 to index
      %parallel_loop3A_316 = arith.constant 16 : index
      %parallel_loop3A_317 = tpu.vector_load %arg10[%parallel_loop3A_313, %parallel_loop3A_314, %parallel_loop3A_315, %parallel_loop3A_316] {strides = array<i32>} : memref<2x50x2x128xf32, #tpu.memory_space<vmem>>, vector<16xf32>,
      tpu.vector_store %arg10[%parallel_loop3A_313, %parallel_loop3A_314, %parallel_loop3A_315, %parallel_loop3A_316], %parallel_loop3A_309 {strides = array<i32>} : memref<2x50x2x128xf32, #tpu.memory_space<vmem>>, vector<16xf32>,
      %parallel_loop3A_318 = arith.constant 0 : i32
      %parallel_loop3A_319 = arith.constant 1 : i32
      %parallel_loop3A_320 = arith.index_cast %parallel_loop3A_318 : i32 to index
      %parallel_loop3A_321 = arith.index_cast %parallel_loop3A_280 : i32 to index
      %parallel_loop3A_322 = arith.index_cast %parallel_loop3A_319 : i32 to index
      %parallel_loop3A_323 = arith.constant 16 : index
      %parallel_loop3A_324 = tpu.vector_load %arg10[%parallel_loop3A_320, %parallel_loop3A_321, %parallel_loop3A_322, %parallel_loop3A_323] {strides = array<i32>} : memref<2x50x2x128xf32, #tpu.memory_space<vmem>>, vector<16xf32>,
      tpu.vector_store %arg10[%parallel_loop3A_320, %parallel_loop3A_321, %parallel_loop3A_322, %parallel_loop3A_323], %parallel_loop3A_310 {strides = array<i32>} : memref<2x50x2x128xf32, #tpu.memory_space<vmem>>, vector<16xf32>,
      %parallel_loop3A_325 = arith.index_cast %parallel_loop3A_282 : i32 to index
      %parallel_loop3A_326 = arith.index_cast %parallel_loop3A_284 : i32 to index
      %parallel_loop3A_327 = arith.constant 32 : index
      %parallel_loop3A_328 = tpu.vector_load %arg8[%parallel_loop3A_325, %parallel_loop3A_326, %parallel_loop3A_327] {strides = array<i32>} : memref<7x8x128xi32, #tpu.memory_space<vmem>>, vector<16xi32>,
      %parallel_loop3A_329 = tpu.vector_load_idx %arg6[%parallel_loop3A_328] : memref<1000xf32, #tpu.memory_space<vmem>>[vector<16xi32>], vector<16xf32>,
      %parallel_loop3A_330 = tpu.vector_load_idx %arg7[%parallel_loop3A_328] : memref<1000xf32, #tpu.memory_space<vmem>>[vector<16xi32>], vector<16xf32>,
      %parallel_loop3A_331 = arith.constant 0 : i32
      %parallel_loop3A_332 = arith.constant 0 : i32
      %parallel_loop3A_333 = arith.index_cast %parallel_loop3A_331 : i32 to index
      %parallel_loop3A_334 = arith.index_cast %parallel_loop3A_280 : i32 to index
      %parallel_loop3A_335 = arith.index_cast %parallel_loop3A_332 : i32 to index
      %parallel_loop3A_336 = arith.constant 32 : index
      %parallel_loop3A_337 = tpu.vector_load %arg10[%parallel_loop3A_333, %parallel_loop3A_334, %parallel_loop3A_335, %parallel_loop3A_336] {strides = array<i32>} : memref<2x50x2x128xf32, #tpu.memory_space<vmem>>, vector<16xf32>,
      tpu.vector_store %arg10[%parallel_loop3A_333, %parallel_loop3A_334, %parallel_loop3A_335, %parallel_loop3A_336], %parallel_loop3A_329 {strides = array<i32>} : memref<2x50x2x128xf32, #tpu.memory_space<vmem>>, vector<16xf32>,
      %parallel_loop3A_338 = arith.constant 0 : i32
      %parallel_loop3A_339 = arith.constant 1 : i32
      %parallel_loop3A_340 = arith.index_cast %parallel_loop3A_338 : i32 to index
      %parallel_loop3A_341 = arith.index_cast %parallel_loop3A_280 : i32 to index
      %parallel_loop3A_342 = arith.index_cast %parallel_loop3A_339 : i32 to index
      %parallel_loop3A_343 = arith.constant 32 : index
      %parallel_loop3A_344 = tpu.vector_load %arg10[%parallel_loop3A_340, %parallel_loop3A_341, %parallel_loop3A_342, %parallel_loop3A_343] {strides = array<i32>} : memref<2x50x2x128xf32, #tpu.memory_space<vmem>>, vector<16xf32>,
      tpu.vector_store %arg10[%parallel_loop3A_340, %parallel_loop3A_341, %parallel_loop3A_342, %parallel_loop3A_343], %parallel_loop3A_330 {strides = array<i32>} : memref<2x50x2x128xf32, #tpu.memory_space<vmem>>, vector<16xf32>,
      %parallel_loop3A_345 = arith.index_cast %parallel_loop3A_282 : i32 to index
      %parallel_loop3A_346 = arith.index_cast %parallel_loop3A_284 : i32 to index
      %parallel_loop3A_347 = arith.constant 48 : index
      %parallel_loop3A_348 = tpu.vector_load %arg8[%parallel_loop3A_345, %parallel_loop3A_346, %parallel_loop3A_347] {strides = array<i32>} : memref<7x8x128xi32, #tpu.memory_space<vmem>>, vector<16xi32>,
      %parallel_loop3A_349 = tpu.vector_load_idx %arg6[%parallel_loop3A_348] : memref<1000xf32, #tpu.memory_space<vmem>>[vector<16xi32>], vector<16xf32>,
      %parallel_loop3A_350 = tpu.vector_load_idx %arg7[%parallel_loop3A_348] : memref<1000xf32, #tpu.memory_space<vmem>>[vector<16xi32>], vector<16xf32>,
      %parallel_loop3A_351 = arith.constant 0 : i32
      %parallel_loop3A_352 = arith.constant 0 : i32
      %parallel_loop3A_353 = arith.index_cast %parallel_loop3A_351 : i32 to index
      %parallel_loop3A_354 = arith.index_cast %parallel_loop3A_280 : i32 to index
      %parallel_loop3A_355 = arith.index_cast %parallel_loop3A_352 : i32 to index
      %parallel_loop3A_356 = arith.constant 48 : index
      %parallel_loop3A_357 = tpu.vector_load %arg10[%parallel_loop3A_353, %parallel_loop3A_354, %parallel_loop3A_355, %parallel_loop3A_356] {strides = array<i32>} : memref<2x50x2x128xf32, #tpu.memory_space<vmem>>, vector<16xf32>,
      tpu.vector_store %arg10[%parallel_loop3A_353, %parallel_loop3A_354, %parallel_loop3A_355, %parallel_loop3A_356], %parallel_loop3A_349 {strides = array<i32>} : memref<2x50x2x128xf32, #tpu.memory_space<vmem>>, vector<16xf32>,
      %parallel_loop3A_358 = arith.constant 0 : i32
      %parallel_loop3A_359 = arith.constant 1 : i32
      %parallel_loop3A_360 = arith.index_cast %parallel_loop3A_358 : i32 to index
      %parallel_loop3A_361 = arith.index_cast %parallel_loop3A_280 : i32 to index
      %parallel_loop3A_362 = arith.index_cast %parallel_loop3A_359 : i32 to index
      %parallel_loop3A_363 = arith.constant 48 : index
      %parallel_loop3A_364 = tpu.vector_load %arg10[%parallel_loop3A_360, %parallel_loop3A_361, %parallel_loop3A_362, %parallel_loop3A_363] {strides = array<i32>} : memref<2x50x2x128xf32, #tpu.memory_space<vmem>>, vector<16xf32>,
      tpu.vector_store %arg10[%parallel_loop3A_360, %parallel_loop3A_361, %parallel_loop3A_362, %parallel_loop3A_363], %parallel_loop3A_350 {strides = array<i32>} : memref<2x50x2x128xf32, #tpu.memory_space<vmem>>, vector<16xf32>,
      %parallel_loop3A_365 = arith.index_cast %parallel_loop3A_282 : i32 to index
      %parallel_loop3A_366 = arith.index_cast %parallel_loop3A_284 : i32 to index
      %parallel_loop3A_367 = arith.constant 64 : index
      %parallel_loop3A_368 = tpu.vector_load %arg8[%parallel_loop3A_365, %parallel_loop3A_366, %parallel_loop3A_367] {strides = array<i32>} : memref<7x8x128xi32, #tpu.memory_space<vmem>>, vector<16xi32>,
      %parallel_loop3A_369 = tpu.vector_load_idx %arg6[%parallel_loop3A_368] : memref<1000xf32, #tpu.memory_space<vmem>>[vector<16xi32>], vector<16xf32>,
      %parallel_loop3A_370 = tpu.vector_load_idx %arg7[%parallel_loop3A_368] : memref<1000xf32, #tpu.memory_space<vmem>>[vector<16xi32>], vector<16xf32>,
      %parallel_loop3A_371 = arith.constant 0 : i32
      %parallel_loop3A_372 = arith.constant 0 : i32
      %parallel_loop3A_373 = arith.index_cast %parallel_loop3A_371 : i32 to index
      %parallel_loop3A_374 = arith.index_cast %parallel_loop3A_280 : i32 to index
      %parallel_loop3A_375 = arith.index_cast %parallel_loop3A_372 : i32 to index
      %parallel_loop3A_376 = arith.constant 64 : index
      %parallel_loop3A_377 = tpu.vector_load %arg10[%parallel_loop3A_373, %parallel_loop3A_374, %parallel_loop3A_375, %parallel_loop3A_376] {strides = array<i32>} : memref<2x50x2x128xf32, #tpu.memory_space<vmem>>, vector<16xf32>,
      tpu.vector_store %arg10[%parallel_loop3A_373, %parallel_loop3A_374, %parallel_loop3A_375, %parallel_loop3A_376], %parallel_loop3A_369 {strides = array<i32>} : memref<2x50x2x128xf32, #tpu.memory_space<vmem>>, vector<16xf32>,
      %parallel_loop3A_378 = arith.constant 0 : i32
      %parallel_loop3A_379 = arith.constant 1 : i32
      %parallel_loop3A_380 = arith.index_cast %parallel_loop3A_378 : i32 to index
      %parallel_loop3A_381 = arith.index_cast %parallel_loop3A_280 : i32 to index
      %parallel_loop3A_382 = arith.index_cast %parallel_loop3A_379 : i32 to index
      %parallel_loop3A_383 = arith.constant 64 : index
      %parallel_loop3A_384 = tpu.vector_load %arg10[%parallel_loop3A_380, %parallel_loop3A_381, %parallel_loop3A_382, %parallel_loop3A_383] {strides = array<i32>} : memref<2x50x2x128xf32, #tpu.memory_space<vmem>>, vector<16xf32>,
      tpu.vector_store %arg10[%parallel_loop3A_380, %parallel_loop3A_381, %parallel_loop3A_382, %parallel_loop3A_383], %parallel_loop3A_370 {strides = array<i32>} : memref<2x50x2x128xf32, #tpu.memory_space<vmem>>, vector<16xf32>,
      %parallel_loop3A_385 = arith.index_cast %parallel_loop3A_282 : i32 to index
      %parallel_loop3A_386 = arith.index_cast %parallel_loop3A_284 : i32 to index
      %parallel_loop3A_387 = arith.constant 80 : index
      %parallel_loop3A_388 = tpu.vector_load %arg8[%parallel_loop3A_385, %parallel_loop3A_386, %parallel_loop3A_387] {strides = array<i32>} : memref<7x8x128xi32, #tpu.memory_space<vmem>>, vector<16xi32>,
      %parallel_loop3A_389 = tpu.vector_load_idx %arg6[%parallel_loop3A_388] : memref<1000xf32, #tpu.memory_space<vmem>>[vector<16xi32>], vector<16xf32>,
      %parallel_loop3A_390 = tpu.vector_load_idx %arg7[%parallel_loop3A_388] : memref<1000xf32, #tpu.memory_space<vmem>>[vector<16xi32>], vector<16xf32>,
      %parallel_loop3A_391 = arith.constant 0 : i32
      %parallel_loop3A_392 = arith.constant 0 : i32
      %parallel_loop3A_393 = arith.index_cast %parallel_loop3A_391 : i32 to index
      %parallel_loop3A_394 = arith.index_cast %parallel_loop3A_280 : i32 to index
      %parallel_loop3A_395 = arith.index_cast %parallel_loop3A_392 : i32 to index
      %parallel_loop3A_396 = arith.constant 80 : index
      %parallel_loop3A_397 = tpu.vector_load %arg10[%parallel_loop3A_393, %parallel_loop3A_394, %parallel_loop3A_395, %parallel_loop3A_396] {strides = array<i32>} : memref<2x50x2x128xf32, #tpu.memory_space<vmem>>, vector<16xf32>,
      tpu.vector_store %arg10[%parallel_loop3A_393, %parallel_loop3A_394, %parallel_loop3A_395, %parallel_loop3A_396], %parallel_loop3A_389 {strides = array<i32>} : memref<2x50x2x128xf32, #tpu.memory_space<vmem>>, vector<16xf32>,
      %parallel_loop3A_398 = arith.constant 0 : i32
      %parallel_loop3A_399 = arith.constant 1 : i32
      %parallel_loop3A_400 = arith.index_cast %parallel_loop3A_398 : i32 to index
      %parallel_loop3A_401 = arith.index_cast %parallel_loop3A_280 : i32 to index
      %parallel_loop3A_402 = arith.index_cast %parallel_loop3A_399 : i32 to index
      %parallel_loop3A_403 = arith.constant 80 : index
      %parallel_loop3A_404 = tpu.vector_load %arg10[%parallel_loop3A_400, %parallel_loop3A_401, %parallel_loop3A_402, %parallel_loop3A_403] {strides = array<i32>} : memref<2x50x2x128xf32, #tpu.memory_space<vmem>>, vector<16xf32>,
      tpu.vector_store %arg10[%parallel_loop3A_400, %parallel_loop3A_401, %parallel_loop3A_402, %parallel_loop3A_403], %parallel_loop3A_390 {strides = array<i32>} : memref<2x50x2x128xf32, #tpu.memory_space<vmem>>, vector<16xf32>,
      %parallel_loop3A_405 = arith.index_cast %parallel_loop3A_282 : i32 to index
      %parallel_loop3A_406 = arith.index_cast %parallel_loop3A_284 : i32 to index
      %parallel_loop3A_407 = arith.constant 96 : index
      %parallel_loop3A_408 = tpu.vector_load %arg8[%parallel_loop3A_405, %parallel_loop3A_406, %parallel_loop3A_407] {strides = array<i32>} : memref<7x8x128xi32, #tpu.memory_space<vmem>>, vector<16xi32>,
      %parallel_loop3A_409 = tpu.vector_load_idx %arg6[%parallel_loop3A_408] : memref<1000xf32, #tpu.memory_space<vmem>>[vector<16xi32>], vector<16xf32>,
      %parallel_loop3A_410 = tpu.vector_load_idx %arg7[%parallel_loop3A_408] : memref<1000xf32, #tpu.memory_space<vmem>>[vector<16xi32>], vector<16xf32>,
      %parallel_loop3A_411 = arith.constant 0 : i32
      %parallel_loop3A_412 = arith.constant 0 : i32
      %parallel_loop3A_413 = arith.index_cast %parallel_loop3A_411 : i32 to index
      %parallel_loop3A_414 = arith.index_cast %parallel_loop3A_280 : i32 to index
      %parallel_loop3A_415 = arith.index_cast %parallel_loop3A_412 : i32 to index
      %parallel_loop3A_416 = arith.constant 96 : index
      %parallel_loop3A_417 = tpu.vector_load %arg10[%parallel_loop3A_413, %parallel_loop3A_414, %parallel_loop3A_415, %parallel_loop3A_416] {strides = array<i32>} : memref<2x50x2x128xf32, #tpu.memory_space<vmem>>, vector<16xf32>,
      tpu.vector_store %arg10[%parallel_loop3A_413, %parallel_loop3A_414, %parallel_loop3A_415, %parallel_loop3A_416], %parallel_loop3A_409 {strides = array<i32>} : memref<2x50x2x128xf32, #tpu.memory_space<vmem>>, vector<16xf32>,
      %parallel_loop3A_418 = arith.constant 0 : i32
      %parallel_loop3A_419 = arith.constant 1 : i32
      %parallel_loop3A_420 = arith.index_cast %parallel_loop3A_418 : i32 to index
      %parallel_loop3A_421 = arith.index_cast %parallel_loop3A_280 : i32 to index
      %parallel_loop3A_422 = arith.index_cast %parallel_loop3A_419 : i32 to index
      %parallel_loop3A_423 = arith.constant 96 : index
      %parallel_loop3A_424 = tpu.vector_load %arg10[%parallel_loop3A_420, %parallel_loop3A_421, %parallel_loop3A_422, %parallel_loop3A_423] {strides = array<i32>} : memref<2x50x2x128xf32, #tpu.memory_space<vmem>>, vector<16xf32>,
      tpu.vector_store %arg10[%parallel_loop3A_420, %parallel_loop3A_421, %parallel_loop3A_422, %parallel_loop3A_423], %parallel_loop3A_410 {strides = array<i32>} : memref<2x50x2x128xf32, #tpu.memory_space<vmem>>, vector<16xf32>,
      %parallel_loop3A_425 = arith.index_cast %parallel_loop3A_282 : i32 to index
      %parallel_loop3A_426 = arith.index_cast %parallel_loop3A_284 : i32 to index
      %parallel_loop3A_427 = arith.constant 112 : index
      %parallel_loop3A_428 = tpu.vector_load %arg8[%parallel_loop3A_425, %parallel_loop3A_426, %parallel_loop3A_427] {strides = array<i32>} : memref<7x8x128xi32, #tpu.memory_space<vmem>>, vector<16xi32>,
      %parallel_loop3A_429 = tpu.vector_load_idx %arg6[%parallel_loop3A_428] : memref<1000xf32, #tpu.memory_space<vmem>>[vector<16xi32>], vector<16xf32>,
      %parallel_loop3A_430 = tpu.vector_load_idx %arg7[%parallel_loop3A_428] : memref<1000xf32, #tpu.memory_space<vmem>>[vector<16xi32>], vector<16xf32>,
      %parallel_loop3A_431 = arith.constant 0 : i32
      %parallel_loop3A_432 = arith.constant 0 : i32
      %parallel_loop3A_433 = arith.index_cast %parallel_loop3A_431 : i32 to index
      %parallel_loop3A_434 = arith.index_cast %parallel_loop3A_280 : i32 to index
      %parallel_loop3A_435 = arith.index_cast %parallel_loop3A_432 : i32 to index
      %parallel_loop3A_436 = arith.constant 112 : index
      %parallel_loop3A_437 = tpu.vector_load %arg10[%parallel_loop3A_433, %parallel_loop3A_434, %parallel_loop3A_435, %parallel_loop3A_436] {strides = array<i32>} : memref<2x50x2x128xf32, #tpu.memory_space<vmem>>, vector<16xf32>,
      tpu.vector_store %arg10[%parallel_loop3A_433, %parallel_loop3A_434, %parallel_loop3A_435, %parallel_loop3A_436], %parallel_loop3A_429 {strides = array<i32>} : memref<2x50x2x128xf32, #tpu.memory_space<vmem>>, vector<16xf32>,
      %parallel_loop3A_438 = arith.constant 0 : i32
      %parallel_loop3A_439 = arith.constant 1 : i32
      %parallel_loop3A_440 = arith.index_cast %parallel_loop3A_438 : i32 to index
      %parallel_loop3A_441 = arith.index_cast %parallel_loop3A_280 : i32 to index
      %parallel_loop3A_442 = arith.index_cast %parallel_loop3A_439 : i32 to index
      %parallel_loop3A_443 = arith.constant 112 : index
      %parallel_loop3A_444 = tpu.vector_load %arg10[%parallel_loop3A_440, %parallel_loop3A_441, %parallel_loop3A_442, %parallel_loop3A_443] {strides = array<i32>} : memref<2x50x2x128xf32, #tpu.memory_space<vmem>>, vector<16xf32>,
      tpu.vector_store %arg10[%parallel_loop3A_440, %parallel_loop3A_441, %parallel_loop3A_442, %parallel_loop3A_443], %parallel_loop3A_430 {strides = array<i32>} : memref<2x50x2x128xf32, #tpu.memory_space<vmem>>, vector<16xf32>,
    } {sc.loop_unroll_factor = 2 : i64, sc.parallel_access}
    %add3A_158 = arith.constant 2 : i32
    %add3A_159 = arith.addi %mul3A_2, %add3A_158 : i32
    %dma_start3A_160 = arith.constant 0 : i32
    %dma_start3A_161 = arith.constant 0 : i32
    %dma_start3A_162 = arith.constant 0 : i32
    %dma_start3A_163 = arith.constant 0 : i32
    %dma_start3A_164 = tpu.memref_slice %arg10[%dma_start3A_160, %dma_start3A_161, %dma_start3A_162, %dma_start3A_163] : memref<2x50x2x128xf32, #tpu.memory_space<vmem>> -> memref<1x50x2x128xf32, #tpu.memory_space<vmem>>
    %dma_start3A_165 = tpu.memref_squeeze %dma_start3A_164 : memref<1x50x2x128xf32, #tpu.memory_space<vmem>> -> memref<50x2x128xf32, #tpu.memory_space<vmem>>
    %dma_start3A_166 = arith.constant 0 : i32
    %dma_start3A_167 = arith.constant 0 : i32
    %dma_start3A_168 = arith.constant 0 : i32
    %dma_start3A_169 = tpu.memref_slice %arg5[%dma_start3A_166, %add3A_159, %dma_start3A_167, %dma_start3A_168] : memref<50x128x2x128xf32, #tpu.memory_space<hbm>> -> memref<50x1x2x128xf32, #tpu.memory_space<hbm>>
    %dma_start3A_170 = tpu.memref_squeeze %dma_start3A_169 : memref<50x1x2x128xf32, #tpu.memory_space<hbm>> -> memref<50x2x128xf32, #tpu.memory_space<hbm>>
    %dma_start3A_171 = arith.constant 0 : i32
    %dma_start3A_172 = arith.constant 0 : i32
    %dma_start3A_173 = arith.constant 0 : i32
    %dma_start3A_174 = tpu.memref_slice %arg5[%dma_start3A_171, %add3A_159, %dma_start3A_172, %dma_start3A_173] : memref<50x128x2x128xf32, #tpu.memory_space<hbm>> -> memref<50x1x2x128xf32, #tpu.memory_space<hbm>>
    %dma_start3A_175 = tpu.memref_squeeze %dma_start3A_174 : memref<50x1x2x128xf32, #tpu.memory_space<hbm>> -> memref<50x2x128xf32, #tpu.memory_space<hbm>>
    %dma_start3A_176 = arith.constant 0 : i32
    %dma_start3A_177 = arith.constant 0 : i32
    %dma_start3A_178 = arith.constant 0 : i32
    %dma_start3A_179 = tpu.memref_slice %arg10[%dma_start3A_160, %dma_start3A_176, %dma_start3A_177, %dma_start3A_178] : memref<2x50x2x128xf32, #tpu.memory_space<vmem>> -> memref<1x50x2x128xf32, #tpu.memory_space<vmem>>
    %dma_start3A_180 = tpu.memref_squeeze %dma_start3A_179 : memref<1x50x2x128xf32, #tpu.memory_space<vmem>> -> memref<50x2x128xf32, #tpu.memory_space<vmem>>
    tpu.enqueue_dma source(%dma_start3A_180 : memref<50x2x128xf32, #tpu.memory_space<vmem>>) target(%dma_start3A_175 : memref<50x2x128xf32, #tpu.memory_space<hbm>>) target_semaphore(%arg13 : memref<!tpu.dma_semaphore, #tpu.memory_space<semaphore_mem>>)
    %dma_wait3A_181 = arith.constant 0 : i32
    %dma_wait3A_182 = arith.constant 0 : i32
    %dma_wait3A_183 = arith.constant 0 : i32
    %dma_wait3A_184 = tpu.memref_slice %arg4[%dma_wait3A_181, %add3A_113, %dma_wait3A_182, %dma_wait3A_183] : memref<7x128x8x128xi32, #tpu.memory_space<hbm>> -> memref<7x1x8x128xi32, #tpu.memory_space<hbm>>
    %dma_wait3A_185 = tpu.memref_squeeze %dma_wait3A_184 : memref<7x1x8x128xi32, #tpu.memory_space<hbm>> -> memref<7x8x128xi32, #tpu.memory_space<hbm>>
    %dma_wait3A_186 = arith.constant 0 : i32
    %dma_wait3A_187 = arith.constant 0 : i32
    %dma_wait3A_188 = arith.constant 0 : i32
    %dma_wait3A_189 = tpu.memref_slice %arg4[%dma_wait3A_186, %add3A_113, %dma_wait3A_187, %dma_wait3A_188] : memref<7x128x8x128xi32, #tpu.memory_space<hbm>> -> memref<7x1x8x128xi32, #tpu.memory_space<hbm>>
    %dma_wait3A_190 = tpu.memref_squeeze %dma_wait3A_189 : memref<7x1x8x128xi32, #tpu.memory_space<hbm>> -> memref<7x8x128xi32, #tpu.memory_space<hbm>>
    tpu.wait_dma2 semaphore(%arg12 : memref<!tpu.dma_semaphore, #tpu.memory_space<semaphore_mem>>) src(%dma_wait3A_190 : memref<7x8x128xi32, #tpu.memory_space<hbm>>) dst(%arg9 : memref<7x8x128xi32, #tpu.memory_space<vmem>>)
    %dma_wait3A_191 = arith.constant 1 : i32
    %dma_wait3A_192 = arith.constant 0 : i32
    %dma_wait3A_193 = arith.constant 0 : i32
    %dma_wait3A_194 = arith.constant 0 : i32
    %dma_wait3A_195 = tpu.memref_slice %arg10[%dma_wait3A_191, %dma_wait3A_192, %dma_wait3A_193, %dma_wait3A_194] : memref<2x50x2x128xf32, #tpu.memory_space<vmem>> -> memref<1x50x2x128xf32, #tpu.memory_space<vmem>>
    %dma_wait3A_196 = tpu.memref_squeeze %dma_wait3A_195 : memref<1x50x2x128xf32, #tpu.memory_space<vmem>> -> memref<50x2x128xf32, #tpu.memory_space<vmem>>
    %dma_wait3A_197 = arith.constant 0 : i32
    %dma_wait3A_198 = arith.constant 0 : i32
    %dma_wait3A_199 = arith.constant 0 : i32
    %dma_wait3A_200 = tpu.memref_slice %arg5[%dma_wait3A_197, %add3A_88, %dma_wait3A_198, %dma_wait3A_199] : memref<50x128x2x128xf32, #tpu.memory_space<hbm>> -> memref<50x1x2x128xf32, #tpu.memory_space<hbm>>
    %dma_wait3A_201 = tpu.memref_squeeze %dma_wait3A_200 : memref<50x1x2x128xf32, #tpu.memory_space<hbm>> -> memref<50x2x128xf32, #tpu.memory_space<hbm>>
    %dma_wait3A_202 = arith.constant 0 : i32
    %dma_wait3A_203 = arith.constant 0 : i32
    %dma_wait3A_204 = arith.constant 0 : i32
    %dma_wait3A_205 = tpu.memref_slice %arg5[%dma_wait3A_202, %add3A_88, %dma_wait3A_203, %dma_wait3A_204] : memref<50x128x2x128xf32, #tpu.memory_space<hbm>> -> memref<50x1x2x128xf32, #tpu.memory_space<hbm>>
    %dma_wait3A_206 = tpu.memref_squeeze %dma_wait3A_205 : memref<50x1x2x128xf32, #tpu.memory_space<hbm>> -> memref<50x2x128xf32, #tpu.memory_space<hbm>>
    %dma_wait3A_207 = arith.constant 0 : i32
    %dma_wait3A_208 = arith.constant 0 : i32
    %dma_wait3A_209 = arith.constant 0 : i32
    %dma_wait3A_210 = tpu.memref_slice %arg10[%dma_wait3A_191, %dma_wait3A_207, %dma_wait3A_208, %dma_wait3A_209] : memref<2x50x2x128xf32, #tpu.memory_space<vmem>> -> memref<1x50x2x128xf32, #tpu.memory_space<vmem>>
    %dma_wait3A_211 = tpu.memref_squeeze %dma_wait3A_210 : memref<1x50x2x128xf32, #tpu.memory_space<vmem>> -> memref<50x2x128xf32, #tpu.memory_space<vmem>>
    tpu.wait_dma2 semaphore(%arg14 : memref<!tpu.dma_semaphore, #tpu.memory_space<semaphore_mem>>) src(%dma_wait3A_211 : memref<50x2x128xf32, #tpu.memory_space<vmem>>) dst(%dma_wait3A_206 : memref<50x2x128xf32, #tpu.memory_space<hbm>>)
    %parallel_loop3A_212 = arith.constant 0 : i32
    %parallel_loop3A_213 = arith.constant 50 : i32
    %parallel_loop3A_214 = arith.constant 1 : i32
    scf.for %parallel_loop3A_280 = %parallel_loop3A_212 to %parallel_loop3A_213 step %parallel_loop3A_214  : i32 {
      %parallel_loop3A_281 = arith.constant 3 : i32
      %parallel_loop3A_282 = arith.shrsi %parallel_loop3A_280, %parallel_loop3A_281 : i32
      %parallel_loop3A_283 = arith.constant 7 : i32
      %parallel_loop3A_284 = arith.andi %parallel_loop3A_280, %parallel_loop3A_283 : i32
      %parallel_loop3A_285 = arith.index_cast %parallel_loop3A_282 : i32 to index
      %parallel_loop3A_286 = arith.index_cast %parallel_loop3A_284 : i32 to index
      %parallel_loop3A_287 = arith.constant 0 : index
      %parallel_loop3A_288 = tpu.vector_load %arg9[%parallel_loop3A_285, %parallel_loop3A_286, %parallel_loop3A_287] {strides = array<i32>} : memref<7x8x128xi32, #tpu.memory_space<vmem>>, vector<16xi32>,
      %parallel_loop3A_289 = tpu.vector_load_idx %arg6[%parallel_loop3A_288] : memref<1000xf32, #tpu.memory_space<vmem>>[vector<16xi32>], vector<16xf32>,
      %parallel_loop3A_290 = tpu.vector_load_idx %arg7[%parallel_loop3A_288] : memref<1000xf32, #tpu.memory_space<vmem>>[vector<16xi32>], vector<16xf32>,
      %parallel_loop3A_291 = arith.constant 1 : i32
      %parallel_loop3A_292 = arith.constant 0 : i32
      %parallel_loop3A_293 = arith.index_cast %parallel_loop3A_291 : i32 to index
      %parallel_loop3A_294 = arith.index_cast %parallel_loop3A_280 : i32 to index
      %parallel_loop3A_295 = arith.index_cast %parallel_loop3A_292 : i32 to index
      %parallel_loop3A_296 = arith.constant 0 : index
      %parallel_loop3A_297 = tpu.vector_load %arg10[%parallel_loop3A_293, %parallel_loop3A_294, %parallel_loop3A_295, %parallel_loop3A_296] {strides = array<i32>} : memref<2x50x2x128xf32, #tpu.memory_space<vmem>>, vector<16xf32>,
      tpu.vector_store %arg10[%parallel_loop3A_293, %parallel_loop3A_294, %parallel_loop3A_295, %parallel_loop3A_296], %parallel_loop3A_289 {strides = array<i32>} : memref<2x50x2x128xf32, #tpu.memory_space<vmem>>, vector<16xf32>,
      %parallel_loop3A_298 = arith.constant 1 : i32
      %parallel_loop3A_299 = arith.constant 1 : i32
      %parallel_loop3A_300 = arith.index_cast %parallel_loop3A_298 : i32 to index
      %parallel_loop3A_301 = arith.index_cast %parallel_loop3A_280 : i32 to index
      %parallel_loop3A_302 = arith.index_cast %parallel_loop3A_299 : i32 to index
      %parallel_loop3A_303 = arith.constant 0 : index
      %parallel_loop3A_304 = tpu.vector_load %arg10[%parallel_loop3A_300, %parallel_loop3A_301, %parallel_loop3A_302, %parallel_loop3A_303] {strides = array<i32>} : memref<2x50x2x128xf32, #tpu.memory_space<vmem>>, vector<16xf32>,
      tpu.vector_store %arg10[%parallel_loop3A_300, %parallel_loop3A_301, %parallel_loop3A_302, %parallel_loop3A_303], %parallel_loop3A_290 {strides = array<i32>} : memref<2x50x2x128xf32, #tpu.memory_space<vmem>>, vector<16xf32>,
      %parallel_loop3A_305 = arith.index_cast %parallel_loop3A_282 : i32 to index
      %parallel_loop3A_306 = arith.index_cast %parallel_loop3A_284 : i32 to index
      %parallel_loop3A_307 = arith.constant 16 : index
      %parallel_loop3A_308 = tpu.vector_load %arg9[%parallel_loop3A_305, %parallel_loop3A_306, %parallel_loop3A_307] {strides = array<i32>} : memref<7x8x128xi32, #tpu.memory_space<vmem>>, vector<16xi32>,
      %parallel_loop3A_309 = tpu.vector_load_idx %arg6[%parallel_loop3A_308] : memref<1000xf32, #tpu.memory_space<vmem>>[vector<16xi32>], vector<16xf32>,
      %parallel_loop3A_310 = tpu.vector_load_idx %arg7[%parallel_loop3A_308] : memref<1000xf32, #tpu.memory_space<vmem>>[vector<16xi32>], vector<16xf32>,
      %parallel_loop3A_311 = arith.constant 1 : i32
      %parallel_loop3A_312 = arith.constant 0 : i32
      %parallel_loop3A_313 = arith.index_cast %parallel_loop3A_311 : i32 to index
      %parallel_loop3A_314 = arith.index_cast %parallel_loop3A_280 : i32 to index
      %parallel_loop3A_315 = arith.index_cast %parallel_loop3A_312 : i32 to index
      %parallel_loop3A_316 = arith.constant 16 : index
      %parallel_loop3A_317 = tpu.vector_load %arg10[%parallel_loop3A_313, %parallel_loop3A_314, %parallel_loop3A_315, %parallel_loop3A_316] {strides = array<i32>} : memref<2x50x2x128xf32, #tpu.memory_space<vmem>>, vector<16xf32>,
      tpu.vector_store %arg10[%parallel_loop3A_313, %parallel_loop3A_314, %parallel_loop3A_315, %parallel_loop3A_316], %parallel_loop3A_309 {strides = array<i32>} : memref<2x50x2x128xf32, #tpu.memory_space<vmem>>, vector<16xf32>,
      %parallel_loop3A_318 = arith.constant 1 : i32
      %parallel_loop3A_319 = arith.constant 1 : i32
      %parallel_loop3A_320 = arith.index_cast %parallel_loop3A_318 : i32 to index
      %parallel_loop3A_321 = arith.index_cast %parallel_loop3A_280 : i32 to index
      %parallel_loop3A_322 = arith.index_cast %parallel_loop3A_319 : i32 to index
      %parallel_loop3A_323 = arith.constant 16 : index
      %parallel_loop3A_324 = tpu.vector_load %arg10[%parallel_loop3A_320, %parallel_loop3A_321, %parallel_loop3A_322, %parallel_loop3A_323] {strides = array<i32>} : memref<2x50x2x128xf32, #tpu.memory_space<vmem>>, vector<16xf32>,
      tpu.vector_store %arg10[%parallel_loop3A_320, %parallel_loop3A_321, %parallel_loop3A_322, %parallel_loop3A_323], %parallel_loop3A_310 {strides = array<i32>} : memref<2x50x2x128xf32, #tpu.memory_space<vmem>>, vector<16xf32>,
      %parallel_loop3A_325 = arith.index_cast %parallel_loop3A_282 : i32 to index
      %parallel_loop3A_326 = arith.index_cast %parallel_loop3A_284 : i32 to index
      %parallel_loop3A_327 = arith.constant 32 : index
      %parallel_loop3A_328 = tpu.vector_load %arg9[%parallel_loop3A_325, %parallel_loop3A_326, %parallel_loop3A_327] {strides = array<i32>} : memref<7x8x128xi32, #tpu.memory_space<vmem>>, vector<16xi32>,
      %parallel_loop3A_329 = tpu.vector_load_idx %arg6[%parallel_loop3A_328] : memref<1000xf32, #tpu.memory_space<vmem>>[vector<16xi32>], vector<16xf32>,
      %parallel_loop3A_330 = tpu.vector_load_idx %arg7[%parallel_loop3A_328] : memref<1000xf32, #tpu.memory_space<vmem>>[vector<16xi32>], vector<16xf32>,
      %parallel_loop3A_331 = arith.constant 1 : i32
      %parallel_loop3A_332 = arith.constant 0 : i32
      %parallel_loop3A_333 = arith.index_cast %parallel_loop3A_331 : i32 to index
      %parallel_loop3A_334 = arith.index_cast %parallel_loop3A_280 : i32 to index
      %parallel_loop3A_335 = arith.index_cast %parallel_loop3A_332 : i32 to index
      %parallel_loop3A_336 = arith.constant 32 : index
      %parallel_loop3A_337 = tpu.vector_load %arg10[%parallel_loop3A_333, %parallel_loop3A_334, %parallel_loop3A_335, %parallel_loop3A_336] {strides = array<i32>} : memref<2x50x2x128xf32, #tpu.memory_space<vmem>>, vector<16xf32>,
      tpu.vector_store %arg10[%parallel_loop3A_333, %parallel_loop3A_334, %parallel_loop3A_335, %parallel_loop3A_336], %parallel_loop3A_329 {strides = array<i32>} : memref<2x50x2x128xf32, #tpu.memory_space<vmem>>, vector<16xf32>,
      %parallel_loop3A_338 = arith.constant 1 : i32
      %parallel_loop3A_339 = arith.constant 1 : i32
      %parallel_loop3A_340 = arith.index_cast %parallel_loop3A_338 : i32 to index
      %parallel_loop3A_341 = arith.index_cast %parallel_loop3A_280 : i32 to index
      %parallel_loop3A_342 = arith.index_cast %parallel_loop3A_339 : i32 to index
      %parallel_loop3A_343 = arith.constant 32 : index
      %parallel_loop3A_344 = tpu.vector_load %arg10[%parallel_loop3A_340, %parallel_loop3A_341, %parallel_loop3A_342, %parallel_loop3A_343] {strides = array<i32>} : memref<2x50x2x128xf32, #tpu.memory_space<vmem>>, vector<16xf32>,
      tpu.vector_store %arg10[%parallel_loop3A_340, %parallel_loop3A_341, %parallel_loop3A_342, %parallel_loop3A_343], %parallel_loop3A_330 {strides = array<i32>} : memref<2x50x2x128xf32, #tpu.memory_space<vmem>>, vector<16xf32>,
      %parallel_loop3A_345 = arith.index_cast %parallel_loop3A_282 : i32 to index
      %parallel_loop3A_346 = arith.index_cast %parallel_loop3A_284 : i32 to index
      %parallel_loop3A_347 = arith.constant 48 : index
      %parallel_loop3A_348 = tpu.vector_load %arg9[%parallel_loop3A_345, %parallel_loop3A_346, %parallel_loop3A_347] {strides = array<i32>} : memref<7x8x128xi32, #tpu.memory_space<vmem>>, vector<16xi32>,
      %parallel_loop3A_349 = tpu.vector_load_idx %arg6[%parallel_loop3A_348] : memref<1000xf32, #tpu.memory_space<vmem>>[vector<16xi32>], vector<16xf32>,
      %parallel_loop3A_350 = tpu.vector_load_idx %arg7[%parallel_loop3A_348] : memref<1000xf32, #tpu.memory_space<vmem>>[vector<16xi32>], vector<16xf32>,
      %parallel_loop3A_351 = arith.constant 1 : i32
      %parallel_loop3A_352 = arith.constant 0 : i32
      %parallel_loop3A_353 = arith.index_cast %parallel_loop3A_351 : i32 to index
      %parallel_loop3A_354 = arith.index_cast %parallel_loop3A_280 : i32 to index
      %parallel_loop3A_355 = arith.index_cast %parallel_loop3A_352 : i32 to index
      %parallel_loop3A_356 = arith.constant 48 : index
      %parallel_loop3A_357 = tpu.vector_load %arg10[%parallel_loop3A_353, %parallel_loop3A_354, %parallel_loop3A_355, %parallel_loop3A_356] {strides = array<i32>} : memref<2x50x2x128xf32, #tpu.memory_space<vmem>>, vector<16xf32>,
      tpu.vector_store %arg10[%parallel_loop3A_353, %parallel_loop3A_354, %parallel_loop3A_355, %parallel_loop3A_356], %parallel_loop3A_349 {strides = array<i32>} : memref<2x50x2x128xf32, #tpu.memory_space<vmem>>, vector<16xf32>,
      %parallel_loop3A_358 = arith.constant 1 : i32
      %parallel_loop3A_359 = arith.constant 1 : i32
      %parallel_loop3A_360 = arith.index_cast %parallel_loop3A_358 : i32 to index
      %parallel_loop3A_361 = arith.index_cast %parallel_loop3A_280 : i32 to index
      %parallel_loop3A_362 = arith.index_cast %parallel_loop3A_359 : i32 to index
      %parallel_loop3A_363 = arith.constant 48 : index
      %parallel_loop3A_364 = tpu.vector_load %arg10[%parallel_loop3A_360, %parallel_loop3A_361, %parallel_loop3A_362, %parallel_loop3A_363] {strides = array<i32>} : memref<2x50x2x128xf32, #tpu.memory_space<vmem>>, vector<16xf32>,
      tpu.vector_store %arg10[%parallel_loop3A_360, %parallel_loop3A_361, %parallel_loop3A_362, %parallel_loop3A_363], %parallel_loop3A_350 {strides = array<i32>} : memref<2x50x2x128xf32, #tpu.memory_space<vmem>>, vector<16xf32>,
      %parallel_loop3A_365 = arith.index_cast %parallel_loop3A_282 : i32 to index
      %parallel_loop3A_366 = arith.index_cast %parallel_loop3A_284 : i32 to index
      %parallel_loop3A_367 = arith.constant 64 : index
      %parallel_loop3A_368 = tpu.vector_load %arg9[%parallel_loop3A_365, %parallel_loop3A_366, %parallel_loop3A_367] {strides = array<i32>} : memref<7x8x128xi32, #tpu.memory_space<vmem>>, vector<16xi32>,
      %parallel_loop3A_369 = tpu.vector_load_idx %arg6[%parallel_loop3A_368] : memref<1000xf32, #tpu.memory_space<vmem>>[vector<16xi32>], vector<16xf32>,
      %parallel_loop3A_370 = tpu.vector_load_idx %arg7[%parallel_loop3A_368] : memref<1000xf32, #tpu.memory_space<vmem>>[vector<16xi32>], vector<16xf32>,
      %parallel_loop3A_371 = arith.constant 1 : i32
      %parallel_loop3A_372 = arith.constant 0 : i32
      %parallel_loop3A_373 = arith.index_cast %parallel_loop3A_371 : i32 to index
      %parallel_loop3A_374 = arith.index_cast %parallel_loop3A_280 : i32 to index
      %parallel_loop3A_375 = arith.index_cast %parallel_loop3A_372 : i32 to index
      %parallel_loop3A_376 = arith.constant 64 : index
      %parallel_loop3A_377 = tpu.vector_load %arg10[%parallel_loop3A_373, %parallel_loop3A_374, %parallel_loop3A_375, %parallel_loop3A_376] {strides = array<i32>} : memref<2x50x2x128xf32, #tpu.memory_space<vmem>>, vector<16xf32>,
      tpu.vector_store %arg10[%parallel_loop3A_373, %parallel_loop3A_374, %parallel_loop3A_375, %parallel_loop3A_376], %parallel_loop3A_369 {strides = array<i32>} : memref<2x50x2x128xf32, #tpu.memory_space<vmem>>, vector<16xf32>,
      %parallel_loop3A_378 = arith.constant 1 : i32
      %parallel_loop3A_379 = arith.constant 1 : i32
      %parallel_loop3A_380 = arith.index_cast %parallel_loop3A_378 : i32 to index
      %parallel_loop3A_381 = arith.index_cast %parallel_loop3A_280 : i32 to index
      %parallel_loop3A_382 = arith.index_cast %parallel_loop3A_379 : i32 to index
      %parallel_loop3A_383 = arith.constant 64 : index
      %parallel_loop3A_384 = tpu.vector_load %arg10[%parallel_loop3A_380, %parallel_loop3A_381, %parallel_loop3A_382, %parallel_loop3A_383] {strides = array<i32>} : memref<2x50x2x128xf32, #tpu.memory_space<vmem>>, vector<16xf32>,
      tpu.vector_store %arg10[%parallel_loop3A_380, %parallel_loop3A_381, %parallel_loop3A_382, %parallel_loop3A_383], %parallel_loop3A_370 {strides = array<i32>} : memref<2x50x2x128xf32, #tpu.memory_space<vmem>>, vector<16xf32>,
      %parallel_loop3A_385 = arith.index_cast %parallel_loop3A_282 : i32 to index
      %parallel_loop3A_386 = arith.index_cast %parallel_loop3A_284 : i32 to index
      %parallel_loop3A_387 = arith.constant 80 : index
      %parallel_loop3A_388 = tpu.vector_load %arg9[%parallel_loop3A_385, %parallel_loop3A_386, %parallel_loop3A_387] {strides = array<i32>} : memref<7x8x128xi32, #tpu.memory_space<vmem>>, vector<16xi32>,
      %parallel_loop3A_389 = tpu.vector_load_idx %arg6[%parallel_loop3A_388] : memref<1000xf32, #tpu.memory_space<vmem>>[vector<16xi32>], vector<16xf32>,
      %parallel_loop3A_390 = tpu.vector_load_idx %arg7[%parallel_loop3A_388] : memref<1000xf32, #tpu.memory_space<vmem>>[vector<16xi32>], vector<16xf32>,
      %parallel_loop3A_391 = arith.constant 1 : i32
      %parallel_loop3A_392 = arith.constant 0 : i32
      %parallel_loop3A_393 = arith.index_cast %parallel_loop3A_391 : i32 to index
      %parallel_loop3A_394 = arith.index_cast %parallel_loop3A_280 : i32 to index
      %parallel_loop3A_395 = arith.index_cast %parallel_loop3A_392 : i32 to index
      %parallel_loop3A_396 = arith.constant 80 : index
      %parallel_loop3A_397 = tpu.vector_load %arg10[%parallel_loop3A_393, %parallel_loop3A_394, %parallel_loop3A_395, %parallel_loop3A_396] {strides = array<i32>} : memref<2x50x2x128xf32, #tpu.memory_space<vmem>>, vector<16xf32>,
      tpu.vector_store %arg10[%parallel_loop3A_393, %parallel_loop3A_394, %parallel_loop3A_395, %parallel_loop3A_396], %parallel_loop3A_389 {strides = array<i32>} : memref<2x50x2x128xf32, #tpu.memory_space<vmem>>, vector<16xf32>,
      %parallel_loop3A_398 = arith.constant 1 : i32
      %parallel_loop3A_399 = arith.constant 1 : i32
      %parallel_loop3A_400 = arith.index_cast %parallel_loop3A_398 : i32 to index
      %parallel_loop3A_401 = arith.index_cast %parallel_loop3A_280 : i32 to index
      %parallel_loop3A_402 = arith.index_cast %parallel_loop3A_399 : i32 to index
      %parallel_loop3A_403 = arith.constant 80 : index
      %parallel_loop3A_404 = tpu.vector_load %arg10[%parallel_loop3A_400, %parallel_loop3A_401, %parallel_loop3A_402, %parallel_loop3A_403] {strides = array<i32>} : memref<2x50x2x128xf32, #tpu.memory_space<vmem>>, vector<16xf32>,
      tpu.vector_store %arg10[%parallel_loop3A_400, %parallel_loop3A_401, %parallel_loop3A_402, %parallel_loop3A_403], %parallel_loop3A_390 {strides = array<i32>} : memref<2x50x2x128xf32, #tpu.memory_space<vmem>>, vector<16xf32>,
      %parallel_loop3A_405 = arith.index_cast %parallel_loop3A_282 : i32 to index
      %parallel_loop3A_406 = arith.index_cast %parallel_loop3A_284 : i32 to index
      %parallel_loop3A_407 = arith.constant 96 : index
      %parallel_loop3A_408 = tpu.vector_load %arg9[%parallel_loop3A_405, %parallel_loop3A_406, %parallel_loop3A_407] {strides = array<i32>} : memref<7x8x128xi32, #tpu.memory_space<vmem>>, vector<16xi32>,
      %parallel_loop3A_409 = tpu.vector_load_idx %arg6[%parallel_loop3A_408] : memref<1000xf32, #tpu.memory_space<vmem>>[vector<16xi32>], vector<16xf32>,
      %parallel_loop3A_410 = tpu.vector_load_idx %arg7[%parallel_loop3A_408] : memref<1000xf32, #tpu.memory_space<vmem>>[vector<16xi32>], vector<16xf32>,
      %parallel_loop3A_411 = arith.constant 1 : i32
      %parallel_loop3A_412 = arith.constant 0 : i32
      %parallel_loop3A_413 = arith.index_cast %parallel_loop3A_411 : i32 to index
      %parallel_loop3A_414 = arith.index_cast %parallel_loop3A_280 : i32 to index
      %parallel_loop3A_415 = arith.index_cast %parallel_loop3A_412 : i32 to index
      %parallel_loop3A_416 = arith.constant 96 : index
      %parallel_loop3A_417 = tpu.vector_load %arg10[%parallel_loop3A_413, %parallel_loop3A_414, %parallel_loop3A_415, %parallel_loop3A_416] {strides = array<i32>} : memref<2x50x2x128xf32, #tpu.memory_space<vmem>>, vector<16xf32>,
      tpu.vector_store %arg10[%parallel_loop3A_413, %parallel_loop3A_414, %parallel_loop3A_415, %parallel_loop3A_416], %parallel_loop3A_409 {strides = array<i32>} : memref<2x50x2x128xf32, #tpu.memory_space<vmem>>, vector<16xf32>,
      %parallel_loop3A_418 = arith.constant 1 : i32
      %parallel_loop3A_419 = arith.constant 1 : i32
      %parallel_loop3A_420 = arith.index_cast %parallel_loop3A_418 : i32 to index
      %parallel_loop3A_421 = arith.index_cast %parallel_loop3A_280 : i32 to index
      %parallel_loop3A_422 = arith.index_cast %parallel_loop3A_419 : i32 to index
      %parallel_loop3A_423 = arith.constant 96 : index
      %parallel_loop3A_424 = tpu.vector_load %arg10[%parallel_loop3A_420, %parallel_loop3A_421, %parallel_loop3A_422, %parallel_loop3A_423] {strides = array<i32>} : memref<2x50x2x128xf32, #tpu.memory_space<vmem>>, vector<16xf32>,
      tpu.vector_store %arg10[%parallel_loop3A_420, %parallel_loop3A_421, %parallel_loop3A_422, %parallel_loop3A_423], %parallel_loop3A_410 {strides = array<i32>} : memref<2x50x2x128xf32, #tpu.memory_space<vmem>>, vector<16xf32>,
      %parallel_loop3A_425 = arith.index_cast %parallel_loop3A_282 : i32 to index
      %parallel_loop3A_426 = arith.index_cast %parallel_loop3A_284 : i32 to index
      %parallel_loop3A_427 = arith.constant 112 : index
      %parallel_loop3A_428 = tpu.vector_load %arg9[%parallel_loop3A_425, %parallel_loop3A_426, %parallel_loop3A_427] {strides = array<i32>} : memref<7x8x128xi32, #tpu.memory_space<vmem>>, vector<16xi32>,
      %parallel_loop3A_429 = tpu.vector_load_idx %arg6[%parallel_loop3A_428] : memref<1000xf32, #tpu.memory_space<vmem>>[vector<16xi32>], vector<16xf32>,
      %parallel_loop3A_430 = tpu.vector_load_idx %arg7[%parallel_loop3A_428] : memref<1000xf32, #tpu.memory_space<vmem>>[vector<16xi32>], vector<16xf32>,
      %parallel_loop3A_431 = arith.constant 1 : i32
      %parallel_loop3A_432 = arith.constant 0 : i32
      %parallel_loop3A_433 = arith.index_cast %parallel_loop3A_431 : i32 to index
      %parallel_loop3A_434 = arith.index_cast %parallel_loop3A_280 : i32 to index
      %parallel_loop3A_435 = arith.index_cast %parallel_loop3A_432 : i32 to index
      %parallel_loop3A_436 = arith.constant 112 : index
      %parallel_loop3A_437 = tpu.vector_load %arg10[%parallel_loop3A_433, %parallel_loop3A_434, %parallel_loop3A_435, %parallel_loop3A_436] {strides = array<i32>} : memref<2x50x2x128xf32, #tpu.memory_space<vmem>>, vector<16xf32>,
      tpu.vector_store %arg10[%parallel_loop3A_433, %parallel_loop3A_434, %parallel_loop3A_435, %parallel_loop3A_436], %parallel_loop3A_429 {strides = array<i32>} : memref<2x50x2x128xf32, #tpu.memory_space<vmem>>, vector<16xf32>,
      %parallel_loop3A_438 = arith.constant 1 : i32
      %parallel_loop3A_439 = arith.constant 1 : i32
      %parallel_loop3A_440 = arith.index_cast %parallel_loop3A_438 : i32 to index
      %parallel_loop3A_441 = arith.index_cast %parallel_loop3A_280 : i32 to index
      %parallel_loop3A_442 = arith.index_cast %parallel_loop3A_439 : i32 to index
      %parallel_loop3A_443 = arith.constant 112 : index
      %parallel_loop3A_444 = tpu.vector_load %arg10[%parallel_loop3A_440, %parallel_loop3A_441, %parallel_loop3A_442, %parallel_loop3A_443] {strides = array<i32>} : memref<2x50x2x128xf32, #tpu.memory_space<vmem>>, vector<16xf32>,
      tpu.vector_store %arg10[%parallel_loop3A_440, %parallel_loop3A_441, %parallel_loop3A_442, %parallel_loop3A_443], %parallel_loop3A_430 {strides = array<i32>} : memref<2x50x2x128xf32, #tpu.memory_space<vmem>>, vector<16xf32>,
    } {sc.loop_unroll_factor = 2 : i64, sc.parallel_access}
    %add3A_215 = arith.constant 3 : i32
    %add3A_216 = arith.addi %mul3A_2, %add3A_215 : i32
    %dma_start3A_217 = arith.constant 1 : i32
    %dma_start3A_218 = arith.constant 0 : i32
    %dma_start3A_219 = arith.constant 0 : i32
    %dma_start3A_220 = arith.constant 0 : i32
    %dma_start3A_221 = tpu.memref_slice %arg10[%dma_start3A_217, %dma_start3A_218, %dma_start3A_219, %dma_start3A_220] : memref<2x50x2x128xf32, #tpu.memory_space<vmem>> -> memref<1x50x2x128xf32, #tpu.memory_space<vmem>>
    %dma_start3A_222 = tpu.memref_squeeze %dma_start3A_221 : memref<1x50x2x128xf32, #tpu.memory_space<vmem>> -> memref<50x2x128xf32, #tpu.memory_space<vmem>>
    %dma_start3A_223 = arith.constant 0 : i32
    %dma_start3A_224 = arith.constant 0 : i32
    %dma_start3A_225 = arith.constant 0 : i32
    %dma_start3A_226 = tpu.memref_slice %arg5[%dma_start3A_223, %add3A_216, %dma_start3A_224, %dma_start3A_225] : memref<50x128x2x128xf32, #tpu.memory_space<hbm>> -> memref<50x1x2x128xf32, #tpu.memory_space<hbm>>
    %dma_start3A_227 = tpu.memref_squeeze %dma_start3A_226 : memref<50x1x2x128xf32, #tpu.memory_space<hbm>> -> memref<50x2x128xf32, #tpu.memory_space<hbm>>
    %dma_start3A_228 = arith.constant 0 : i32
    %dma_start3A_229 = arith.constant 0 : i32
    %dma_start3A_230 = arith.constant 0 : i32
    %dma_start3A_231 = tpu.memref_slice %arg5[%dma_start3A_228, %add3A_216, %dma_start3A_229, %dma_start3A_230] : memref<50x128x2x128xf32, #tpu.memory_space<hbm>> -> memref<50x1x2x128xf32, #tpu.memory_space<hbm>>
    %dma_start3A_232 = tpu.memref_squeeze %dma_start3A_231 : memref<50x1x2x128xf32, #tpu.memory_space<hbm>> -> memref<50x2x128xf32, #tpu.memory_space<hbm>>
    %dma_start3A_233 = arith.constant 0 : i32
    %dma_start3A_234 = arith.constant 0 : i32
    %dma_start3A_235 = arith.constant 0 : i32
    %dma_start3A_236 = tpu.memref_slice %arg10[%dma_start3A_217, %dma_start3A_233, %dma_start3A_234, %dma_start3A_235] : memref<2x50x2x128xf32, #tpu.memory_space<vmem>> -> memref<1x50x2x128xf32, #tpu.memory_space<vmem>>
    %dma_start3A_237 = tpu.memref_squeeze %dma_start3A_236 : memref<1x50x2x128xf32, #tpu.memory_space<vmem>> -> memref<50x2x128xf32, #tpu.memory_space<vmem>>
    tpu.enqueue_dma source(%dma_start3A_237 : memref<50x2x128xf32, #tpu.memory_space<vmem>>) target(%dma_start3A_232 : memref<50x2x128xf32, #tpu.memory_space<hbm>>) target_semaphore(%arg14 : memref<!tpu.dma_semaphore, #tpu.memory_space<semaphore_mem>>)
    %dma_wait3A_238 = arith.constant 0 : i32
    %dma_wait3A_239 = arith.constant 0 : i32
    %dma_wait3A_240 = arith.constant 0 : i32
    %dma_wait3A_241 = arith.constant 0 : i32
    %dma_wait3A_242 = tpu.memref_slice %arg10[%dma_wait3A_238, %dma_wait3A_239, %dma_wait3A_240, %dma_wait3A_241] : memref<2x50x2x128xf32, #tpu.memory_space<vmem>> -> memref<1x50x2x128xf32, #tpu.memory_space<vmem>>
    %dma_wait3A_243 = tpu.memref_squeeze %dma_wait3A_242 : memref<1x50x2x128xf32, #tpu.memory_space<vmem>> -> memref<50x2x128xf32, #tpu.memory_space<vmem>>
    %dma_wait3A_244 = arith.constant 0 : i32
    %dma_wait3A_245 = arith.constant 0 : i32
    %dma_wait3A_246 = arith.constant 0 : i32
    %dma_wait3A_247 = tpu.memref_slice %arg5[%dma_wait3A_244, %add3A_159, %dma_wait3A_245, %dma_wait3A_246] : memref<50x128x2x128xf32, #tpu.memory_space<hbm>> -> memref<50x1x2x128xf32, #tpu.memory_space<hbm>>
    %dma_wait3A_248 = tpu.memref_squeeze %dma_wait3A_247 : memref<50x1x2x128xf32, #tpu.memory_space<hbm>> -> memref<50x2x128xf32, #tpu.memory_space<hbm>>
    %dma_wait3A_249 = arith.constant 0 : i32
    %dma_wait3A_250 = arith.constant 0 : i32
    %dma_wait3A_251 = arith.constant 0 : i32
    %dma_wait3A_252 = tpu.memref_slice %arg5[%dma_wait3A_249, %add3A_159, %dma_wait3A_250, %dma_wait3A_251] : memref<50x128x2x128xf32, #tpu.memory_space<hbm>> -> memref<50x1x2x128xf32, #tpu.memory_space<hbm>>
    %dma_wait3A_253 = tpu.memref_squeeze %dma_wait3A_252 : memref<50x1x2x128xf32, #tpu.memory_space<hbm>> -> memref<50x2x128xf32, #tpu.memory_space<hbm>>
    %dma_wait3A_254 = arith.constant 0 : i32
    %dma_wait3A_255 = arith.constant 0 : i32
    %dma_wait3A_256 = arith.constant 0 : i32
    %dma_wait3A_257 = tpu.memref_slice %arg10[%dma_wait3A_238, %dma_wait3A_254, %dma_wait3A_255, %dma_wait3A_256] : memref<2x50x2x128xf32, #tpu.memory_space<vmem>> -> memref<1x50x2x128xf32, #tpu.memory_space<vmem>>
    %dma_wait3A_258 = tpu.memref_squeeze %dma_wait3A_257 : memref<1x50x2x128xf32, #tpu.memory_space<vmem>> -> memref<50x2x128xf32, #tpu.memory_space<vmem>>
    tpu.wait_dma2 semaphore(%arg13 : memref<!tpu.dma_semaphore, #tpu.memory_space<semaphore_mem>>) src(%dma_wait3A_258 : memref<50x2x128xf32, #tpu.memory_space<vmem>>) dst(%dma_wait3A_253 : memref<50x2x128xf32, #tpu.memory_space<hbm>>)
    %dma_wait3A_259 = arith.constant 1 : i32
    %dma_wait3A_260 = arith.constant 0 : i32
    %dma_wait3A_261 = arith.constant 0 : i32
    %dma_wait3A_262 = arith.constant 0 : i32
    %dma_wait3A_263 = tpu.memref_slice %arg10[%dma_wait3A_259, %dma_wait3A_260, %dma_wait3A_261, %dma_wait3A_262] : memref<2x50x2x128xf32, #tpu.memory_space<vmem>> -> memref<1x50x2x128xf32, #tpu.memory_space<vmem>>
    %dma_wait3A_264 = tpu.memref_squeeze %dma_wait3A_263 : memref<1x50x2x128xf32, #tpu.memory_space<vmem>> -> memref<50x2x128xf32, #tpu.memory_space<vmem>>
    %dma_wait3A_265 = arith.constant 0 : i32
    %dma_wait3A_266 = arith.constant 0 : i32
    %dma_wait3A_267 = arith.constant 0 : i32
    %dma_wait3A_268 = tpu.memref_slice %arg5[%dma_wait3A_265, %add3A_216, %dma_wait3A_266, %dma_wait3A_267] : memref<50x128x2x128xf32, #tpu.memory_space<hbm>> -> memref<50x1x2x128xf32, #tpu.memory_space<hbm>>
    %dma_wait3A_269 = tpu.memref_squeeze %dma_wait3A_268 : memref<50x1x2x128xf32, #tpu.memory_space<hbm>> -> memref<50x2x128xf32, #tpu.memory_space<hbm>>
    %dma_wait3A_270 = arith.constant 0 : i32
    %dma_wait3A_271 = arith.constant 0 : i32
    %dma_wait3A_272 = arith.constant 0 : i32
    %dma_wait3A_273 = tpu.memref_slice %arg5[%dma_wait3A_270, %add3A_216, %dma_wait3A_271, %dma_wait3A_272] : memref<50x128x2x128xf32, #tpu.memory_space<hbm>> -> memref<50x1x2x128xf32, #tpu.memory_space<hbm>>
    %dma_wait3A_274 = tpu.memref_squeeze %dma_wait3A_273 : memref<50x1x2x128xf32, #tpu.memory_space<hbm>> -> memref<50x2x128xf32, #tpu.memory_space<hbm>>
    %dma_wait3A_275 = arith.constant 0 : i32
    %dma_wait3A_276 = arith.constant 0 : i32
    %dma_wait3A_277 = arith.constant 0 : i32
    %dma_wait3A_278 = tpu.memref_slice %arg10[%dma_wait3A_259, %dma_wait3A_275, %dma_wait3A_276, %dma_wait3A_277] : memref<2x50x2x128xf32, #tpu.memory_space<vmem>> -> memref<1x50x2x128xf32, #tpu.memory_space<vmem>>
    %dma_wait3A_279 = tpu.memref_squeeze %dma_wait3A_278 : memref<1x50x2x128xf32, #tpu.memory_space<vmem>> -> memref<50x2x128xf32, #tpu.memory_space<vmem>>
    tpu.wait_dma2 semaphore(%arg14 : memref<!tpu.dma_semaphore, #tpu.memory_space<semaphore_mem>>) src(%dma_wait3A_279 : memref<50x2x128xf32, #tpu.memory_space<vmem>>) dst(%dma_wait3A_274 : memref<50x2x128xf32, #tpu.memory_space<hbm>>)
    return
  }
}

</mosaic_0001>

<sc_bundles>
// kernel: kernel.3.cloned.1.call-start
scs
__scs_entry_jumppad:
0x0: {  	(pc) =	sbr.rel $0x88, $3  }
0x1: {  	(tag) =	ssettag $0x0;
	lr =	simm.s32 $0x1  }
0x2: {  	[smem:$0x3F9E] =	sst lr;
	_ =	strace $0xD0000000  }
0x3: {  	_ = 	snop  }
0x4: {  	_ = 	snop  }
0x5: {  	_ = 	snop  }
0x6: {  	_ = 	snop  }
0x7: {  	_ = 	snop  }
__scs_overlays_trampoline_lowered:
0x8: {  	[smem:$0x3FAD] =	sst s0  }
0x9: {  	[smem:$0x3FAE] =	sst s1  }
0xa: {  	[smem:$0x3FAF] =	sst s2  }
0xb: {  	[smem:$0x3FB0] =	sst s3  }
0xc: {  	[smem:$0x3FB1] =	sst s4  }
0xd: {  	[smem:$0x3FB2] =	sst s5  }
0xe: {  	[smem:$0x3FB3] =	sst s6  }
0xf: {  	[smem:$0x3FB4] =	sst s7  }
0x10: {  	[smem:$0x3FB5] =	sst s8  }
0x11: {  	[smem:$0x3FB6] =	sst s9;
	s0 =	simm.s32 @!p0 $0x0  }
0x12: {  	s1 =	sld [smem:$0x3F9C];
	s0 =	simm.s32 @p0 $0x1  }
0x13: {  	[smem:$0x3FB7] =	sst s0;
	s0 =	simm.s32 @!p1 $0x0  }
0x14: {  	s2 =	sld [smem:$0x3F9B];
	s0 =	simm.s32 @p1 $0x1  }
0x15: {  	[smem:$0x3FB8] =	sst s0;
	s0 =	simm.s32 @!p2 $0x0  }
0x16: {  	s3 =	sld [smem:$0x3FDB];
	s0 =	simm.s32 @p2 $0x1  }
0x17: {  	s4 =	simm.s32 $0x1BF5;
	[smem:$0x3FBA] =	sst s0  }
0x18: {  	s0 =	sld [smem:$0x3F9D];
	_ =	swait.ge [sflag:s4], $0x0  }
0x19: {  	s7 =	sld [smem:$0x3F9E]  }
0x1a: {  	s8 =	sadd.s32 $0xFFFFE003, lr  }
0x1b: {  	s9 =	sadd.s32 $0xFFFFFEF7, lr;
	s5 =	simm.s32 $0xFFFFFFFF;
	p2 =	slt.u32 s8, $0xFFFFF086  }
0x1c: {  	p1 =	slt.u32 s9, $0xF7A;
	s5 =	simm.s32 @!p2 $0x0  }
0x1d: {  	s5 =	simm.s32 @p1 $0x1;
	p0 =	seq.s32 s7, s2  }
0x1e: {  	s7 =	smul.u32 @!p0 $0xF7A, s2;
	p2 =	seq.s32 @!p0 s5, $0x0  }
0x1f: {  	s9 =	smul.u32 $0xF7A, s1;
	s8 =	simm.s32 @!p0 $0x1BF5;
	p2 =	por !p2, p0  }
0x20: {  	[sflag:s8] =	ssyncset.s32 @!p0 $0xFFFFF086;
	s6 =	sadd.s32 @!p0 s3, s7;
	s7 =	simm.s32 @!p0 $0x108  }
0x21: {  	s3 =	sadd.s32 s3, s9;
	s6 =	sadd.s32 @!p0 $0x88, s6;
	s7 =	simm.s32 @p2 $0x1082  }
0x22: {  	[simem:s7], [sflag:s8] =	dma.local @!p0 [hbm:s6], $0xF7A  }
0x23: {  	s9 =	sor.u32 $0xD0000000, s2;
	s6 =	simm.s32 $0x108;
	_ =	swait.ge @!p0 [sflag:s8], $0x0  }
0x24: {  	s3 =	sadd.s32 $0x88, s3;
	s6 =	simm.s32 @!p1 $0x1082;
	[sflag:s4] =	ssyncset.s32 $0xFFFFF086  }
0x25: {  	[simem:s6], [sflag:s4] =	dma.local [hbm:s3], $0xF7A  }
0x26: {  	[smem:$0x3F9E] =	sst s1;
	(tag) =	ssettag s2;
	_ =	strace s9  }
0x27: {  	s1 =	sld [smem:$0x3FAE]  }
0x28: {  	s2 =	sld [smem:$0x3FAF]  }
0x29: {  	s4 =	sld [smem:$0x3FB1]  }
0x2a: {  	p0 =	seq.s32 s5, $0x0;
	s5 =	sld [smem:$0x3FB2]  }
0x2b: {  	s6 =	sld [smem:$0x3FB3]  }
0x2c: {  	s7 =	sld [smem:$0x3FB4]  }
0x2d: {  	s3 =	simm.s32 $0x108;
	s8 =	sld [smem:$0x3FB5]  }
0x2e: {  	s3 =	simm.s32 @!p0 $0x1082;
	s9 =	sld [smem:$0x3FB6]  }
0x2f: {  	lr =	sadd.s32 s0, s3;
	s0 =	sld [smem:$0x3FAD]  }
0x30: {  	s3 =	sld [smem:$0x3FB0]  }
0x31: {  	[smem:$0x3FB9] =	sst s10  }
0x32: {  	s10 =	sld [smem:$0x3FB7];
	_ =	sdelay $0x3  }
0x33: {  	p0 =	seq.s32 s10, $0x1;
	s10 =	sld [smem:$0x3FB9];
	_ =	sdelay $0x3  }
0x34: {  	[smem:$0x3FB9] =	sst s10  }
0x35: {  	s10 =	sld [smem:$0x3FB8];
	_ =	sdelay $0x3  }
0x36: {  	p1 =	seq.s32 s10, $0x1;
	s10 =	sld [smem:$0x3FB9];
	_ =	sdelay $0x3  }
0x37: {  	[smem:$0x3FB9] =	sst s10  }
0x38: {  	s10 =	sld [smem:$0x3FBA]  }
0x39: {  	_ = 	snop;
	(pc) =	sbr.ind lr, $3  }
0x3a: {  	_ = 	snop  }
0x3b: {  	_ = 	snop  }
0x3c: {  	p2 =	seq.s32 s10, $0x1;
	s10 =	sld [smem:$0x3FB9]  }
0x3d: {  	_ =	shalt  }
0x3e: {  	_ =	shalt  }
0x3f: {  	_ =	shalt  }
0x40: {  	_ =	shalt  }
0x41: {  	_ =	shalt  }
0x42: {  	_ =	shalt  }
0x43: {  	_ =	shalt  }
0x44: {  	_ =	shalt  }
0x45: {  	_ =	shalt  }
0x46: {  	_ =	shalt  }
0x47: {  	_ =	shalt  }
0x48: {  	_ =	shalt  }
0x49: {  	_ =	shalt  }
0x4a: {  	_ =	shalt  }
0x4b: {  	_ =	shalt  }
0x4c: {  	_ =	shalt  }
0x4d: {  	_ =	shalt  }
0x4e: {  	_ =	shalt  }
0x4f: {  	_ =	shalt  }
0x50: {  	_ =	shalt  }
0x51: {  	_ =	shalt  }
0x52: {  	_ =	shalt  }
0x53: {  	_ =	shalt  }
0x54: {  	_ =	shalt  }
0x55: {  	_ =	shalt  }
0x56: {  	_ =	shalt  }
0x57: {  	_ =	shalt  }
0x58: {  	_ =	shalt  }
0x59: {  	_ =	shalt  }
0x5a: {  	_ =	shalt  }
0x5b: {  	_ =	shalt  }
0x5c: {  	_ =	shalt  }
0x5d: {  	_ =	shalt  }
0x5e: {  	_ =	shalt  }
0x5f: {  	_ =	shalt  }
0x60: {  	_ =	shalt  }
0x61: {  	_ =	shalt  }
0x62: {  	_ =	shalt  }
0x63: {  	_ =	shalt  }
0x64: {  	_ =	shalt  }
0x65: {  	_ =	shalt  }
0x66: {  	_ =	shalt  }
0x67: {  	_ =	shalt  }
0x68: {  	_ =	shalt  }
0x69: {  	_ =	shalt  }
0x6a: {  	_ =	shalt  }
0x6b: {  	_ =	shalt  }
0x6c: {  	_ =	shalt  }
0x6d: {  	_ =	shalt  }
0x6e: {  	_ =	shalt  }
0x6f: {  	_ =	shalt  }
0x70: {  	_ =	shalt  }
0x71: {  	_ =	shalt  }
0x72: {  	_ =	shalt  }
0x73: {  	_ =	shalt  }
0x74: {  	_ =	shalt  }
0x75: {  	_ =	shalt  }
0x76: {  	_ =	shalt  }
0x77: {  	_ =	shalt  }
0x78: {  	_ =	shalt  }
0x79: {  	_ =	shalt  }
0x7a: {  	_ =	shalt  }
0x7b: {  	_ =	shalt  }
0x7c: {  	_ =	shalt  }
0x7d: {  	_ =	shalt  }
0x7e: {  	_ =	shalt  }
0x7f: {  	_ =	shalt  }
0x80: {  	_ =	shalt  }
0x81: {  	_ =	shalt  }
0x82: {  	_ =	shalt  }
0x83: {  	_ =	shalt  }
0x84: {  	_ =	shalt  }
0x85: {  	_ =	shalt  }
0x86: {  	_ =	shalt  }
0x87: {  	_ =	shalt  }
.Lfunc_end0:
.L_simem_size_0:
called_computation_lowered:
.L_overlay_start_0:
0x88: {  	s2 =	sld [smem:$0x3FD9]  }
0x89: {  	s3 =	sld [smem:$0x3FFE];
	_ =	sdelay $0x1  }
0x8a: {  	s1 =	srdreg.scid  }
0x8b: {  	s0 =	sand.u32 $0x1, s1  }
0x8c: {  	s17 =	sshll.u32 s0, $0xA;
	s2 =	sadd.s32 s3, s2  }
0x8d: {  	s2 =	sadd.s32 s2, s17  }
0x8e: {  	[smem:$0x3FC5] =	sst s2  }
0x8f: {  	_ = 	snop  }
0x90: {  	s2 =	sld [smem:$0x3FC8]  }
0x91: {  	s18 =	sld [smem:$0x3FC7]  }
0x92: {  	s4 =	sld [smem:$0x3FD0];
	(tm) =	ssettm $0x1  }
0x93: {  	s5 =	sld [smem:$0x3FFB];
	_ =	sdelay $0x3  }
0x94: {  	_ =	strace s5  }
0x95: {  	s5 =	sld [smem:$0x3FFC];
	_ =	sdelay $0x3  }
0x96: {  	_ =	strace s5  }
0x97: {  	s5 =	sld [smem:$0x3FFD];
	_ =	sdelay $0x3  }
0x98: {  	_ =	strace s5  }
0x99: {  	_ =	strace $0x8FFFFFFF  }
0x9a: {  	s19 =	sld [smem:$0x3FDB];
	_ =	sdelay $0x1  }
0x9b: {  	s6 =	simm.s32 $_scs_section_size  }
0x9c: {  	s7 =	simm.s32 $_size__tile_overlayer_lowered;
	s8 =	simm.s32 $_tile_overlayer_lowered  }
0x9d: {  	s22 =	simm.s32 $0x1BFF;
	s21 =	sshll.u32 s8, $0x1;
	s5 =	sadd.s32 s6, s19  }
0x9e: {  	s9 =	simm.s32 $0x0;
	s20 =	sshll.u32 s7, $0x1;
	s7 =	sadd.s32 s21, s5  }
0x9f: {  	[timem:s9], [sflag:s22] =	dma.local [hbm:s7], s20  }
0xa0: {  	_ =	swait.ge [sflag:s22], s20  }
0xa1: {  	s6 =	ssub.s32 $0x0, s20;
	[sflag:s22] =	ssyncset.done $0x0  }
0xa2: {  	[sflag:s22] =	ssyncadd.s32 s6;
	_ =	sdelay $0x1  }
0xa3: {  	s23 =	simm.s32 $0x1B8B  }
0xa4: {  	_ =	swait.ge [sflag:s23], $0x1  }
0xa5: {  	[sflag:s23] =	ssyncset.done $0x0  }
0xa6: {  	s25 =	simm.s32 $0x1B8E;
	s24 =	sld [smem:$0x3FFE];
	[sflag:s23] =	ssyncadd.s32 $0xFFFFFFFF  }
0xa7: {  	s26 =	simm.s32 $execute0_lowered;
	[smem:$0x3FD2] =	sst s25  }
0xa8: {  	s7 =	sshll.u32 s26, $0x1;
	_ =	strace $0x80000046;
	[dreg:$0x1] =	wrdreg $0xFFFFFFFF  }
0xa9: {  	s28 =	simm.s32 $_size_execute0_lowered;
	s5 =	sadd.s32 s5, s7;
	[dreg:$0x0] =	wrdreg $0x0  }
0xaa: {  	s7 =	sshll.u32 s28, $0x1;
	[dreg:$0x2] =	wrdreg s5  }
0xab: {  	[dreg:$0x3] =	wrdreg s7  }
0xac: {  	[dreg:$0x4] =	wrdreg $0xC0  }
0xad: {  	_ =	task [dreg:s9], $0x5FFFF  }
0xae: {  	[dreg:$0x1] =	wrdreg $0xFFFFFFFF  }
0xaf: {  	[dreg:$0x0] =	wrdreg $0x60  }
0xb0: {  	[dreg:$0x2] =	wrdreg s2  }
0xb1: {  	[dreg:$0x3] =	wrdreg s18  }
0xb2: {  	[dreg:$0x4] =	wrdreg s24  }
0xb3: {  	[dreg:$0x5] =	wrdreg s4  }
0xb4: {  	[dreg:$0x6] =	wrdreg $0x9  }
0xb5: {  	_ =	task.clear_ibuf [dreg:s9], $0x7FFFF;
	_ =	strace $0x90000046  }
0xb6: {  	s29 =	simm.s32 $0x9;
	_ =	strace $0x80000048  }
0xb7: {  	_ =	swait.ge [sflag:s29], $0x1  }
0xb8: {  	[sflag:s29] =	ssyncadd.s32 $0xFFFFFFFF  }
0xb9: {  	_ =	strace $0x90000048  }
0xba: {  	_ =	sfence  }
0xbb: {  	s30 =	sld [smem:$0x0];
	_ =	sdelay $0x2  }
0xbc: {  	s31 =	sshll.u32 s1, $0xD;
	s1 =	sshrl.u32 s1, $0x2  }
0xbd: {  	s3 =	sand.u32 $0x4000, s31;
	s1 =	sadd.s32 s1, s30  }
0xbe: {  	s0 =	sor.u32 s3, s0;
	s1 =	sshll.u32 s1, $0x11  }
0xbf: {  	s0 =	sor.u32 s1, s0  }
0xc0: {  	s0 =	sadd.s32 $0x8F2B, s0  }
0xc1: {  	[sflag:s0] =	ssyncadd.remote.s32 $0x1  }
0xc2: {  	_ =	sfence.sel $0xFFFF  }
0xc3: {  	[dreg:$0x0] =	wrdreg $0xFFFFFFFF;
	(pc) =	sbr.abs _section_cstart, $3  }
0xc4: {  	[dreg:$0x1] =	wrdreg $0xFFFFFFFF  }
0xc5: {  	_ =	task.clear_ibuf [dreg:s9], $0x2FFFF;
	_ =	strace $0x9FFFFFFF  }
0xc6: {  	(tm) =	ssettm $0x7FFFFFFF  }
0xc7: {  	_ =	shalt  }
tec
execute0_lowered:
.L_overlay_start_1:
0x0: {  	(tag) =	ssettag $0x1  }
0x1: {  	s0 =	rddreg [dreg:$0x2]  }
0x2: {  	s1 =	rddreg [dreg:$0x3];
	s2 =	srdreg.scid;
	s4 =	simm.s32 $0x0  }
0x3: {  	s3 =	stileid.u32;
	s14 =	simm.s32 $0x400;
	s15 =	simm.s32 $0x20000  }
0x4: {  	s17 =	simm.s32 $0x3;
	s18 =	simm.s32 $0x4;
	s20 =	simm.s32 $0x1  }
0x5: {  	s21 =	simm.s32 $0x100;
	s22 =	simm.s32 $0x8000;
	s24 =	simm.s32 $0x2  }
0x6: {  	s2 =	sand.u32 $0x1, s2;
	[smem:$0x7FF] =	sst s4;
	s3 =	sshll.u32 s3, $0x3  }
0x7: {  	s0 =	sadd.s32 $0x400, s0;
	s5 =	sshll.u32 s2, $0x2;
	s2 =	ssub.s32 $0x2, s2  }
0x8: {  	_ =	strace $0x80000047;
	s3 =	sor.u32 s5, s3;
	s25 =	sshrl.u32 s2, $0x1  }
0x9: {  	s6 =	sshll.u32 s3, $0x7;
	s2 =	ssub.s32 s2, s25;
	s28 =	sor.u32 $0x1, s3  }
0xa: {  	s7 =	sshll.u32 s3, $0x5;
	s10 =	sor.u32 $0x2, s3;
	s3 =	sor.u32 $0x3, s3  }
0xb: {  	s26 =	sadd.s32 s0, s6;
	s29 =	sshll.u32 s28, $0x7;
	s7 =	sadd.s32 s1, s7  }
0xc: {  	s8 =	sshll.u32 s10, $0x7;
	s5 =	sshll.u32 s28, $0x5;
	s30 =	sshll.u32 s3, $0x7  }
0xd: {  	s11 =	sshll.u32 s10, $0x5;
	s31 =	sshll.u32 s3, $0x5;
	s13 =	smax.u32 s2, $0x1  }
0xe: {  	[dreg:$0x5] =	wrdreg s26;
	s6 =	sadd.s32 s0, s29;
	s8 =	sadd.s32 s0, s8  }
0xf: {  	s9 =	sadd.s32 s1, s5;
	s10 =	sadd.s32 s0, s30;
	s11 =	sadd.s32 s1, s11  }
0x10: {  	s12 =	sadd.s32 s1, s31;
	s26 =	simm.s32 $0x0;
	[dreg:$0x6] =	wrdreg s6  }
.LBB2_1:
0x11: {  	s0 =	rddreg [dreg:$0x5];
	s1 =	simm.s32 $0x800  }
0x12: {  	[tilespmem:s1], [sflag:$0x1] =	stream.strided.gather [hbm4b:s0+s14], $0x1C00, s15, s14, $0x38;
	[tilespmem:$0xA400] =	vst v63  }
0x13: {  	s16 =	rddreg [dreg:$0x0]  }
0x14: {  	[tilespmem:s4], [sflag:$0x3] =	stream.linear.gather [hbm4b:s16+s4], $0x400, $0x38;
	[tilespmem:$0xA400] =	vst v63  }
0x15: {  	s19 =	rddreg [dreg:$0x1]  }
0x16: {  	[tilespmem:s14], [sflag:$0x4] =	stream.linear.gather [hbm4b:s19+s4], $0x400, $0x38;
	[tilespmem:$0xA400] =	vst v63  }
0x17: {  	_ =	swait.ge [sflag:s17], $0x400  }
0x18: {  	[sflag:s17] =	ssyncset.done $0x0  }
0x19: {  	[sflag:s17] =	ssyncadd.s32 $0xFFFFFC00  }
0x1a: {  	_ =	swait.ge [sflag:s18], $0x400  }
0x1b: {  	[sflag:s18] =	ssyncset.done $0x0  }
0x1c: {  	s25 =	simm.s32 $0x2400;
	s23 =	rddreg [dreg:$0x6];
	[sflag:s18] =	ssyncadd.s32 $0xFFFFFC00  }
0x1d: {  	[tilespmem:s25], [sflag:$0x2] =	stream.strided.gather [hbm4b:s23+s14], $0x1C00, s15, s14, $0x38;
	[tilespmem:$0xA400] =	vst v63  }
0x1e: {  	s1 =	simm.s32 $0x80;
	_ =	swait.ge [sflag:s20], $0x1C00  }
0x1f: {  	s2 =	sand.u32 $0x1C00, s4;
	s0 =	sand.u32 $0x380, s1;
	[sflag:s20] =	ssyncset.done $0x0  }
0x20: {  	s1 =	sor.u32 s0, s2;
	[sflag:s20] =	ssyncadd.s32 $0xFFFFE400  }
0x21: {  	v0 =	vld [tilespmem:s1+$0x800]  }
0x22: {  	s19 =	simm.s32 $0x840  }
0x23: {  	v1 =	vld [tilespmem:s19+$0xFFFFFFC0];
	_ =	sdelay $0x5  }
0x24: {  	v2 =	vld.idx.msk [tilespmem:v0+s4+$0x0], $0xffff  }
0x25: {  	v0 =	vld.idx.msk [tilespmem:v0+s14+$0x0], $0xffff  }
0x26: {  	v3 =	vld.idx.msk [tilespmem:v1+s4+$0x0], $0xffff  }
0x27: {  	v1 =	vld.idx.msk [tilespmem:v1+s14+$0x0], $0xffff  }
0x28: {  	s28 =	simm.s32 $0x4100  }
0x29: {  	[tilespmem:s28+$0x0] =	vst v2  }
0x2a: {  	[tilespmem:s28+$0x80] =	vst v0  }
0x2b: {  	[tilespmem:s28+$0xFFFFFF00] =	vst v3;
	v0 =	vld [tilespmem:s1+$0x810]  }
0x2c: {  	[tilespmem:s28+$0xFFFFFF80] =	vst v1  }
0x2d: {  	v1 =	vld [tilespmem:s19+$0xFFFFFFD0];
	_ =	sdelay $0x5  }
0x2e: {  	v2 =	vld.idx.msk [tilespmem:v0+s4+$0x0], $0xffff  }
0x2f: {  	v0 =	vld.idx.msk [tilespmem:v0+s14+$0x0], $0xffff  }
0x30: {  	v3 =	vld.idx.msk [tilespmem:v1+s4+$0x0], $0xffff  }
0x31: {  	v1 =	vld.idx.msk [tilespmem:v1+s14+$0x0], $0xffff;
	_ =	sdelay $0x1  }
0x32: {  	[tilespmem:s28+$0x10] =	vst v2  }
0x33: {  	[tilespmem:s28+$0x90] =	vst v0  }
0x34: {  	[tilespmem:s28+$0xFFFFFF10] =	vst v3  }
0x35: {  	[tilespmem:s28+$0xFFFFFF90] =	vst v1;
	v0 =	vld [tilespmem:s1+$0x820]  }
0x36: {  	v1 =	vld [tilespmem:s19+$0xFFFFFFE0];
	_ =	sdelay $0x1  }
0x37: {  	s3 =	simm.s32 $0x100;
	s2 =	simm.s32 $0x180  }
0x38: {  	s0 =	sand.u32 $0x1C00, s3;
	s2 =	sand.u32 $0x380, s2  }
0x39: {  	s25 =	sor.u32 s2, s0  }
0x3a: {  	v4 =	vld [tilespmem:s25+$0x800];
	_ =	sdelay $0x1  }
0x3b: {  	v2 =	vld.idx.msk [tilespmem:v0+s4+$0x0], $0xffff  }
0x3c: {  	v3 =	vld.idx.msk [tilespmem:v1+s4+$0x0], $0xffff  }
0x3d: {  	v0 =	vld.idx.msk [tilespmem:v0+s14+$0x0], $0xffff  }
0x3e: {  	v1 =	vld.idx.msk [tilespmem:v1+s14+$0x0], $0xffff  }
0x3f: {  	s30 =	simm.s32 $0x940  }
0x40: {  	[tilespmem:s28+$0x20] =	vst v2;
	v2 =	vld [tilespmem:s30+$0xFFFFFFC0]  }
0x41: {  	[tilespmem:s28+$0xFFFFFF20] =	vst v3;
	v3 =	vld.idx.msk [tilespmem:v4+s4+$0x0], $0xffff  }
0x42: {  	[tilespmem:s28+$0xA0] =	vst v0;
	v4 =	vld.idx.msk [tilespmem:v4+s14+$0x0], $0xffff  }
0x43: {  	[tilespmem:s28+$0xFFFFFFA0] =	vst v1;
	v0 =	vld [tilespmem:s1+$0x830]  }
0x44: {  	v1 =	vld [tilespmem:s19+$0xFFFFFFF0]  }
0x45: {  	s29 =	simm.s32 $0x4300  }
0x46: {  	[tilespmem:s29+$0x0] =	vst v3  }
0x47: {  	[tilespmem:s29+$0x80] =	vst v4  }
0x48: {  	v4 =	vld [tilespmem:s25+$0x810]  }
0x49: {  	v6 =	vld.idx.msk [tilespmem:v2+s4+$0x0], $0xffff  }
0x4a: {  	v2 =	vld.idx.msk [tilespmem:v2+s14+$0x0], $0xffff  }
0x4b: {  	v5 =	vld.idx.msk [tilespmem:v0+s4+$0x0], $0xffff  }
0x4c: {  	v3 =	vld.idx.msk [tilespmem:v1+s4+$0x0], $0xffff  }
0x4d: {  	v0 =	vld.idx.msk [tilespmem:v0+s14+$0x0], $0xffff  }
0x4e: {  	[tilespmem:s29+$0xFFFFFF00] =	vst v6  }
0x4f: {  	v1 =	vld.idx.msk [tilespmem:v1+s14+$0x0], $0xffff;
	[tilespmem:s29+$0xFFFFFF80] =	vst v2  }
0x50: {  	[tilespmem:s28+$0x30] =	vst v5;
	v2 =	vld [tilespmem:s30+$0xFFFFFFD0]  }
0x51: {  	[tilespmem:s28+$0xFFFFFF30] =	vst v3;
	v3 =	vld.idx.msk [tilespmem:v4+s4+$0x0], $0xffff  }
0x52: {  	[tilespmem:s28+$0xB0] =	vst v0;
	v4 =	vld.idx.msk [tilespmem:v4+s14+$0x0], $0xffff  }
0x53: {  	v0 =	vld [tilespmem:s1+$0x840];
	_ =	sdelay $0x2  }
0x54: {  	[tilespmem:s29+$0x10] =	vst v3  }
0x55: {  	[tilespmem:s29+$0x90] =	vst v4  }
0x56: {  	v3 =	vld [tilespmem:s25+$0x820];
	_ =	sdelay $0x1  }
0x57: {  	v6 =	vld.idx.msk [tilespmem:v2+s4+$0x0], $0xffff  }
0x58: {  	v5 =	vld.idx.msk [tilespmem:v0+s4+$0x0], $0xffff  }
0x59: {  	[tilespmem:s28+$0xFFFFFFB0] =	vst v1;
	v0 =	vld.idx.msk [tilespmem:v0+s14+$0x0], $0xffff  }
0x5a: {  	v1 =	vld [tilespmem:s19+$0x0]  }
0x5b: {  	v2 =	vld.idx.msk [tilespmem:v2+s14+$0x0], $0xffff  }
0x5c: {  	[tilespmem:s29+$0xFFFFFF10] =	vst v6  }
0x5d: {  	[tilespmem:s28+$0x40] =	vst v5;
	v6 =	vld.idx.msk [tilespmem:v3+s4+$0x0], $0xffff  }
0x5e: {  	[tilespmem:s28+$0xC0] =	vst v0;
	v3 =	vld.idx.msk [tilespmem:v3+s14+$0x0], $0xffff  }
0x5f: {  	v0 =	vld [tilespmem:s1+$0x850]  }
0x60: {  	[tilespmem:s29+$0xFFFFFF90] =	vst v2  }
0x61: {  	s31 =	simm.s32 $0xA40;
	v2 =	vld [tilespmem:s30+$0xFFFFFFE0]  }
0x62: {  	v4 =	vld [tilespmem:s31+$0xFFFFFFC0]  }
0x63: {  	v5 =	vld.idx.msk [tilespmem:v1+s4+$0x0], $0xffff;
	[tilespmem:s29+$0x20] =	vst v6  }
0x64: {  	v1 =	vld.idx.msk [tilespmem:v1+s14+$0x0], $0xffff;
	[tilespmem:s29+$0xA0] =	vst v3  }
0x65: {  	v3 =	vld [tilespmem:s25+$0x830];
	_ =	sdelay $0x1  }
0x66: {  	v7 =	vld.idx.msk [tilespmem:v0+s4+$0x0], $0xffff  }
0x67: {  	s5 =	simm.s32 $0x200;
	s6 =	simm.s32 $0x280;
	v0 =	vld.idx.msk [tilespmem:v0+s14+$0x0], $0xffff  }
0x68: {  	s0 =	sand.u32 $0x1C00, s5;
	s2 =	sand.u32 $0x380, s6;
	[tilespmem:s28+$0xFFFFFF40] =	vst v5;
	v5 =	vld.idx.msk [tilespmem:v2+s4+$0x0], $0xffff  }
0x69: {  	s3 =	sor.u32 s2, s0;
	[tilespmem:s28+$0xFFFFFFC0] =	vst v1;
	v1 =	vld.idx.msk [tilespmem:v2+s14+$0x0], $0xffff  }
0x6a: {  	v2 =	vld [tilespmem:s3+$0x800]  }
0x6b: {  	v6 =	vld.idx.msk [tilespmem:v4+s4+$0x0], $0xffff;
	[tilespmem:s28+$0x50] =	vst v7  }
0x6c: {  	[tilespmem:s28+$0xD0] =	vst v0;
	v8 =	vld.idx.msk [tilespmem:v3+s4+$0x0], $0xffff  }
0x6d: {  	[tilespmem:s29+$0xFFFFFF20] =	vst v5;
	v0 =	vld [tilespmem:s1+$0x860]  }
0x6e: {  	[tilespmem:s29+$0xFFFFFFA0] =	vst v1;
	v3 =	vld.idx.msk [tilespmem:v3+s14+$0x0], $0xffff  }
0x6f: {  	v1 =	vld [tilespmem:s30+$0xFFFFFFF0]  }
0x70: {  	v4 =	vld.idx.msk [tilespmem:v4+s14+$0x0], $0xffff  }
0x71: {  	v5 =	vld [tilespmem:s19+$0x10]  }
0x72: {  	v7 =	vld.idx.msk [tilespmem:v2+s4+$0x0], $0xffff;
	[tilespmem:s29+$0x30] =	vst v8  }
0x73: {  	v2 =	vld.idx.msk [tilespmem:v2+s14+$0x0], $0xffff;
	[tilespmem:s29+$0xB0] =	vst v3  }
0x74: {  	v8 =	vld [tilespmem:s25+$0x840]  }
0x75: {  	v9 =	vld.idx.msk [tilespmem:v0+s4+$0x0], $0xffff  }
0x76: {  	s0 =	simm.s32 $0x4500;
	v0 =	vld.idx.msk [tilespmem:v0+s14+$0x0], $0xffff  }
0x77: {  	[tilespmem:s0+$0x0] =	vst v7;
	v7 =	vld.idx.msk [tilespmem:v1+s4+$0x0], $0xffff  }
0x78: {  	[tilespmem:s0+$0x80] =	vst v2;
	v1 =	vld.idx.msk [tilespmem:v1+s14+$0x0], $0xffff  }
0x79: {  	[tilespmem:s0+$0xFFFFFF00] =	vst v6;
	v2 =	vld [tilespmem:s3+$0x810]  }
0x7a: {  	[tilespmem:s0+$0xFFFFFF80] =	vst v4;
	v3 =	vld.idx.msk [tilespmem:v5+s4+$0x0], $0xffff  }
0x7b: {  	[tilespmem:s28+$0xE0] =	vst v0;
	v0 =	vld [tilespmem:s31+$0xFFFFFFD0]  }
0x7c: {  	[tilespmem:s29+$0xFFFFFF30] =	vst v7;
	v57 =	vld.idx.msk [tilespmem:v8+s4+$0x0], $0xffff  }
0x7d: {  	[tilespmem:s29+$0xFFFFFFB0] =	vst v1;
	v8 =	vld.idx.msk [tilespmem:v8+s14+$0x0], $0xffff  }
0x7e: {  	v1 =	vld [tilespmem:s30+$0x0]  }
0x7f: {  	v5 =	vld.idx.msk [tilespmem:v5+s14+$0x0], $0xffff;
	[tilespmem:s28+$0x60] =	vst v9  }
0x80: {  	v4 =	vld [tilespmem:s1+$0x870]  }
0x81: {  	v7 =	vld.idx.msk [tilespmem:v2+s4+$0x0], $0xffff;
	[tilespmem:s29+$0x40] =	vst v57  }
0x82: {  	v2 =	vld.idx.msk [tilespmem:v2+s14+$0x0], $0xffff;
	[tilespmem:s29+$0xC0] =	vst v8  }
0x83: {  	v8 =	vld [tilespmem:s25+$0x850]  }
0x84: {  	v10 =	vld.idx.msk [tilespmem:v0+s4+$0x0], $0xffff  }
0x85: {  	v0 =	vld.idx.msk [tilespmem:v0+s14+$0x0], $0xffff  }
0x86: {  	[tilespmem:s28+$0xFFFFFF50] =	vst v3;
	v58 =	vld.idx.msk [tilespmem:v1+s4+$0x0], $0xffff  }
0x87: {  	[tilespmem:s28+$0xFFFFFFD0] =	vst v5;
	v1 =	vld.idx.msk [tilespmem:v1+s14+$0x0], $0xffff  }
0x88: {  	v3 =	vld [tilespmem:s19+$0x20];
	s1 =	simm.s32 $0xB40;
	[tilespmem:s0+$0x10] =	vst v7  }
0x89: {  	s16 =	simm.s32 $0x380;
	s23 =	simm.s32 $0x300;
	v6 =	vld [tilespmem:s1+$0xFFFFFFC0];
	[tilespmem:s0+$0x90] =	vst v2  }
0x8a: {  	s5 =	sand.u32 $0x1C00, s23;
	s2 =	sand.u32 $0x380, s16;
	v2 =	vld [tilespmem:s3+$0x820];
	[tilespmem:s0+$0xFFFFFF10] =	vst v10  }
0x8b: {  	s16 =	sor.u32 s2, s5;
	v7 =	vld.idx.msk [tilespmem:v4+s14+$0x0], $0xffff;
	[tilespmem:s0+$0xFFFFFF90] =	vst v0  }
0x8c: {  	[tilespmem:s29+$0xFFFFFFC0] =	vst v1;
	v1 =	vld [tilespmem:s16+$0x800]  }
0x8d: {  	v0 =	vld [tilespmem:s31+$0xFFFFFFE0]  }
0x8e: {  	v11 =	vld.idx.msk [tilespmem:v8+s4+$0x0], $0xffff  }
0x8f: {  	v8 =	vld.idx.msk [tilespmem:v8+s14+$0x0], $0xffff  }
0x90: {  	v4 =	vld.idx.msk [tilespmem:v4+s4+$0x0], $0xffff  }
0x91: {  	v59 =	vld.idx.msk [tilespmem:v6+s4+$0x0], $0xffff  }
0x92: {  	v62 =	vld.idx.msk [tilespmem:v6+s14+$0x0], $0xffff  }
0x93: {  	v5 =	vld.idx.msk [tilespmem:v2+s4+$0x0], $0xffff;
	[tilespmem:s29+$0x50] =	vst v11  }
0x94: {  	v2 =	vld.idx.msk [tilespmem:v2+s14+$0x0], $0xffff;
	[tilespmem:s29+$0xD0] =	vst v8  }
0x95: {  	v61 =	vld [tilespmem:s25+$0x860]  }
0x96: {  	v6 =	vld.idx.msk [tilespmem:v1+s4+$0x0], $0xffff  }
0x97: {  	v60 =	vld.idx.msk [tilespmem:v0+s4+$0x0], $0xffff  }
0x98: {  	[tilespmem:s0+$0x20] =	vst v5;
	v0 =	vld.idx.msk [tilespmem:v0+s14+$0x0], $0xffff  }
0x99: {  	[tilespmem:s0+$0xA0] =	vst v2;
	v1 =	vld.idx.msk [tilespmem:v1+s14+$0x0], $0xffff  }
0x9a: {  	v2 =	vld [tilespmem:s3+$0x830]  }
0x9b: {  	[tilespmem:s29+$0xFFFFFF40] =	vst v58;
	v8 =	vld.idx.msk [tilespmem:v3+s4+$0x0], $0xffff  }
0x9c: {  	v5 =	vld [tilespmem:s30+$0x10];
	[tilespmem:s0+$0xFFFFFF20] =	vst v60  }
0x9d: {  	s2 =	simm.s32 $0x4700;
	[tilespmem:s0+$0xFFFFFFA0] =	vst v0;
	v0 =	vld.idx.msk [tilespmem:v3+s14+$0x0], $0xffff  }
0x9e: {  	[tilespmem:s2+$0x0] =	vst v6;
	v3 =	vld [tilespmem:s31+$0xFFFFFFF0]  }
0x9f: {  	[tilespmem:s2+$0x80] =	vst v1  }
0xa0: {  	v6 =	vld [tilespmem:s16+$0x810]  }
0xa1: {  	[tilespmem:s28+$0xFFFFFF60] =	vst v8;
	v8 =	vld.idx.msk [tilespmem:v61+s4+$0x0], $0xffff  }
0xa2: {  	[tilespmem:s28+$0xF0] =	vst v7;
	v7 =	vld.idx.msk [tilespmem:v2+s4+$0x0], $0xffff  }
0xa3: {  	[tilespmem:s28+$0x70] =	vst v4;
	v12 =	vld.idx.msk [tilespmem:v2+s14+$0x0], $0xffff  }
0xa4: {  	[tilespmem:s28+$0xFFFFFFE0] =	vst v0;
	v0 =	vld.idx.msk [tilespmem:v61+s14+$0x0], $0xffff  }
0xa5: {  	[tilespmem:s2+$0xFFFFFF00] =	vst v59;
	v2 =	vld.idx.msk [tilespmem:v5+s4+$0x0], $0xffff  }
0xa6: {  	[tilespmem:s29+$0x60] =	vst v8;
	v63 =	vld.idx.msk [tilespmem:v3+s4+$0x0], $0xffff  }
0xa7: {  	[tilespmem:s0+$0x30] =	vst v7;
	v4 =	vld.idx.msk [tilespmem:v3+s14+$0x0], $0xffff  }
0xa8: {  	[tilespmem:s0+$0xB0] =	vst v12;
	v3 =	vld.idx.msk [tilespmem:v5+s14+$0x0], $0xffff  }
0xa9: {  	v5 =	vld [tilespmem:s3+$0x840];
	[tilespmem:s29+$0xE0] =	vst v0  }
0xaa: {  	[tilespmem:s2+$0xFFFFFF80] =	vst v62;
	v1 =	vld [tilespmem:s25+$0x870]  }
0xab: {  	v7 =	vld [tilespmem:s1+$0xFFFFFFD0]  }
0xac: {  	v0 =	vld [tilespmem:s19+$0x30];
	s19 =	simm.s32 $0x6;
	s25 =	simm.s32 $0xC40;
	[tilespmem:s0+$0xFFFFFF30] =	vst v63  }
.LBB2_2:
0xad: {  	v8 =	vld [tilespmem:s25+$0xFFFFFFC0];
	[tilespmem:s0+$0xFFFFFFB0] =	vst v4  }
0xae: {  	v4 =	vld [tilespmem:s31+$0x0];
	[tilespmem:s29+$0xFFFFFF50] =	vst v2  }
0xaf: {  	v2 =	vld.idx.msk [tilespmem:v6+s4+$0x0], $0xffff;
	[tilespmem:s29+$0xFFFFFFD0] =	vst v3  }
0xb0: {  	v3 =	vld.idx.msk [tilespmem:v6+s14+$0x0], $0xffff  }
0xb1: {  	v6 =	vld.idx.msk [tilespmem:v5+s4+$0x0], $0xffff  }
0xb2: {  	v9 =	vld.idx.msk [tilespmem:v1+s14+$0x0], $0xffff  }
0xb3: {  	v5 =	vld.idx.msk [tilespmem:v5+s14+$0x0], $0xffff  }
0xb4: {  	v10 =	vld.idx.msk [tilespmem:v7+s4+$0x0], $0xffff  }
0xb5: {  	v7 =	vld.idx.msk [tilespmem:v7+s14+$0x0], $0xffff;
	[tilespmem:s2+$0x10] =	vst v2  }
0xb6: {  	[tilespmem:s2+$0x90] =	vst v3;
	v2 =	vld.idx.msk [tilespmem:v4+s4+$0x0], $0xffff  }
0xb7: {  	v3 =	vld [tilespmem:s16+$0x820];
	[tilespmem:s0+$0x40] =	vst v6  }
0xb8: {  	v1 =	vld.idx.msk [tilespmem:v1+s4+$0x0], $0xffff;
	[tilespmem:s29+$0xF0] =	vst v9  }
0xb9: {  	v4 =	vld.idx.msk [tilespmem:v4+s14+$0x0], $0xffff;
	[tilespmem:s0+$0xC0] =	vst v5  }
0xba: {  	[tilespmem:s2+$0xFFFFFF10] =	vst v10;
	v5 =	vld [tilespmem:s3+$0x850]  }
0xbb: {  	[tilespmem:s2+$0xFFFFFF90] =	vst v7;
	v6 =	vld [tilespmem:s30+$0x20]  }
0xbc: {  	v7 =	vld [tilespmem:s1+$0xFFFFFFE0];
	[tilespmem:s0+$0xFFFFFF40] =	vst v2  }
0xbd: {  	v2 =	vld.idx.msk [tilespmem:v0+s4+$0x0], $0xffff  }
0xbe: {  	[tilespmem:s29+$0x70] =	vst v1;
	v0 =	vld.idx.msk [tilespmem:v0+s14+$0x0], $0xffff  }
0xbf: {  	v1 =	vld.idx.msk [tilespmem:v8+s4+$0x0], $0xffff;
	[tilespmem:s0+$0xFFFFFFC0] =	vst v4  }
0xc0: {  	v4 =	vld.idx.msk [tilespmem:v3+s4+$0x0], $0xffff  }
0xc1: {  	v3 =	vld.idx.msk [tilespmem:v3+s14+$0x0], $0xffff  }
0xc2: {  	s23 =	sadd.s32 $0x100, s23;
	v9 =	vld.idx.msk [tilespmem:v5+s4+$0x0], $0xffff  }
0xc3: {  	s5 =	sadd.s32 $0x80, s23;
	v5 =	vld.idx.msk [tilespmem:v5+s14+$0x0], $0xffff;
	[tilespmem:s28+$0xFFFFFF70] =	vst v2  }
0xc4: {  	s6 =	sand.u32 $0x1C00, s23;
	s5 =	sand.u32 $0x380, s5;
	v2 =	vld.idx.msk [tilespmem:v7+s4+$0x0], $0xffff;
	[tilespmem:s28+$0xFFFFFFF0] =	vst v0;
	s28 =	smov.u32 s29  }
0xc5: {  	s5 =	sor.u32 s5, s6;
	s29 =	smov.u32 s0;
	s0 =	smov.u32 s2;
	v0 =	vld.idx.msk [tilespmem:v7+s14+$0x0], $0xffff  }
0xc6: {  	v7 =	vld [tilespmem:s5+$0x800];
	[tilespmem:s2+$0x20] =	vst v4  }
0xc7: {  	[tilespmem:s2+$0xA0] =	vst v3;
	v3 =	vld [tilespmem:s31+$0x10]  }
0xc8: {  	v4 =	vld [tilespmem:s16+$0x830];
	[tilespmem:s29+$0x50] =	vst v9  }
0xc9: {  	[tilespmem:s29+$0xD0] =	vst v5;
	v5 =	vld.idx.msk [tilespmem:v6+s4+$0x0], $0xffff  }
0xca: {  	[tilespmem:s2+$0xFFFFFF20] =	vst v2;
	v2 =	vld [tilespmem:s3+$0x860]  }
0xcb: {  	[tilespmem:s2+$0xFFFFFFA0] =	vst v0;
	v0 =	vld.idx.msk [tilespmem:v6+s14+$0x0], $0xffff  }
0xcc: {  	v6 =	vld [tilespmem:s1+$0xFFFFFFF0]  }
0xcd: {  	v8 =	vld.idx.msk [tilespmem:v8+s14+$0x0], $0xffff  }
0xce: {  	s19 =	sadd.s32 $0x2, s19;
	v9 =	vld.idx.msk [tilespmem:v7+s4+$0x0], $0xffff  }
0xcf: {  	p0 =	slt.u32 s19, $0x30;
	v7 =	vld.idx.msk [tilespmem:v7+s14+$0x0], $0xffff;
	[tilespmem:s28+$0xFFFFFF60] =	vst v5  }
0xd0: {  	v5 =	vld.idx.msk [tilespmem:v4+s4+$0x0], $0xffff  }
0xd1: {  	v10 =	vld.idx.msk [tilespmem:v4+s14+$0x0], $0xffff;
	[tilespmem:s28+$0xFFFFFFE0] =	vst v0  }
0xd2: {  	v0 =	vld.idx.msk [tilespmem:v2+s4+$0x0], $0xffff  }
0xd3: {  	s2 =	sadd.s32 $0x200, s2;
	v11 =	vld.idx.msk [tilespmem:v2+s14+$0x0], $0xffff  }
0xd4: {  	[tilespmem:s2+$0x0] =	vst v9;
	v9 =	vld.idx.msk [tilespmem:v6+s4+$0x0], $0xffff  }
0xd5: {  	[tilespmem:s2+$0x80] =	vst v7;
	v4 =	vld.idx.msk [tilespmem:v6+s14+$0x0], $0xffff  }
0xd6: {  	[tilespmem:s0+$0x30] =	vst v5;
	v2 =	vld.idx.msk [tilespmem:v3+s4+$0x0], $0xffff  }
0xd7: {  	v6 =	vld [tilespmem:s5+$0x810];
	[tilespmem:s0+$0xB0] =	vst v10  }
.Ltmp0:
0xd8: {  	v3 =	vld.idx.msk [tilespmem:v3+s14+$0x0], $0xffff;
	[tilespmem:s29+$0x60] =	vst v0;
	(pc) =	sbr.rel @p0 .LBB2_2-.Ltmp0, $4  }
0xd9: {  	v5 =	vld [tilespmem:s16+$0x840];
	[tilespmem:s29+$0xE0] =	vst v11  }
0xda: {  	[tilespmem:s2+$0xFFFFFF00] =	vst v1;
	v1 =	vld [tilespmem:s3+$0x870];
	s3 =	smov.u32 s16;
	s16 =	smov.u32 s5  }
0xdb: {  	[tilespmem:s2+$0xFFFFFF80] =	vst v8;
	v0 =	vld [tilespmem:s30+$0x30];
	s30 =	smov.u32 s31;
	s31 =	smov.u32 s1;
	s1 =	smov.u32 s25  }
0xdc: {  	s25 =	sadd.s32 $0x100, s25;
	v7 =	vld [tilespmem:s1+$0xFFFFFFD0];
	[tilespmem:s0+$0xFFFFFF30] =	vst v9  }
0xdd: {  	_ =	sdelay $0x4  }
0xde: {  	v8 =	vld.idx.msk [tilespmem:v6+s4+$0x0], $0xffff  }
0xdf: {  	v6 =	vld.idx.msk [tilespmem:v6+s14+$0x0], $0xffff;
	_ =	sdelay $0x1  }
0xe0: {  	v9 =	vld.idx.msk [tilespmem:v7+s4+$0x0], $0xffff  }
0xe1: {  	v7 =	vld.idx.msk [tilespmem:v7+s14+$0x0], $0xffff  }
0xe2: {  	[tilespmem:s2+$0x10] =	vst v8  }
0xe3: {  	[tilespmem:s2+$0x90] =	vst v6  }
0xe4: {  	v6 =	vld [tilespmem:s16+$0x820]  }
0xe5: {  	[tilespmem:s2+$0xFFFFFF10] =	vst v9  }
0xe6: {  	[tilespmem:s2+$0xFFFFFF90] =	vst v7  }
0xe7: {  	v7 =	vld [tilespmem:s1+$0xFFFFFFE0];
	_ =	sdelay $0x4  }
0xe8: {  	v8 =	vld.idx.msk [tilespmem:v6+s4+$0x0], $0xffff  }
0xe9: {  	v6 =	vld.idx.msk [tilespmem:v6+s14+$0x0], $0xffff;
	_ =	sdelay $0x1  }
0xea: {  	v9 =	vld.idx.msk [tilespmem:v7+s4+$0x0], $0xffff  }
0xeb: {  	v7 =	vld.idx.msk [tilespmem:v7+s14+$0x0], $0xffff  }
0xec: {  	[tilespmem:s2+$0x20] =	vst v8;
	v8 =	vld.idx.msk [tilespmem:v5+s4+$0x0], $0xffff  }
0xed: {  	[tilespmem:s2+$0xA0] =	vst v6;
	v5 =	vld.idx.msk [tilespmem:v5+s14+$0x0], $0xffff  }
0xee: {  	v6 =	vld [tilespmem:s16+$0x830];
	_ =	sdelay $0x1  }
0xef: {  	[tilespmem:s2+$0xFFFFFF20] =	vst v9  }
0xf0: {  	[tilespmem:s2+$0xFFFFFFA0] =	vst v7  }
0xf1: {  	v7 =	vld [tilespmem:s1+$0xFFFFFFF0];
	[tilespmem:s0+$0x40] =	vst v8  }
0xf2: {  	[tilespmem:s0+$0xC0] =	vst v5  }
0xf3: {  	v5 =	vld [tilespmem:s3+$0x850];
	_ =	sdelay $0x1  }
0xf4: {  	[tilespmem:s0+$0xFFFFFFB0] =	vst v4;
	v4 =	vld.idx.msk [tilespmem:v6+s4+$0x0], $0xffff  }
0xf5: {  	v6 =	vld.idx.msk [tilespmem:v6+s14+$0x0], $0xffff  }
0xf6: {  	v8 =	vld [tilespmem:s31+$0x0];
	_ =	sdelay $0x1  }
0xf7: {  	v9 =	vld.idx.msk [tilespmem:v7+s4+$0x0], $0xffff  }
0xf8: {  	v7 =	vld.idx.msk [tilespmem:v7+s14+$0x0], $0xffff;
	[tilespmem:s2+$0x30] =	vst v4  }
0xf9: {  	[tilespmem:s2+$0xB0] =	vst v6;
	v49 =	vld.idx.msk [tilespmem:v5+s4+$0x0], $0xffff  }
0xfa: {  	v4 =	vld [tilespmem:s16+$0x840]  }
0xfb: {  	[tilespmem:s29+$0xFFFFFFD0] =	vst v3;
	v5 =	vld.idx.msk [tilespmem:v5+s14+$0x0], $0xffff  }
0xfc: {  	[tilespmem:s2+$0xFFFFFF30] =	vst v9  }
0xfd: {  	v3 =	vld.idx.msk [tilespmem:v8+s14+$0x0], $0xffff;
	[tilespmem:s2+$0xFFFFFFB0] =	vst v7  }
0xfe: {  	v6 =	vld [tilespmem:s1+$0x0]  }
0xff: {  	v7 =	vld.idx.msk [tilespmem:v8+s4+$0x0], $0xffff;
	[tilespmem:s0+$0x50] =	vst v49  }
0x100: {  	[tilespmem:s0+$0xD0] =	vst v5  }
0x101: {  	v8 =	vld [tilespmem:s3+$0x860]  }
0x102: {  	[tilespmem:s29+$0xFFFFFF50] =	vst v2;
	v10 =	vld.idx.msk [tilespmem:v4+s4+$0x0], $0xffff  }
0x103: {  	[tilespmem:s0+$0xFFFFFFC0] =	vst v3;
	v2 =	vld.idx.msk [tilespmem:v4+s14+$0x0], $0xffff  }
0x104: {  	v4 =	vld [tilespmem:s30+$0x20];
	[tilespmem:s0+$0xFFFFFF40] =	vst v7  }
0x105: {  	v3 =	vld [tilespmem:s31+$0x10]  }
0x106: {  	v5 =	vld.idx.msk [tilespmem:v6+s4+$0x0], $0xffff  }
0x107: {  	v6 =	vld.idx.msk [tilespmem:v6+s14+$0x0], $0xffff;
	[tilespmem:s2+$0x40] =	vst v10  }
0x108: {  	[tilespmem:s2+$0xC0] =	vst v2  }
0x109: {  	v2 =	vld [tilespmem:s16+$0x850]  }
0x10a: {  	v7 =	vld.idx.msk [tilespmem:v8+s4+$0x0], $0xffff  }
0x10b: {  	v8 =	vld.idx.msk [tilespmem:v8+s14+$0x0], $0xffff;
	[tilespmem:s2+$0xFFFFFF40] =	vst v5  }
0x10c: {  	[tilespmem:s2+$0xFFFFFFC0] =	vst v6;
	v6 =	vld.idx.msk [tilespmem:v4+s4+$0x0], $0xffff  }
0x10d: {  	v5 =	vld [tilespmem:s1+$0x10]  }
0x10e: {  	v51 =	vld.idx.msk [tilespmem:v3+s4+$0x0], $0xffff  }
0x10f: {  	v4 =	vld.idx.msk [tilespmem:v4+s14+$0x0], $0xffff  }
0x110: {  	v3 =	vld.idx.msk [tilespmem:v3+s14+$0x0], $0xffff;
	[tilespmem:s0+$0x60] =	vst v7  }
0x111: {  	[tilespmem:s0+$0xE0] =	vst v8;
	v50 =	vld.idx.msk [tilespmem:v2+s4+$0x0], $0xffff  }
0x112: {  	v2 =	vld.idx.msk [tilespmem:v2+s14+$0x0], $0xffff;
	[tilespmem:s29+$0xFFFFFF60] =	vst v6  }
0x113: {  	[tilespmem:s0+$0xFFFFFF50] =	vst v51  }
0x114: {  	[tilespmem:s29+$0xFFFFFFE0] =	vst v4;
	v4 =	vld [tilespmem:s3+$0x870]  }
0x115: {  	[tilespmem:s0+$0xFFFFFFD0] =	vst v3;
	v6 =	vld.idx.msk [tilespmem:v5+s4+$0x0], $0xffff  }
0x116: {  	v5 =	vld.idx.msk [tilespmem:v5+s14+$0x0], $0xffff;
	[tilespmem:s2+$0x50] =	vst v50  }
0x117: {  	v3 =	vld [tilespmem:s31+$0x20];
	[tilespmem:s2+$0xD0] =	vst v2  }
0x118: {  	v2 =	vld [tilespmem:s16+$0x860];
	_ =	sdelay $0x1  }
0x119: {  	[tilespmem:s2+$0xFFFFFF50] =	vst v6  }
0x11a: {  	v7 =	vld [tilespmem:s30+$0x30];
	[tilespmem:s2+$0xFFFFFFD0] =	vst v5  }
0x11b: {  	v5 =	vld [tilespmem:s1+$0x20]  }
0x11c: {  	v54 =	vld.idx.msk [tilespmem:v4+s14+$0x0], $0xffff  }
0x11d: {  	v4 =	vld.idx.msk [tilespmem:v4+s4+$0x0], $0xffff  }
0x11e: {  	v52 =	vld.idx.msk [tilespmem:v3+s4+$0x0], $0xffff  }
0x11f: {  	v8 =	vld.idx.msk [tilespmem:v2+s4+$0x0], $0xffff  }
0x120: {  	v2 =	vld.idx.msk [tilespmem:v2+s14+$0x0], $0xffff  }
0x121: {  	v3 =	vld.idx.msk [tilespmem:v3+s14+$0x0], $0xffff  }
0x122: {  	v6 =	vld.idx.msk [tilespmem:v1+s14+$0x0], $0xffff  }
0x123: {  	[tilespmem:s0+$0xFFFFFF60] =	vst v52;
	v53 =	vld.idx.msk [tilespmem:v5+s4+$0x0], $0xffff  }
0x124: {  	v5 =	vld.idx.msk [tilespmem:v5+s14+$0x0], $0xffff;
	[tilespmem:s2+$0x60] =	vst v8  }
0x125: {  	v1 =	vld.idx.msk [tilespmem:v1+s4+$0x0], $0xffff;
	[tilespmem:s2+$0xE0] =	vst v2  }
0x126: {  	[tilespmem:s0+$0xFFFFFFE0] =	vst v3;
	v2 =	vld [tilespmem:s16+$0x870]  }
0x127: {  	v3 =	vld [tilespmem:s31+$0x30]  }
0x128: {  	v8 =	vld.idx.msk [tilespmem:v0+s4+$0x0], $0xffff;
	[tilespmem:s2+$0xFFFFFF60] =	vst v53  }
0x129: {  	v0 =	vld.idx.msk [tilespmem:v0+s14+$0x0], $0xffff;
	[tilespmem:s2+$0xFFFFFFE0] =	vst v5  }
0x12a: {  	v5 =	vld [tilespmem:s1+$0x30]  }
0x12b: {  	[tilespmem:s29+$0x70] =	vst v1;
	v1 =	vld.idx.msk [tilespmem:v7+s4+$0x0], $0xffff  }
0x12c: {  	[tilespmem:s29+$0xF0] =	vst v6;
	v6 =	vld.idx.msk [tilespmem:v7+s14+$0x0], $0xffff  }
0x12d: {  	[tilespmem:s0+$0xF0] =	vst v54  }
0x12e: {  	[tilespmem:s28+$0xFFFFFFF0] =	vst v0;
	v0 =	vld.idx.msk [tilespmem:v2+s14+$0x0], $0xffff  }
0x12f: {  	[tilespmem:s0+$0x70] =	vst v4;
	v4 =	vld.idx.msk [tilespmem:v3+s4+$0x0], $0xffff  }
0x130: {  	[tilespmem:s29+$0xFFFFFF70] =	vst v1;
	v1 =	vld.idx.msk [tilespmem:v3+s14+$0x0], $0xffff  }
0x131: {  	[tilespmem:s29+$0xFFFFFFF0] =	vst v6;
	v2 =	vld.idx.msk [tilespmem:v2+s4+$0x0], $0xffff  }
0x132: {  	[tilespmem:s28+$0xFFFFFF70] =	vst v8;
	v3 =	vld.idx.msk [tilespmem:v5+s4+$0x0], $0xffff  }
0x133: {  	[tilespmem:s2+$0xF0] =	vst v0;
	v0 =	vld.idx.msk [tilespmem:v5+s14+$0x0], $0xffff  }
0x134: {  	[tilespmem:s0+$0xFFFFFF70] =	vst v4  }
0x135: {  	[tilespmem:s0+$0xFFFFFFF0] =	vst v1  }
0x136: {  	[tilespmem:s2+$0x70] =	vst v2  }
0x137: {  	[tilespmem:s2+$0xFFFFFF70] =	vst v3  }
0x138: {  	s16 =	simm.s32 $0x4000;
	[tilespmem:s2+$0xFFFFFFF0] =	vst v0  }
0x139: {  	[hbm4b:s7+s21] =	stream.strided.scatter [tilespmem:s16], [sflag:$0x3], $0x3200, s22, s21, $0x38;
	[tilespmem:$0xA400] =	vst v63  }
0x13a: {  	s19 =	simm.s32 $0x800  }
0x13b: {  	[tilespmem:s19], [sflag:$0x1] =	stream.strided.gather [hbm4b:s8+s14], $0x1C00, s15, s14, $0x38;
	[tilespmem:$0xA400] =	vst v63  }
0x13c: {  	s23 =	simm.s32 $0x0;
	s25 =	simm.s32 $0x80;
	_ =	swait.ge [sflag:s24], $0x1C00  }
0x13d: {  	s1 =	sand.u32 $0x380, s25;
	s0 =	sand.u32 $0x1C00, s23;
	[sflag:s24] =	ssyncset.done $0x0  }
0x13e: {  	s1 =	sor.u32 s1, s0;
	[sflag:s24] =	ssyncadd.s32 $0xFFFFE400  }
0x13f: {  	v0 =	vld [tilespmem:s1+$0x2400]  }
0x140: {  	s19 =	simm.s32 $0x2440  }
0x141: {  	v1 =	vld [tilespmem:s19+$0xFFFFFFC0];
	_ =	sdelay $0x5  }
0x142: {  	v2 =	vld.idx.msk [tilespmem:v0+s4+$0x0], $0xffff  }
0x143: {  	v0 =	vld.idx.msk [tilespmem:v0+s14+$0x0], $0xffff  }
0x144: {  	v3 =	vld.idx.msk [tilespmem:v1+s4+$0x0], $0xffff  }
0x145: {  	v1 =	vld.idx.msk [tilespmem:v1+s14+$0x0], $0xffff  }
0x146: {  	s28 =	simm.s32 $0x73F0  }
0x147: {  	[tilespmem:s28+$0xFFFFFF10] =	vst v2  }
0x148: {  	[tilespmem:s28+$0xFFFFFF90] =	vst v0  }
0x149: {  	[tilespmem:s28+$0xFFFFFE10] =	vst v3;
	v0 =	vld [tilespmem:s1+$0x2410]  }
0x14a: {  	[tilespmem:s28+$0xFFFFFE90] =	vst v1  }
0x14b: {  	v1 =	vld [tilespmem:s19+$0xFFFFFFD0];
	_ =	sdelay $0x5  }
0x14c: {  	v2 =	vld.idx.msk [tilespmem:v0+s4+$0x0], $0xffff  }
0x14d: {  	v0 =	vld.idx.msk [tilespmem:v0+s14+$0x0], $0xffff  }
0x14e: {  	v3 =	vld.idx.msk [tilespmem:v1+s4+$0x0], $0xffff  }
0x14f: {  	v1 =	vld.idx.msk [tilespmem:v1+s14+$0x0], $0xffff;
	_ =	sdelay $0x1  }
0x150: {  	[tilespmem:s28+$0xFFFFFF20] =	vst v2  }
0x151: {  	[tilespmem:s28+$0xFFFFFFA0] =	vst v0  }
0x152: {  	[tilespmem:s28+$0xFFFFFE20] =	vst v3  }
0x153: {  	[tilespmem:s28+$0xFFFFFEA0] =	vst v1;
	v0 =	vld [tilespmem:s1+$0x2420]  }
0x154: {  	v1 =	vld [tilespmem:s19+$0xFFFFFFE0];
	_ =	sdelay $0x1  }
0x155: {  	s3 =	simm.s32 $0x180;
	s2 =	simm.s32 $0x100  }
0x156: {  	s0 =	sand.u32 $0x1C00, s2;
	s2 =	sand.u32 $0x380, s3  }
0x157: {  	s25 =	sor.u32 s2, s0  }
0x158: {  	v4 =	vld [tilespmem:s25+$0x2400];
	_ =	sdelay $0x1  }
0x159: {  	v2 =	vld.idx.msk [tilespmem:v0+s4+$0x0], $0xffff  }
0x15a: {  	v3 =	vld.idx.msk [tilespmem:v1+s4+$0x0], $0xffff  }
0x15b: {  	v0 =	vld.idx.msk [tilespmem:v0+s14+$0x0], $0xffff  }
0x15c: {  	v1 =	vld.idx.msk [tilespmem:v1+s14+$0x0], $0xffff  }
0x15d: {  	s30 =	simm.s32 $0x2540  }
0x15e: {  	[tilespmem:s28+$0xFFFFFF30] =	vst v2;
	v2 =	vld [tilespmem:s30+$0xFFFFFFC0]  }
0x15f: {  	[tilespmem:s28+$0xFFFFFE30] =	vst v3;
	v3 =	vld.idx.msk [tilespmem:v4+s4+$0x0], $0xffff  }
0x160: {  	[tilespmem:s28+$0xFFFFFFB0] =	vst v0;
	v4 =	vld.idx.msk [tilespmem:v4+s14+$0x0], $0xffff  }
0x161: {  	[tilespmem:s28+$0xFFFFFEB0] =	vst v1;
	v0 =	vld [tilespmem:s1+$0x2430]  }
0x162: {  	v1 =	vld [tilespmem:s19+$0xFFFFFFF0]  }
0x163: {  	s29 =	simm.s32 $0x75F0  }
0x164: {  	[tilespmem:s29+$0xFFFFFF10] =	vst v3  }
0x165: {  	[tilespmem:s29+$0xFFFFFF90] =	vst v4  }
0x166: {  	v4 =	vld [tilespmem:s25+$0x2410]  }
0x167: {  	v6 =	vld.idx.msk [tilespmem:v2+s4+$0x0], $0xffff  }
0x168: {  	v2 =	vld.idx.msk [tilespmem:v2+s14+$0x0], $0xffff  }
0x169: {  	v5 =	vld.idx.msk [tilespmem:v0+s4+$0x0], $0xffff  }
0x16a: {  	v3 =	vld.idx.msk [tilespmem:v1+s4+$0x0], $0xffff  }
0x16b: {  	v0 =	vld.idx.msk [tilespmem:v0+s14+$0x0], $0xffff  }
0x16c: {  	[tilespmem:s29+$0xFFFFFE10] =	vst v6  }
0x16d: {  	v1 =	vld.idx.msk [tilespmem:v1+s14+$0x0], $0xffff;
	[tilespmem:s29+$0xFFFFFE90] =	vst v2  }
0x16e: {  	[tilespmem:s28+$0xFFFFFF40] =	vst v5;
	v2 =	vld [tilespmem:s30+$0xFFFFFFD0]  }
0x16f: {  	[tilespmem:s28+$0xFFFFFE40] =	vst v3;
	v3 =	vld.idx.msk [tilespmem:v4+s4+$0x0], $0xffff  }
0x170: {  	[tilespmem:s28+$0xFFFFFFC0] =	vst v0;
	v4 =	vld.idx.msk [tilespmem:v4+s14+$0x0], $0xffff  }
0x171: {  	v0 =	vld [tilespmem:s1+$0x2440];
	_ =	sdelay $0x2  }
0x172: {  	[tilespmem:s29+$0xFFFFFF20] =	vst v3  }
0x173: {  	[tilespmem:s29+$0xFFFFFFA0] =	vst v4  }
0x174: {  	v3 =	vld [tilespmem:s25+$0x2420];
	_ =	sdelay $0x1  }
0x175: {  	v6 =	vld.idx.msk [tilespmem:v2+s4+$0x0], $0xffff  }
0x176: {  	v5 =	vld.idx.msk [tilespmem:v0+s4+$0x0], $0xffff  }
0x177: {  	[tilespmem:s28+$0xFFFFFEC0] =	vst v1;
	v0 =	vld.idx.msk [tilespmem:v0+s14+$0x0], $0xffff  }
0x178: {  	v1 =	vld [tilespmem:s19+$0x0]  }
0x179: {  	v2 =	vld.idx.msk [tilespmem:v2+s14+$0x0], $0xffff  }
0x17a: {  	[tilespmem:s29+$0xFFFFFE20] =	vst v6  }
0x17b: {  	[tilespmem:s28+$0xFFFFFF50] =	vst v5;
	v6 =	vld.idx.msk [tilespmem:v3+s4+$0x0], $0xffff  }
0x17c: {  	[tilespmem:s28+$0xFFFFFFD0] =	vst v0;
	v3 =	vld.idx.msk [tilespmem:v3+s14+$0x0], $0xffff  }
0x17d: {  	v0 =	vld [tilespmem:s1+$0x2450]  }
0x17e: {  	[tilespmem:s29+$0xFFFFFEA0] =	vst v2  }
0x17f: {  	s31 =	simm.s32 $0x2640;
	v2 =	vld [tilespmem:s30+$0xFFFFFFE0]  }
0x180: {  	v4 =	vld [tilespmem:s31+$0xFFFFFFC0]  }
0x181: {  	v5 =	vld.idx.msk [tilespmem:v1+s4+$0x0], $0xffff;
	[tilespmem:s29+$0xFFFFFF30] =	vst v6  }
0x182: {  	v1 =	vld.idx.msk [tilespmem:v1+s14+$0x0], $0xffff;
	[tilespmem:s29+$0xFFFFFFB0] =	vst v3  }
0x183: {  	v3 =	vld [tilespmem:s25+$0x2430];
	_ =	sdelay $0x1  }
0x184: {  	v7 =	vld.idx.msk [tilespmem:v0+s4+$0x0], $0xffff  }
0x185: {  	s5 =	simm.s32 $0x200;
	s6 =	simm.s32 $0x280;
	v0 =	vld.idx.msk [tilespmem:v0+s14+$0x0], $0xffff  }
0x186: {  	s0 =	sand.u32 $0x1C00, s5;
	s2 =	sand.u32 $0x380, s6;
	[tilespmem:s28+$0xFFFFFE50] =	vst v5;
	v5 =	vld.idx.msk [tilespmem:v2+s4+$0x0], $0xffff  }
0x187: {  	s3 =	sor.u32 s2, s0;
	[tilespmem:s28+$0xFFFFFED0] =	vst v1;
	v1 =	vld.idx.msk [tilespmem:v2+s14+$0x0], $0xffff  }
0x188: {  	v2 =	vld [tilespmem:s3+$0x2400]  }
0x189: {  	v6 =	vld.idx.msk [tilespmem:v4+s4+$0x0], $0xffff;
	[tilespmem:s28+$0xFFFFFF60] =	vst v7  }
0x18a: {  	[tilespmem:s28+$0xFFFFFFE0] =	vst v0;
	v8 =	vld.idx.msk [tilespmem:v3+s4+$0x0], $0xffff  }
0x18b: {  	[tilespmem:s29+$0xFFFFFE30] =	vst v5;
	v0 =	vld [tilespmem:s1+$0x2460]  }
0x18c: {  	[tilespmem:s29+$0xFFFFFEB0] =	vst v1;
	v3 =	vld.idx.msk [tilespmem:v3+s14+$0x0], $0xffff  }
0x18d: {  	v1 =	vld [tilespmem:s30+$0xFFFFFFF0]  }
0x18e: {  	v4 =	vld.idx.msk [tilespmem:v4+s14+$0x0], $0xffff  }
0x18f: {  	v5 =	vld [tilespmem:s19+$0x10]  }
0x190: {  	v7 =	vld.idx.msk [tilespmem:v2+s4+$0x0], $0xffff;
	[tilespmem:s29+$0xFFFFFF40] =	vst v8  }
0x191: {  	v2 =	vld.idx.msk [tilespmem:v2+s14+$0x0], $0xffff;
	[tilespmem:s29+$0xFFFFFFC0] =	vst v3  }
0x192: {  	v8 =	vld [tilespmem:s25+$0x2440]  }
0x193: {  	v55 =	vld.idx.msk [tilespmem:v0+s4+$0x0], $0xffff  }
0x194: {  	s0 =	simm.s32 $0x77F0;
	v0 =	vld.idx.msk [tilespmem:v0+s14+$0x0], $0xffff  }
0x195: {  	[tilespmem:s0+$0xFFFFFF10] =	vst v7;
	v7 =	vld.idx.msk [tilespmem:v1+s4+$0x0], $0xffff  }
0x196: {  	[tilespmem:s0+$0xFFFFFF90] =	vst v2;
	v1 =	vld.idx.msk [tilespmem:v1+s14+$0x0], $0xffff  }
0x197: {  	[tilespmem:s0+$0xFFFFFE10] =	vst v6;
	v2 =	vld [tilespmem:s3+$0x2410]  }
0x198: {  	[tilespmem:s0+$0xFFFFFE90] =	vst v4;
	v3 =	vld.idx.msk [tilespmem:v5+s4+$0x0], $0xffff  }
0x199: {  	[tilespmem:s28+$0xFFFFFFF0] =	vst v0;
	v0 =	vld [tilespmem:s31+$0xFFFFFFD0]  }
0x19a: {  	[tilespmem:s29+$0xFFFFFE40] =	vst v7;
	v56 =	vld.idx.msk [tilespmem:v8+s4+$0x0], $0xffff  }
0x19b: {  	[tilespmem:s29+$0xFFFFFEC0] =	vst v1;
	v8 =	vld.idx.msk [tilespmem:v8+s14+$0x0], $0xffff  }
0x19c: {  	v1 =	vld [tilespmem:s30+$0x0]  }
0x19d: {  	v5 =	vld.idx.msk [tilespmem:v5+s14+$0x0], $0xffff;
	[tilespmem:s28+$0xFFFFFF70] =	vst v55  }
0x19e: {  	v4 =	vld [tilespmem:s1+$0x2470]  }
0x19f: {  	v7 =	vld.idx.msk [tilespmem:v2+s4+$0x0], $0xffff;
	[tilespmem:s29+$0xFFFFFF50] =	vst v56  }
0x1a0: {  	v2 =	vld.idx.msk [tilespmem:v2+s14+$0x0], $0xffff;
	[tilespmem:s29+$0xFFFFFFD0] =	vst v8  }
0x1a1: {  	v8 =	vld [tilespmem:s25+$0x2450]  }
0x1a2: {  	v57 =	vld.idx.msk [tilespmem:v0+s4+$0x0], $0xffff  }
0x1a3: {  	v0 =	vld.idx.msk [tilespmem:v0+s14+$0x0], $0xffff  }
0x1a4: {  	[tilespmem:s28+$0xFFFFFE60] =	vst v3;
	v58 =	vld.idx.msk [tilespmem:v1+s4+$0x0], $0xffff  }
0x1a5: {  	[tilespmem:s28+$0xFFFFFEE0] =	vst v5;
	v1 =	vld.idx.msk [tilespmem:v1+s14+$0x0], $0xffff  }
0x1a6: {  	v3 =	vld [tilespmem:s19+$0x20];
	s1 =	simm.s32 $0x2740;
	[tilespmem:s0+$0xFFFFFF20] =	vst v7  }
0x1a7: {  	s23 =	simm.s32 $0x300;
	s16 =	simm.s32 $0x380;
	v6 =	vld [tilespmem:s1+$0xFFFFFFC0];
	[tilespmem:s0+$0xFFFFFFA0] =	vst v2  }
0x1a8: {  	s5 =	sand.u32 $0x1C00, s23;
	s2 =	sand.u32 $0x380, s16;
	v2 =	vld [tilespmem:s3+$0x2420];
	[tilespmem:s0+$0xFFFFFE20] =	vst v57  }
0x1a9: {  	s16 =	sor.u32 s2, s5;
	v7 =	vld.idx.msk [tilespmem:v4+s14+$0x0], $0xffff;
	[tilespmem:s0+$0xFFFFFEA0] =	vst v0  }
0x1aa: {  	[tilespmem:s29+$0xFFFFFED0] =	vst v1;
	v1 =	vld [tilespmem:s16+$0x2400]  }
0x1ab: {  	v0 =	vld [tilespmem:s31+$0xFFFFFFE0]  }
0x1ac: {  	v11 =	vld.idx.msk [tilespmem:v8+s4+$0x0], $0xffff  }
0x1ad: {  	v8 =	vld.idx.msk [tilespmem:v8+s14+$0x0], $0xffff  }
0x1ae: {  	v4 =	vld.idx.msk [tilespmem:v4+s4+$0x0], $0xffff  }
0x1af: {  	v59 =	vld.idx.msk [tilespmem:v6+s4+$0x0], $0xffff  }
0x1b0: {  	v62 =	vld.idx.msk [tilespmem:v6+s14+$0x0], $0xffff  }
0x1b1: {  	v5 =	vld.idx.msk [tilespmem:v2+s4+$0x0], $0xffff;
	[tilespmem:s29+$0xFFFFFF60] =	vst v11  }
0x1b2: {  	v2 =	vld.idx.msk [tilespmem:v2+s14+$0x0], $0xffff;
	[tilespmem:s29+$0xFFFFFFE0] =	vst v8  }
0x1b3: {  	v61 =	vld [tilespmem:s25+$0x2460]  }
0x1b4: {  	v6 =	vld.idx.msk [tilespmem:v1+s4+$0x0], $0xffff  }
0x1b5: {  	v60 =	vld.idx.msk [tilespmem:v0+s4+$0x0], $0xffff  }
0x1b6: {  	[tilespmem:s0+$0xFFFFFF30] =	vst v5;
	v0 =	vld.idx.msk [tilespmem:v0+s14+$0x0], $0xffff  }
0x1b7: {  	[tilespmem:s0+$0xFFFFFFB0] =	vst v2;
	v1 =	vld.idx.msk [tilespmem:v1+s14+$0x0], $0xffff  }
0x1b8: {  	v2 =	vld [tilespmem:s3+$0x2430]  }
0x1b9: {  	[tilespmem:s29+$0xFFFFFE50] =	vst v58;
	v8 =	vld.idx.msk [tilespmem:v3+s4+$0x0], $0xffff  }
0x1ba: {  	v5 =	vld [tilespmem:s30+$0x10];
	[tilespmem:s0+$0xFFFFFE30] =	vst v60  }
0x1bb: {  	s2 =	simm.s32 $0x79F0;
	[tilespmem:s0+$0xFFFFFEB0] =	vst v0;
	v0 =	vld.idx.msk [tilespmem:v3+s14+$0x0], $0xffff  }
0x1bc: {  	[tilespmem:s2+$0xFFFFFF10] =	vst v6;
	v3 =	vld [tilespmem:s31+$0xFFFFFFF0]  }
0x1bd: {  	[tilespmem:s2+$0xFFFFFF90] =	vst v1  }
0x1be: {  	v6 =	vld [tilespmem:s16+$0x2410]  }
0x1bf: {  	[tilespmem:s28+$0xFFFFFE70] =	vst v8;
	v8 =	vld.idx.msk [tilespmem:v61+s4+$0x0], $0xffff  }
0x1c0: {  	[tilespmem:s28+$0x0] =	vst v7;
	v7 =	vld.idx.msk [tilespmem:v2+s4+$0x0], $0xffff  }
0x1c1: {  	[tilespmem:s28+$0xFFFFFF80] =	vst v4;
	v12 =	vld.idx.msk [tilespmem:v2+s14+$0x0], $0xffff  }
0x1c2: {  	[tilespmem:s28+$0xFFFFFEF0] =	vst v0;
	v0 =	vld.idx.msk [tilespmem:v61+s14+$0x0], $0xffff  }
0x1c3: {  	[tilespmem:s2+$0xFFFFFE10] =	vst v59;
	v2 =	vld.idx.msk [tilespmem:v5+s4+$0x0], $0xffff  }
0x1c4: {  	[tilespmem:s29+$0xFFFFFF70] =	vst v8;
	v63 =	vld.idx.msk [tilespmem:v3+s4+$0x0], $0xffff  }
0x1c5: {  	[tilespmem:s0+$0xFFFFFF40] =	vst v7;
	v4 =	vld.idx.msk [tilespmem:v3+s14+$0x0], $0xffff  }
0x1c6: {  	[tilespmem:s0+$0xFFFFFFC0] =	vst v12;
	v3 =	vld.idx.msk [tilespmem:v5+s14+$0x0], $0xffff  }
0x1c7: {  	v5 =	vld [tilespmem:s3+$0x2440];
	[tilespmem:s29+$0xFFFFFFF0] =	vst v0  }
0x1c8: {  	[tilespmem:s2+$0xFFFFFE90] =	vst v62;
	v1 =	vld [tilespmem:s25+$0x2470]  }
0x1c9: {  	v7 =	vld [tilespmem:s1+$0xFFFFFFD0]  }
0x1ca: {  	v0 =	vld [tilespmem:s19+$0x30];
	s19 =	simm.s32 $0x6;
	s25 =	simm.s32 $0x2840;
	[tilespmem:s0+$0xFFFFFE40] =	vst v63  }
.LBB2_4:
0x1cb: {  	v8 =	vld [tilespmem:s25+$0xFFFFFFC0];
	[tilespmem:s0+$0xFFFFFEC0] =	vst v4  }
0x1cc: {  	v4 =	vld [tilespmem:s31+$0x0];
	[tilespmem:s29+$0xFFFFFE60] =	vst v2  }
0x1cd: {  	v2 =	vld.idx.msk [tilespmem:v6+s4+$0x0], $0xffff;
	[tilespmem:s29+$0xFFFFFEE0] =	vst v3  }
0x1ce: {  	v3 =	vld.idx.msk [tilespmem:v6+s14+$0x0], $0xffff  }
0x1cf: {  	v6 =	vld.idx.msk [tilespmem:v5+s4+$0x0], $0xffff  }
0x1d0: {  	v9 =	vld.idx.msk [tilespmem:v1+s14+$0x0], $0xffff  }
0x1d1: {  	v5 =	vld.idx.msk [tilespmem:v5+s14+$0x0], $0xffff  }
0x1d2: {  	v10 =	vld.idx.msk [tilespmem:v7+s4+$0x0], $0xffff  }
0x1d3: {  	v7 =	vld.idx.msk [tilespmem:v7+s14+$0x0], $0xffff;
	[tilespmem:s2+$0xFFFFFF20] =	vst v2  }
0x1d4: {  	[tilespmem:s2+$0xFFFFFFA0] =	vst v3;
	v2 =	vld.idx.msk [tilespmem:v4+s4+$0x0], $0xffff  }
0x1d5: {  	v3 =	vld [tilespmem:s16+$0x2420];
	[tilespmem:s0+$0xFFFFFF50] =	vst v6  }
0x1d6: {  	v1 =	vld.idx.msk [tilespmem:v1+s4+$0x0], $0xffff;
	[tilespmem:s29+$0x0] =	vst v9  }
0x1d7: {  	v4 =	vld.idx.msk [tilespmem:v4+s14+$0x0], $0xffff;
	[tilespmem:s0+$0xFFFFFFD0] =	vst v5  }
0x1d8: {  	[tilespmem:s2+$0xFFFFFE20] =	vst v10;
	v5 =	vld [tilespmem:s3+$0x2450]  }
0x1d9: {  	[tilespmem:s2+$0xFFFFFEA0] =	vst v7;
	v6 =	vld [tilespmem:s30+$0x20]  }
0x1da: {  	v7 =	vld [tilespmem:s1+$0xFFFFFFE0];
	[tilespmem:s0+$0xFFFFFE50] =	vst v2  }
0x1db: {  	v2 =	vld.idx.msk [tilespmem:v0+s4+$0x0], $0xffff  }
0x1dc: {  	[tilespmem:s29+$0xFFFFFF80] =	vst v1;
	v0 =	vld.idx.msk [tilespmem:v0+s14+$0x0], $0xffff  }
0x1dd: {  	v1 =	vld.idx.msk [tilespmem:v8+s4+$0x0], $0xffff;
	[tilespmem:s0+$0xFFFFFED0] =	vst v4  }
0x1de: {  	v4 =	vld.idx.msk [tilespmem:v3+s4+$0x0], $0xffff  }
0x1df: {  	v3 =	vld.idx.msk [tilespmem:v3+s14+$0x0], $0xffff  }
0x1e0: {  	s23 =	sadd.s32 $0x100, s23;
	v9 =	vld.idx.msk [tilespmem:v5+s4+$0x0], $0xffff  }
0x1e1: {  	s5 =	sadd.s32 $0x80, s23;
	v5 =	vld.idx.msk [tilespmem:v5+s14+$0x0], $0xffff;
	[tilespmem:s28+$0xFFFFFE80] =	vst v2  }
0x1e2: {  	s6 =	sand.u32 $0x1C00, s23;
	s5 =	sand.u32 $0x380, s5;
	v2 =	vld.idx.msk [tilespmem:v7+s4+$0x0], $0xffff;
	[tilespmem:s28+$0xFFFFFF00] =	vst v0;
	s28 =	smov.u32 s29  }
0x1e3: {  	s5 =	sor.u32 s5, s6;
	s29 =	smov.u32 s0;
	s0 =	smov.u32 s2;
	v0 =	vld.idx.msk [tilespmem:v7+s14+$0x0], $0xffff  }
0x1e4: {  	v7 =	vld [tilespmem:s5+$0x2400];
	[tilespmem:s2+$0xFFFFFF30] =	vst v4  }
0x1e5: {  	[tilespmem:s2+$0xFFFFFFB0] =	vst v3;
	v3 =	vld [tilespmem:s31+$0x10]  }
0x1e6: {  	v4 =	vld [tilespmem:s16+$0x2430];
	[tilespmem:s29+$0xFFFFFF60] =	vst v9  }
0x1e7: {  	[tilespmem:s29+$0xFFFFFFE0] =	vst v5;
	v5 =	vld.idx.msk [tilespmem:v6+s4+$0x0], $0xffff  }
0x1e8: {  	[tilespmem:s2+$0xFFFFFE30] =	vst v2;
	v2 =	vld [tilespmem:s3+$0x2460]  }
0x1e9: {  	[tilespmem:s2+$0xFFFFFEB0] =	vst v0;
	v0 =	vld.idx.msk [tilespmem:v6+s14+$0x0], $0xffff  }
0x1ea: {  	v6 =	vld [tilespmem:s1+$0xFFFFFFF0]  }
0x1eb: {  	v8 =	vld.idx.msk [tilespmem:v8+s14+$0x0], $0xffff  }
0x1ec: {  	s19 =	sadd.s32 $0x2, s19;
	v9 =	vld.idx.msk [tilespmem:v7+s4+$0x0], $0xffff  }
0x1ed: {  	p0 =	slt.u32 s19, $0x30;
	v7 =	vld.idx.msk [tilespmem:v7+s14+$0x0], $0xffff;
	[tilespmem:s28+$0xFFFFFE70] =	vst v5  }
0x1ee: {  	v5 =	vld.idx.msk [tilespmem:v4+s4+$0x0], $0xffff  }
0x1ef: {  	v10 =	vld.idx.msk [tilespmem:v4+s14+$0x0], $0xffff;
	[tilespmem:s28+$0xFFFFFEF0] =	vst v0  }
0x1f0: {  	v0 =	vld.idx.msk [tilespmem:v2+s4+$0x0], $0xffff  }
0x1f1: {  	s2 =	sadd.s32 $0x200, s2;
	v11 =	vld.idx.msk [tilespmem:v2+s14+$0x0], $0xffff  }
0x1f2: {  	[tilespmem:s2+$0xFFFFFF10] =	vst v9;
	v9 =	vld.idx.msk [tilespmem:v6+s4+$0x0], $0xffff  }
0x1f3: {  	[tilespmem:s2+$0xFFFFFF90] =	vst v7;
	v4 =	vld.idx.msk [tilespmem:v6+s14+$0x0], $0xffff  }
0x1f4: {  	[tilespmem:s0+$0xFFFFFF40] =	vst v5;
	v2 =	vld.idx.msk [tilespmem:v3+s4+$0x0], $0xffff  }
0x1f5: {  	v6 =	vld [tilespmem:s5+$0x2410];
	[tilespmem:s0+$0xFFFFFFC0] =	vst v10  }
.Ltmp1:
0x1f6: {  	v3 =	vld.idx.msk [tilespmem:v3+s14+$0x0], $0xffff;
	[tilespmem:s29+$0xFFFFFF70] =	vst v0;
	(pc) =	sbr.rel @p0 .LBB2_4-.Ltmp1, $4  }
0x1f7: {  	v5 =	vld [tilespmem:s16+$0x2440];
	[tilespmem:s29+$0xFFFFFFF0] =	vst v11  }
0x1f8: {  	[tilespmem:s2+$0xFFFFFE10] =	vst v1;
	v1 =	vld [tilespmem:s3+$0x2470];
	s3 =	smov.u32 s16;
	s16 =	smov.u32 s5  }
0x1f9: {  	[tilespmem:s2+$0xFFFFFE90] =	vst v8;
	v0 =	vld [tilespmem:s30+$0x30];
	s30 =	smov.u32 s31;
	s31 =	smov.u32 s1;
	s1 =	smov.u32 s25  }
0x1fa: {  	s25 =	sadd.s32 $0x100, s25;
	v7 =	vld [tilespmem:s1+$0xFFFFFFD0];
	[tilespmem:s0+$0xFFFFFE40] =	vst v9  }
0x1fb: {  	_ =	sdelay $0x4  }
0x1fc: {  	v8 =	vld.idx.msk [tilespmem:v6+s4+$0x0], $0xffff  }
0x1fd: {  	v6 =	vld.idx.msk [tilespmem:v6+s14+$0x0], $0xffff;
	_ =	sdelay $0x1  }
0x1fe: {  	v9 =	vld.idx.msk [tilespmem:v7+s4+$0x0], $0xffff  }
0x1ff: {  	v7 =	vld.idx.msk [tilespmem:v7+s14+$0x0], $0xffff  }
0x200: {  	[tilespmem:s2+$0xFFFFFF20] =	vst v8  }
0x201: {  	[tilespmem:s2+$0xFFFFFFA0] =	vst v6  }
0x202: {  	v6 =	vld [tilespmem:s16+$0x2420]  }
0x203: {  	[tilespmem:s2+$0xFFFFFE20] =	vst v9  }
0x204: {  	[tilespmem:s2+$0xFFFFFEA0] =	vst v7  }
0x205: {  	v7 =	vld [tilespmem:s1+$0xFFFFFFE0];
	_ =	sdelay $0x4  }
0x206: {  	v8 =	vld.idx.msk [tilespmem:v6+s4+$0x0], $0xffff  }
0x207: {  	v6 =	vld.idx.msk [tilespmem:v6+s14+$0x0], $0xffff;
	_ =	sdelay $0x1  }
0x208: {  	v9 =	vld.idx.msk [tilespmem:v7+s4+$0x0], $0xffff  }
0x209: {  	v7 =	vld.idx.msk [tilespmem:v7+s14+$0x0], $0xffff  }
0x20a: {  	[tilespmem:s2+$0xFFFFFF30] =	vst v8;
	v8 =	vld.idx.msk [tilespmem:v5+s4+$0x0], $0xffff  }
0x20b: {  	[tilespmem:s2+$0xFFFFFFB0] =	vst v6;
	v5 =	vld.idx.msk [tilespmem:v5+s14+$0x0], $0xffff  }
0x20c: {  	v6 =	vld [tilespmem:s16+$0x2430];
	_ =	sdelay $0x1  }
0x20d: {  	[tilespmem:s2+$0xFFFFFE30] =	vst v9  }
0x20e: {  	[tilespmem:s2+$0xFFFFFEB0] =	vst v7  }
0x20f: {  	v7 =	vld [tilespmem:s1+$0xFFFFFFF0];
	[tilespmem:s0+$0xFFFFFF50] =	vst v8  }
0x210: {  	[tilespmem:s0+$0xFFFFFFD0] =	vst v5  }
0x211: {  	v5 =	vld [tilespmem:s3+$0x2450];
	_ =	sdelay $0x1  }
0x212: {  	[tilespmem:s0+$0xFFFFFEC0] =	vst v4;
	v4 =	vld.idx.msk [tilespmem:v6+s4+$0x0], $0xffff  }
0x213: {  	v6 =	vld.idx.msk [tilespmem:v6+s14+$0x0], $0xffff  }
0x214: {  	v8 =	vld [tilespmem:s31+$0x0];
	_ =	sdelay $0x1  }
0x215: {  	v9 =	vld.idx.msk [tilespmem:v7+s4+$0x0], $0xffff  }
0x216: {  	v7 =	vld.idx.msk [tilespmem:v7+s14+$0x0], $0xffff;
	[tilespmem:s2+$0xFFFFFF40] =	vst v4  }
0x217: {  	[tilespmem:s2+$0xFFFFFFC0] =	vst v6;
	v49 =	vld.idx.msk [tilespmem:v5+s4+$0x0], $0xffff  }
0x218: {  	v4 =	vld [tilespmem:s16+$0x2440]  }
0x219: {  	[tilespmem:s29+$0xFFFFFEE0] =	vst v3;
	v5 =	vld.idx.msk [tilespmem:v5+s14+$0x0], $0xffff  }
0x21a: {  	[tilespmem:s2+$0xFFFFFE40] =	vst v9  }
0x21b: {  	v3 =	vld.idx.msk [tilespmem:v8+s14+$0x0], $0xffff;
	[tilespmem:s2+$0xFFFFFEC0] =	vst v7  }
0x21c: {  	v6 =	vld [tilespmem:s1+$0x0]  }
0x21d: {  	v7 =	vld.idx.msk [tilespmem:v8+s4+$0x0], $0xffff;
	[tilespmem:s0+$0xFFFFFF60] =	vst v49  }
0x21e: {  	[tilespmem:s0+$0xFFFFFFE0] =	vst v5  }
0x21f: {  	v8 =	vld [tilespmem:s3+$0x2460]  }
0x220: {  	[tilespmem:s29+$0xFFFFFE60] =	vst v2;
	v10 =	vld.idx.msk [tilespmem:v4+s4+$0x0], $0xffff  }
0x221: {  	[tilespmem:s0+$0xFFFFFED0] =	vst v3;
	v2 =	vld.idx.msk [tilespmem:v4+s14+$0x0], $0xffff  }
0x222: {  	v4 =	vld [tilespmem:s30+$0x20];
	[tilespmem:s0+$0xFFFFFE50] =	vst v7  }
0x223: {  	v3 =	vld [tilespmem:s31+$0x10]  }
0x224: {  	v5 =	vld.idx.msk [tilespmem:v6+s4+$0x0], $0xffff  }
0x225: {  	v6 =	vld.idx.msk [tilespmem:v6+s14+$0x0], $0xffff;
	[tilespmem:s2+$0xFFFFFF50] =	vst v10  }
0x226: {  	[tilespmem:s2+$0xFFFFFFD0] =	vst v2  }
0x227: {  	v2 =	vld [tilespmem:s16+$0x2450]  }
0x228: {  	v7 =	vld.idx.msk [tilespmem:v8+s4+$0x0], $0xffff  }
0x229: {  	v8 =	vld.idx.msk [tilespmem:v8+s14+$0x0], $0xffff;
	[tilespmem:s2+$0xFFFFFE50] =	vst v5  }
0x22a: {  	[tilespmem:s2+$0xFFFFFED0] =	vst v6;
	v6 =	vld.idx.msk [tilespmem:v4+s4+$0x0], $0xffff  }
0x22b: {  	v5 =	vld [tilespmem:s1+$0x10]  }
0x22c: {  	v51 =	vld.idx.msk [tilespmem:v3+s4+$0x0], $0xffff  }
0x22d: {  	v4 =	vld.idx.msk [tilespmem:v4+s14+$0x0], $0xffff  }
0x22e: {  	v3 =	vld.idx.msk [tilespmem:v3+s14+$0x0], $0xffff;
	[tilespmem:s0+$0xFFFFFF70] =	vst v7  }
0x22f: {  	[tilespmem:s0+$0xFFFFFFF0] =	vst v8;
	v50 =	vld.idx.msk [tilespmem:v2+s4+$0x0], $0xffff  }
0x230: {  	v2 =	vld.idx.msk [tilespmem:v2+s14+$0x0], $0xffff;
	[tilespmem:s29+$0xFFFFFE70] =	vst v6  }
0x231: {  	[tilespmem:s0+$0xFFFFFE60] =	vst v51  }
0x232: {  	[tilespmem:s29+$0xFFFFFEF0] =	vst v4;
	v4 =	vld [tilespmem:s3+$0x2470]  }
0x233: {  	[tilespmem:s0+$0xFFFFFEE0] =	vst v3;
	v6 =	vld.idx.msk [tilespmem:v5+s4+$0x0], $0xffff  }
0x234: {  	v5 =	vld.idx.msk [tilespmem:v5+s14+$0x0], $0xffff;
	[tilespmem:s2+$0xFFFFFF60] =	vst v50  }
0x235: {  	v3 =	vld [tilespmem:s31+$0x20];
	[tilespmem:s2+$0xFFFFFFE0] =	vst v2  }
0x236: {  	v2 =	vld [tilespmem:s16+$0x2460];
	_ =	sdelay $0x1  }
0x237: {  	[tilespmem:s2+$0xFFFFFE60] =	vst v6  }
0x238: {  	v7 =	vld [tilespmem:s30+$0x30];
	[tilespmem:s2+$0xFFFFFEE0] =	vst v5  }
0x239: {  	v5 =	vld [tilespmem:s1+$0x20]  }
0x23a: {  	v54 =	vld.idx.msk [tilespmem:v4+s14+$0x0], $0xffff  }
0x23b: {  	v4 =	vld.idx.msk [tilespmem:v4+s4+$0x0], $0xffff  }
0x23c: {  	v52 =	vld.idx.msk [tilespmem:v3+s4+$0x0], $0xffff  }
0x23d: {  	v8 =	vld.idx.msk [tilespmem:v2+s4+$0x0], $0xffff  }
0x23e: {  	v2 =	vld.idx.msk [tilespmem:v2+s14+$0x0], $0xffff  }
0x23f: {  	v3 =	vld.idx.msk [tilespmem:v3+s14+$0x0], $0xffff  }
0x240: {  	v6 =	vld.idx.msk [tilespmem:v1+s14+$0x0], $0xffff  }
0x241: {  	[tilespmem:s0+$0xFFFFFE70] =	vst v52;
	v53 =	vld.idx.msk [tilespmem:v5+s4+$0x0], $0xffff  }
0x242: {  	v5 =	vld.idx.msk [tilespmem:v5+s14+$0x0], $0xffff;
	[tilespmem:s2+$0xFFFFFF70] =	vst v8  }
0x243: {  	v1 =	vld.idx.msk [tilespmem:v1+s4+$0x0], $0xffff;
	[tilespmem:s2+$0xFFFFFFF0] =	vst v2  }
0x244: {  	[tilespmem:s0+$0xFFFFFEF0] =	vst v3;
	v2 =	vld [tilespmem:s16+$0x2470]  }
0x245: {  	v3 =	vld [tilespmem:s31+$0x30]  }
0x246: {  	v8 =	vld.idx.msk [tilespmem:v0+s4+$0x0], $0xffff;
	[tilespmem:s2+$0xFFFFFE70] =	vst v53  }
0x247: {  	v0 =	vld.idx.msk [tilespmem:v0+s14+$0x0], $0xffff;
	[tilespmem:s2+$0xFFFFFEF0] =	vst v5  }
0x248: {  	v5 =	vld [tilespmem:s1+$0x30]  }
0x249: {  	[tilespmem:s29+$0xFFFFFF80] =	vst v1;
	v1 =	vld.idx.msk [tilespmem:v7+s4+$0x0], $0xffff  }
0x24a: {  	[tilespmem:s29+$0x0] =	vst v6;
	v6 =	vld.idx.msk [tilespmem:v7+s14+$0x0], $0xffff  }
0x24b: {  	[tilespmem:s0+$0x0] =	vst v54  }
0x24c: {  	[tilespmem:s28+$0xFFFFFF00] =	vst v0;
	v0 =	vld.idx.msk [tilespmem:v2+s14+$0x0], $0xffff  }
0x24d: {  	[tilespmem:s0+$0xFFFFFF80] =	vst v4;
	v4 =	vld.idx.msk [tilespmem:v3+s4+$0x0], $0xffff  }
0x24e: {  	[tilespmem:s29+$0xFFFFFE80] =	vst v1;
	v1 =	vld.idx.msk [tilespmem:v3+s14+$0x0], $0xffff  }
0x24f: {  	[tilespmem:s29+$0xFFFFFF00] =	vst v6;
	v2 =	vld.idx.msk [tilespmem:v2+s4+$0x0], $0xffff  }
0x250: {  	[tilespmem:s28+$0xFFFFFE80] =	vst v8;
	v3 =	vld.idx.msk [tilespmem:v5+s4+$0x0], $0xffff  }
0x251: {  	[tilespmem:s2+$0x0] =	vst v0;
	v0 =	vld.idx.msk [tilespmem:v5+s14+$0x0], $0xffff  }
0x252: {  	[tilespmem:s0+$0xFFFFFE80] =	vst v4  }
0x253: {  	[tilespmem:s0+$0xFFFFFF00] =	vst v1  }
0x254: {  	[tilespmem:s2+$0xFFFFFF80] =	vst v2  }
0x255: {  	[tilespmem:s2+$0xFFFFFE80] =	vst v3  }
0x256: {  	s16 =	simm.s32 $0x7200;
	[tilespmem:s2+$0xFFFFFF00] =	vst v0  }
0x257: {  	[hbm4b:s9+s21] =	stream.strided.scatter [tilespmem:s16], [sflag:$0x4], $0x3200, s22, s21, $0x38;
	[tilespmem:$0xA400] =	vst v63  }
0x258: {  	s19 =	simm.s32 $0x2400  }
0x259: {  	[tilespmem:s19], [sflag:$0x2] =	stream.strided.gather [hbm4b:s10+s14], $0x1C00, s15, s14, $0x38;
	[tilespmem:$0xA400] =	vst v63  }
0x25a: {  	_ =	swait.ge [sflag:s20], $0x1C00  }
0x25b: {  	[sflag:s20] =	ssyncset.done $0x0  }
0x25c: {  	[sflag:s20] =	ssyncadd.s32 $0xFFFFE400  }
0x25d: {  	s23 =	simm.s32 $0x0;
	s25 =	simm.s32 $0x80;
	_ =	swait.ge [sflag:s17], $0x3200  }
0x25e: {  	s1 =	sand.u32 $0x380, s25;
	s0 =	sand.u32 $0x1C00, s23;
	[sflag:s17] =	ssyncset.done $0x0  }
0x25f: {  	s1 =	sor.u32 s1, s0;
	[sflag:s17] =	ssyncadd.s32 $0xFFFFCE00  }
0x260: {  	v0 =	vld [tilespmem:s1+$0x800]  }
0x261: {  	s19 =	simm.s32 $0x840  }
0x262: {  	v1 =	vld [tilespmem:s19+$0xFFFFFFC0];
	_ =	sdelay $0x5  }
0x263: {  	v2 =	vld.idx.msk [tilespmem:v0+s4+$0x0], $0xffff  }
0x264: {  	v0 =	vld.idx.msk [tilespmem:v0+s14+$0x0], $0xffff  }
0x265: {  	v3 =	vld.idx.msk [tilespmem:v1+s4+$0x0], $0xffff  }
0x266: {  	v1 =	vld.idx.msk [tilespmem:v1+s14+$0x0], $0xffff  }
0x267: {  	s28 =	simm.s32 $0x4100  }
0x268: {  	[tilespmem:s28+$0x0] =	vst v2  }
0x269: {  	[tilespmem:s28+$0x80] =	vst v0  }
0x26a: {  	[tilespmem:s28+$0xFFFFFF00] =	vst v3;
	v0 =	vld [tilespmem:s1+$0x810]  }
0x26b: {  	[tilespmem:s28+$0xFFFFFF80] =	vst v1  }
0x26c: {  	v1 =	vld [tilespmem:s19+$0xFFFFFFD0];
	_ =	sdelay $0x5  }
0x26d: {  	v2 =	vld.idx.msk [tilespmem:v0+s4+$0x0], $0xffff  }
0x26e: {  	v0 =	vld.idx.msk [tilespmem:v0+s14+$0x0], $0xffff  }
0x26f: {  	v3 =	vld.idx.msk [tilespmem:v1+s4+$0x0], $0xffff  }
0x270: {  	v1 =	vld.idx.msk [tilespmem:v1+s14+$0x0], $0xffff;
	_ =	sdelay $0x1  }
0x271: {  	[tilespmem:s28+$0x10] =	vst v2  }
0x272: {  	[tilespmem:s28+$0x90] =	vst v0  }
0x273: {  	[tilespmem:s28+$0xFFFFFF10] =	vst v3  }
0x274: {  	[tilespmem:s28+$0xFFFFFF90] =	vst v1;
	v0 =	vld [tilespmem:s1+$0x820]  }
0x275: {  	v1 =	vld [tilespmem:s19+$0xFFFFFFE0];
	_ =	sdelay $0x1  }
0x276: {  	s3 =	simm.s32 $0x180;
	s2 =	simm.s32 $0x100  }
0x277: {  	s0 =	sand.u32 $0x1C00, s2;
	s2 =	sand.u32 $0x380, s3  }
0x278: {  	s25 =	sor.u32 s2, s0  }
0x279: {  	v4 =	vld [tilespmem:s25+$0x800];
	_ =	sdelay $0x1  }
0x27a: {  	v2 =	vld.idx.msk [tilespmem:v0+s4+$0x0], $0xffff  }
0x27b: {  	v3 =	vld.idx.msk [tilespmem:v1+s4+$0x0], $0xffff  }
0x27c: {  	v0 =	vld.idx.msk [tilespmem:v0+s14+$0x0], $0xffff  }
0x27d: {  	v1 =	vld.idx.msk [tilespmem:v1+s14+$0x0], $0xffff  }
0x27e: {  	s30 =	simm.s32 $0x940  }
0x27f: {  	[tilespmem:s28+$0x20] =	vst v2;
	v2 =	vld [tilespmem:s30+$0xFFFFFFC0]  }
0x280: {  	[tilespmem:s28+$0xFFFFFF20] =	vst v3;
	v3 =	vld.idx.msk [tilespmem:v4+s4+$0x0], $0xffff  }
0x281: {  	[tilespmem:s28+$0xA0] =	vst v0;
	v4 =	vld.idx.msk [tilespmem:v4+s14+$0x0], $0xffff  }
0x282: {  	[tilespmem:s28+$0xFFFFFFA0] =	vst v1;
	v0 =	vld [tilespmem:s1+$0x830]  }
0x283: {  	v1 =	vld [tilespmem:s19+$0xFFFFFFF0]  }
0x284: {  	s29 =	simm.s32 $0x4300  }
0x285: {  	[tilespmem:s29+$0x0] =	vst v3  }
0x286: {  	[tilespmem:s29+$0x80] =	vst v4  }
0x287: {  	v4 =	vld [tilespmem:s25+$0x810]  }
0x288: {  	v6 =	vld.idx.msk [tilespmem:v2+s4+$0x0], $0xffff  }
0x289: {  	v2 =	vld.idx.msk [tilespmem:v2+s14+$0x0], $0xffff  }
0x28a: {  	v5 =	vld.idx.msk [tilespmem:v0+s4+$0x0], $0xffff  }
0x28b: {  	v3 =	vld.idx.msk [tilespmem:v1+s4+$0x0], $0xffff  }
0x28c: {  	v0 =	vld.idx.msk [tilespmem:v0+s14+$0x0], $0xffff  }
0x28d: {  	[tilespmem:s29+$0xFFFFFF00] =	vst v6  }
0x28e: {  	v1 =	vld.idx.msk [tilespmem:v1+s14+$0x0], $0xffff;
	[tilespmem:s29+$0xFFFFFF80] =	vst v2  }
0x28f: {  	[tilespmem:s28+$0x30] =	vst v5;
	v2 =	vld [tilespmem:s30+$0xFFFFFFD0]  }
0x290: {  	[tilespmem:s28+$0xFFFFFF30] =	vst v3;
	v3 =	vld.idx.msk [tilespmem:v4+s4+$0x0], $0xffff  }
0x291: {  	[tilespmem:s28+$0xB0] =	vst v0;
	v4 =	vld.idx.msk [tilespmem:v4+s14+$0x0], $0xffff  }
0x292: {  	v0 =	vld [tilespmem:s1+$0x840];
	_ =	sdelay $0x2  }
0x293: {  	[tilespmem:s29+$0x10] =	vst v3  }
0x294: {  	[tilespmem:s29+$0x90] =	vst v4  }
0x295: {  	v3 =	vld [tilespmem:s25+$0x820];
	_ =	sdelay $0x1  }
0x296: {  	v6 =	vld.idx.msk [tilespmem:v2+s4+$0x0], $0xffff  }
0x297: {  	v5 =	vld.idx.msk [tilespmem:v0+s4+$0x0], $0xffff  }
0x298: {  	[tilespmem:s28+$0xFFFFFFB0] =	vst v1;
	v0 =	vld.idx.msk [tilespmem:v0+s14+$0x0], $0xffff  }
0x299: {  	v1 =	vld [tilespmem:s19+$0x0]  }
0x29a: {  	v2 =	vld.idx.msk [tilespmem:v2+s14+$0x0], $0xffff  }
0x29b: {  	[tilespmem:s29+$0xFFFFFF10] =	vst v6  }
0x29c: {  	[tilespmem:s28+$0x40] =	vst v5;
	v6 =	vld.idx.msk [tilespmem:v3+s4+$0x0], $0xffff  }
0x29d: {  	[tilespmem:s28+$0xC0] =	vst v0;
	v3 =	vld.idx.msk [tilespmem:v3+s14+$0x0], $0xffff  }
0x29e: {  	v0 =	vld [tilespmem:s1+$0x850]  }
0x29f: {  	[tilespmem:s29+$0xFFFFFF90] =	vst v2  }
0x2a0: {  	s31 =	simm.s32 $0xA40;
	v2 =	vld [tilespmem:s30+$0xFFFFFFE0]  }
0x2a1: {  	v4 =	vld [tilespmem:s31+$0xFFFFFFC0]  }
0x2a2: {  	v5 =	vld.idx.msk [tilespmem:v1+s4+$0x0], $0xffff;
	[tilespmem:s29+$0x20] =	vst v6  }
0x2a3: {  	v1 =	vld.idx.msk [tilespmem:v1+s14+$0x0], $0xffff;
	[tilespmem:s29+$0xA0] =	vst v3  }
0x2a4: {  	v3 =	vld [tilespmem:s25+$0x830];
	_ =	sdelay $0x1  }
0x2a5: {  	v7 =	vld.idx.msk [tilespmem:v0+s4+$0x0], $0xffff  }
0x2a6: {  	s5 =	simm.s32 $0x200;
	s6 =	simm.s32 $0x280;
	v0 =	vld.idx.msk [tilespmem:v0+s14+$0x0], $0xffff  }
0x2a7: {  	s0 =	sand.u32 $0x1C00, s5;
	s2 =	sand.u32 $0x380, s6;
	[tilespmem:s28+$0xFFFFFF40] =	vst v5;
	v5 =	vld.idx.msk [tilespmem:v2+s4+$0x0], $0xffff  }
0x2a8: {  	s3 =	sor.u32 s2, s0;
	[tilespmem:s28+$0xFFFFFFC0] =	vst v1;
	v1 =	vld.idx.msk [tilespmem:v2+s14+$0x0], $0xffff  }
0x2a9: {  	v2 =	vld [tilespmem:s3+$0x800]  }
0x2aa: {  	v6 =	vld.idx.msk [tilespmem:v4+s4+$0x0], $0xffff;
	[tilespmem:s28+$0x50] =	vst v7  }
0x2ab: {  	[tilespmem:s28+$0xD0] =	vst v0;
	v8 =	vld.idx.msk [tilespmem:v3+s4+$0x0], $0xffff  }
0x2ac: {  	[tilespmem:s29+$0xFFFFFF20] =	vst v5;
	v0 =	vld [tilespmem:s1+$0x860]  }
0x2ad: {  	[tilespmem:s29+$0xFFFFFFA0] =	vst v1;
	v3 =	vld.idx.msk [tilespmem:v3+s14+$0x0], $0xffff  }
0x2ae: {  	v1 =	vld [tilespmem:s30+$0xFFFFFFF0]  }
0x2af: {  	v4 =	vld.idx.msk [tilespmem:v4+s14+$0x0], $0xffff  }
0x2b0: {  	v5 =	vld [tilespmem:s19+$0x10]  }
0x2b1: {  	v7 =	vld.idx.msk [tilespmem:v2+s4+$0x0], $0xffff;
	[tilespmem:s29+$0x30] =	vst v8  }
0x2b2: {  	v2 =	vld.idx.msk [tilespmem:v2+s14+$0x0], $0xffff;
	[tilespmem:s29+$0xB0] =	vst v3  }
0x2b3: {  	v8 =	vld [tilespmem:s25+$0x840]  }
0x2b4: {  	v55 =	vld.idx.msk [tilespmem:v0+s4+$0x0], $0xffff  }
0x2b5: {  	s0 =	simm.s32 $0x4500;
	v0 =	vld.idx.msk [tilespmem:v0+s14+$0x0], $0xffff  }
0x2b6: {  	[tilespmem:s0+$0x0] =	vst v7;
	v7 =	vld.idx.msk [tilespmem:v1+s4+$0x0], $0xffff  }
0x2b7: {  	[tilespmem:s0+$0x80] =	vst v2;
	v1 =	vld.idx.msk [tilespmem:v1+s14+$0x0], $0xffff  }
0x2b8: {  	[tilespmem:s0+$0xFFFFFF00] =	vst v6;
	v2 =	vld [tilespmem:s3+$0x810]  }
0x2b9: {  	[tilespmem:s0+$0xFFFFFF80] =	vst v4;
	v3 =	vld.idx.msk [tilespmem:v5+s4+$0x0], $0xffff  }
0x2ba: {  	[tilespmem:s28+$0xE0] =	vst v0;
	v0 =	vld [tilespmem:s31+$0xFFFFFFD0]  }
0x2bb: {  	[tilespmem:s29+$0xFFFFFF30] =	vst v7;
	v56 =	vld.idx.msk [tilespmem:v8+s4+$0x0], $0xffff  }
0x2bc: {  	[tilespmem:s29+$0xFFFFFFB0] =	vst v1;
	v8 =	vld.idx.msk [tilespmem:v8+s14+$0x0], $0xffff  }
0x2bd: {  	v1 =	vld [tilespmem:s30+$0x0]  }
0x2be: {  	v5 =	vld.idx.msk [tilespmem:v5+s14+$0x0], $0xffff;
	[tilespmem:s28+$0x60] =	vst v55  }
0x2bf: {  	v4 =	vld [tilespmem:s1+$0x870]  }
0x2c0: {  	v7 =	vld.idx.msk [tilespmem:v2+s4+$0x0], $0xffff;
	[tilespmem:s29+$0x40] =	vst v56  }
0x2c1: {  	v2 =	vld.idx.msk [tilespmem:v2+s14+$0x0], $0xffff;
	[tilespmem:s29+$0xC0] =	vst v8  }
0x2c2: {  	v8 =	vld [tilespmem:s25+$0x850]  }
0x2c3: {  	v57 =	vld.idx.msk [tilespmem:v0+s4+$0x0], $0xffff  }
0x2c4: {  	v0 =	vld.idx.msk [tilespmem:v0+s14+$0x0], $0xffff  }
0x2c5: {  	[tilespmem:s28+$0xFFFFFF50] =	vst v3;
	v58 =	vld.idx.msk [tilespmem:v1+s4+$0x0], $0xffff  }
0x2c6: {  	[tilespmem:s28+$0xFFFFFFD0] =	vst v5;
	v1 =	vld.idx.msk [tilespmem:v1+s14+$0x0], $0xffff  }
0x2c7: {  	v3 =	vld [tilespmem:s19+$0x20];
	s1 =	simm.s32 $0xB40;
	[tilespmem:s0+$0x10] =	vst v7  }
0x2c8: {  	s23 =	simm.s32 $0x300;
	s16 =	simm.s32 $0x380;
	v6 =	vld [tilespmem:s1+$0xFFFFFFC0];
	[tilespmem:s0+$0x90] =	vst v2  }
0x2c9: {  	s5 =	sand.u32 $0x1C00, s23;
	s2 =	sand.u32 $0x380, s16;
	v2 =	vld [tilespmem:s3+$0x820];
	[tilespmem:s0+$0xFFFFFF10] =	vst v57  }
0x2ca: {  	s16 =	sor.u32 s2, s5;
	v7 =	vld.idx.msk [tilespmem:v4+s14+$0x0], $0xffff;
	[tilespmem:s0+$0xFFFFFF90] =	vst v0  }
0x2cb: {  	[tilespmem:s29+$0xFFFFFFC0] =	vst v1;
	v1 =	vld [tilespmem:s16+$0x800]  }
0x2cc: {  	v0 =	vld [tilespmem:s31+$0xFFFFFFE0]  }
0x2cd: {  	v11 =	vld.idx.msk [tilespmem:v8+s4+$0x0], $0xffff  }
0x2ce: {  	v8 =	vld.idx.msk [tilespmem:v8+s14+$0x0], $0xffff  }
0x2cf: {  	v4 =	vld.idx.msk [tilespmem:v4+s4+$0x0], $0xffff  }
0x2d0: {  	v59 =	vld.idx.msk [tilespmem:v6+s4+$0x0], $0xffff  }
0x2d1: {  	v62 =	vld.idx.msk [tilespmem:v6+s14+$0x0], $0xffff  }
0x2d2: {  	v5 =	vld.idx.msk [tilespmem:v2+s4+$0x0], $0xffff;
	[tilespmem:s29+$0x50] =	vst v11  }
0x2d3: {  	v2 =	vld.idx.msk [tilespmem:v2+s14+$0x0], $0xffff;
	[tilespmem:s29+$0xD0] =	vst v8  }
0x2d4: {  	v61 =	vld [tilespmem:s25+$0x860]  }
0x2d5: {  	v6 =	vld.idx.msk [tilespmem:v1+s4+$0x0], $0xffff  }
0x2d6: {  	v60 =	vld.idx.msk [tilespmem:v0+s4+$0x0], $0xffff  }
0x2d7: {  	[tilespmem:s0+$0x20] =	vst v5;
	v0 =	vld.idx.msk [tilespmem:v0+s14+$0x0], $0xffff  }
0x2d8: {  	[tilespmem:s0+$0xA0] =	vst v2;
	v1 =	vld.idx.msk [tilespmem:v1+s14+$0x0], $0xffff  }
0x2d9: {  	v2 =	vld [tilespmem:s3+$0x830]  }
0x2da: {  	[tilespmem:s29+$0xFFFFFF40] =	vst v58;
	v8 =	vld.idx.msk [tilespmem:v3+s4+$0x0], $0xffff  }
0x2db: {  	v5 =	vld [tilespmem:s30+$0x10];
	[tilespmem:s0+$0xFFFFFF20] =	vst v60  }
0x2dc: {  	s2 =	simm.s32 $0x4700;
	[tilespmem:s0+$0xFFFFFFA0] =	vst v0;
	v0 =	vld.idx.msk [tilespmem:v3+s14+$0x0], $0xffff  }
0x2dd: {  	[tilespmem:s2+$0x0] =	vst v6;
	v3 =	vld [tilespmem:s31+$0xFFFFFFF0]  }
0x2de: {  	[tilespmem:s2+$0x80] =	vst v1  }
0x2df: {  	v6 =	vld [tilespmem:s16+$0x810]  }
0x2e0: {  	[tilespmem:s28+$0xFFFFFF60] =	vst v8;
	v8 =	vld.idx.msk [tilespmem:v61+s4+$0x0], $0xffff  }
0x2e1: {  	[tilespmem:s28+$0xF0] =	vst v7;
	v7 =	vld.idx.msk [tilespmem:v2+s4+$0x0], $0xffff  }
0x2e2: {  	[tilespmem:s28+$0x70] =	vst v4;
	v12 =	vld.idx.msk [tilespmem:v2+s14+$0x0], $0xffff  }
0x2e3: {  	[tilespmem:s28+$0xFFFFFFE0] =	vst v0;
	v0 =	vld.idx.msk [tilespmem:v61+s14+$0x0], $0xffff  }
0x2e4: {  	[tilespmem:s2+$0xFFFFFF00] =	vst v59;
	v2 =	vld.idx.msk [tilespmem:v5+s4+$0x0], $0xffff  }
0x2e5: {  	[tilespmem:s29+$0x60] =	vst v8;
	v63 =	vld.idx.msk [tilespmem:v3+s4+$0x0], $0xffff  }
0x2e6: {  	[tilespmem:s0+$0x30] =	vst v7;
	v4 =	vld.idx.msk [tilespmem:v3+s14+$0x0], $0xffff  }
0x2e7: {  	[tilespmem:s0+$0xB0] =	vst v12;
	v3 =	vld.idx.msk [tilespmem:v5+s14+$0x0], $0xffff  }
0x2e8: {  	v5 =	vld [tilespmem:s3+$0x840];
	[tilespmem:s29+$0xE0] =	vst v0  }
0x2e9: {  	[tilespmem:s2+$0xFFFFFF80] =	vst v62;
	v1 =	vld [tilespmem:s25+$0x870]  }
0x2ea: {  	v7 =	vld [tilespmem:s1+$0xFFFFFFD0]  }
0x2eb: {  	v0 =	vld [tilespmem:s19+$0x30];
	s19 =	simm.s32 $0x6;
	s25 =	simm.s32 $0xC40;
	[tilespmem:s0+$0xFFFFFF30] =	vst v63  }
.LBB2_6:
0x2ec: {  	v8 =	vld [tilespmem:s25+$0xFFFFFFC0];
	[tilespmem:s0+$0xFFFFFFB0] =	vst v4  }
0x2ed: {  	v4 =	vld [tilespmem:s31+$0x0];
	[tilespmem:s29+$0xFFFFFF50] =	vst v2  }
0x2ee: {  	v2 =	vld.idx.msk [tilespmem:v6+s4+$0x0], $0xffff;
	[tilespmem:s29+$0xFFFFFFD0] =	vst v3  }
0x2ef: {  	v3 =	vld.idx.msk [tilespmem:v6+s14+$0x0], $0xffff  }
0x2f0: {  	v6 =	vld.idx.msk [tilespmem:v5+s4+$0x0], $0xffff  }
0x2f1: {  	v9 =	vld.idx.msk [tilespmem:v1+s14+$0x0], $0xffff  }
0x2f2: {  	v5 =	vld.idx.msk [tilespmem:v5+s14+$0x0], $0xffff  }
0x2f3: {  	v10 =	vld.idx.msk [tilespmem:v7+s4+$0x0], $0xffff  }
0x2f4: {  	v7 =	vld.idx.msk [tilespmem:v7+s14+$0x0], $0xffff;
	[tilespmem:s2+$0x10] =	vst v2  }
0x2f5: {  	[tilespmem:s2+$0x90] =	vst v3;
	v2 =	vld.idx.msk [tilespmem:v4+s4+$0x0], $0xffff  }
0x2f6: {  	v3 =	vld [tilespmem:s16+$0x820];
	[tilespmem:s0+$0x40] =	vst v6  }
0x2f7: {  	v1 =	vld.idx.msk [tilespmem:v1+s4+$0x0], $0xffff;
	[tilespmem:s29+$0xF0] =	vst v9  }
0x2f8: {  	v4 =	vld.idx.msk [tilespmem:v4+s14+$0x0], $0xffff;
	[tilespmem:s0+$0xC0] =	vst v5  }
0x2f9: {  	[tilespmem:s2+$0xFFFFFF10] =	vst v10;
	v5 =	vld [tilespmem:s3+$0x850]  }
0x2fa: {  	[tilespmem:s2+$0xFFFFFF90] =	vst v7;
	v6 =	vld [tilespmem:s30+$0x20]  }
0x2fb: {  	v7 =	vld [tilespmem:s1+$0xFFFFFFE0];
	[tilespmem:s0+$0xFFFFFF40] =	vst v2  }
0x2fc: {  	v2 =	vld.idx.msk [tilespmem:v0+s4+$0x0], $0xffff  }
0x2fd: {  	[tilespmem:s29+$0x70] =	vst v1;
	v0 =	vld.idx.msk [tilespmem:v0+s14+$0x0], $0xffff  }
0x2fe: {  	v1 =	vld.idx.msk [tilespmem:v8+s4+$0x0], $0xffff;
	[tilespmem:s0+$0xFFFFFFC0] =	vst v4  }
0x2ff: {  	v4 =	vld.idx.msk [tilespmem:v3+s4+$0x0], $0xffff  }
0x300: {  	v3 =	vld.idx.msk [tilespmem:v3+s14+$0x0], $0xffff  }
0x301: {  	s23 =	sadd.s32 $0x100, s23;
	v9 =	vld.idx.msk [tilespmem:v5+s4+$0x0], $0xffff  }
0x302: {  	s5 =	sadd.s32 $0x80, s23;
	v5 =	vld.idx.msk [tilespmem:v5+s14+$0x0], $0xffff;
	[tilespmem:s28+$0xFFFFFF70] =	vst v2  }
0x303: {  	s6 =	sand.u32 $0x1C00, s23;
	s5 =	sand.u32 $0x380, s5;
	v2 =	vld.idx.msk [tilespmem:v7+s4+$0x0], $0xffff;
	[tilespmem:s28+$0xFFFFFFF0] =	vst v0;
	s28 =	smov.u32 s29  }
0x304: {  	s5 =	sor.u32 s5, s6;
	s29 =	smov.u32 s0;
	s0 =	smov.u32 s2;
	v0 =	vld.idx.msk [tilespmem:v7+s14+$0x0], $0xffff  }
0x305: {  	v7 =	vld [tilespmem:s5+$0x800];
	[tilespmem:s2+$0x20] =	vst v4  }
0x306: {  	[tilespmem:s2+$0xA0] =	vst v3;
	v3 =	vld [tilespmem:s31+$0x10]  }
0x307: {  	v4 =	vld [tilespmem:s16+$0x830];
	[tilespmem:s29+$0x50] =	vst v9  }
0x308: {  	[tilespmem:s29+$0xD0] =	vst v5;
	v5 =	vld.idx.msk [tilespmem:v6+s4+$0x0], $0xffff  }
0x309: {  	[tilespmem:s2+$0xFFFFFF20] =	vst v2;
	v2 =	vld [tilespmem:s3+$0x860]  }
0x30a: {  	[tilespmem:s2+$0xFFFFFFA0] =	vst v0;
	v0 =	vld.idx.msk [tilespmem:v6+s14+$0x0], $0xffff  }
0x30b: {  	v6 =	vld [tilespmem:s1+$0xFFFFFFF0]  }
0x30c: {  	v8 =	vld.idx.msk [tilespmem:v8+s14+$0x0], $0xffff  }
0x30d: {  	s19 =	sadd.s32 $0x2, s19;
	v9 =	vld.idx.msk [tilespmem:v7+s4+$0x0], $0xffff  }
0x30e: {  	p0 =	slt.u32 s19, $0x30;
	v7 =	vld.idx.msk [tilespmem:v7+s14+$0x0], $0xffff;
	[tilespmem:s28+$0xFFFFFF60] =	vst v5  }
0x30f: {  	v5 =	vld.idx.msk [tilespmem:v4+s4+$0x0], $0xffff  }
0x310: {  	v10 =	vld.idx.msk [tilespmem:v4+s14+$0x0], $0xffff;
	[tilespmem:s28+$0xFFFFFFE0] =	vst v0  }
0x311: {  	v0 =	vld.idx.msk [tilespmem:v2+s4+$0x0], $0xffff  }
0x312: {  	s2 =	sadd.s32 $0x200, s2;
	v11 =	vld.idx.msk [tilespmem:v2+s14+$0x0], $0xffff  }
0x313: {  	[tilespmem:s2+$0x0] =	vst v9;
	v9 =	vld.idx.msk [tilespmem:v6+s4+$0x0], $0xffff  }
0x314: {  	[tilespmem:s2+$0x80] =	vst v7;
	v4 =	vld.idx.msk [tilespmem:v6+s14+$0x0], $0xffff  }
0x315: {  	[tilespmem:s0+$0x30] =	vst v5;
	v2 =	vld.idx.msk [tilespmem:v3+s4+$0x0], $0xffff  }
0x316: {  	v6 =	vld [tilespmem:s5+$0x810];
	[tilespmem:s0+$0xB0] =	vst v10  }
.Ltmp2:
0x317: {  	v3 =	vld.idx.msk [tilespmem:v3+s14+$0x0], $0xffff;
	[tilespmem:s29+$0x60] =	vst v0;
	(pc) =	sbr.rel @p0 .LBB2_6-.Ltmp2, $4  }
0x318: {  	v5 =	vld [tilespmem:s16+$0x840];
	[tilespmem:s29+$0xE0] =	vst v11  }
0x319: {  	[tilespmem:s2+$0xFFFFFF00] =	vst v1;
	v1 =	vld [tilespmem:s3+$0x870];
	s3 =	smov.u32 s16;
	s16 =	smov.u32 s5  }
0x31a: {  	[tilespmem:s2+$0xFFFFFF80] =	vst v8;
	v0 =	vld [tilespmem:s30+$0x30];
	s30 =	smov.u32 s31;
	s31 =	smov.u32 s1;
	s1 =	smov.u32 s25  }
0x31b: {  	s25 =	sadd.s32 $0x100, s25;
	v7 =	vld [tilespmem:s1+$0xFFFFFFD0];
	[tilespmem:s0+$0xFFFFFF30] =	vst v9  }
0x31c: {  	_ =	sdelay $0x4  }
0x31d: {  	v8 =	vld.idx.msk [tilespmem:v6+s4+$0x0], $0xffff  }
0x31e: {  	v6 =	vld.idx.msk [tilespmem:v6+s14+$0x0], $0xffff;
	_ =	sdelay $0x1  }
0x31f: {  	v9 =	vld.idx.msk [tilespmem:v7+s4+$0x0], $0xffff  }
0x320: {  	v7 =	vld.idx.msk [tilespmem:v7+s14+$0x0], $0xffff  }
0x321: {  	[tilespmem:s2+$0x10] =	vst v8  }
0x322: {  	[tilespmem:s2+$0x90] =	vst v6  }
0x323: {  	v6 =	vld [tilespmem:s16+$0x820]  }
0x324: {  	[tilespmem:s2+$0xFFFFFF10] =	vst v9  }
0x325: {  	[tilespmem:s2+$0xFFFFFF90] =	vst v7  }
0x326: {  	v7 =	vld [tilespmem:s1+$0xFFFFFFE0];
	_ =	sdelay $0x4  }
0x327: {  	v8 =	vld.idx.msk [tilespmem:v6+s4+$0x0], $0xffff  }
0x328: {  	v6 =	vld.idx.msk [tilespmem:v6+s14+$0x0], $0xffff;
	_ =	sdelay $0x1  }
0x329: {  	v9 =	vld.idx.msk [tilespmem:v7+s4+$0x0], $0xffff  }
0x32a: {  	v7 =	vld.idx.msk [tilespmem:v7+s14+$0x0], $0xffff  }
0x32b: {  	[tilespmem:s2+$0x20] =	vst v8;
	v8 =	vld.idx.msk [tilespmem:v5+s4+$0x0], $0xffff  }
0x32c: {  	[tilespmem:s2+$0xA0] =	vst v6;
	v5 =	vld.idx.msk [tilespmem:v5+s14+$0x0], $0xffff  }
0x32d: {  	v6 =	vld [tilespmem:s16+$0x830];
	_ =	sdelay $0x1  }
0x32e: {  	[tilespmem:s2+$0xFFFFFF20] =	vst v9  }
0x32f: {  	[tilespmem:s2+$0xFFFFFFA0] =	vst v7  }
0x330: {  	v7 =	vld [tilespmem:s1+$0xFFFFFFF0];
	[tilespmem:s0+$0x40] =	vst v8  }
0x331: {  	[tilespmem:s0+$0xC0] =	vst v5  }
0x332: {  	v5 =	vld [tilespmem:s3+$0x850];
	_ =	sdelay $0x1  }
0x333: {  	[tilespmem:s0+$0xFFFFFFB0] =	vst v4;
	v4 =	vld.idx.msk [tilespmem:v6+s4+$0x0], $0xffff  }
0x334: {  	v6 =	vld.idx.msk [tilespmem:v6+s14+$0x0], $0xffff  }
0x335: {  	v8 =	vld [tilespmem:s31+$0x0];
	_ =	sdelay $0x1  }
0x336: {  	v9 =	vld.idx.msk [tilespmem:v7+s4+$0x0], $0xffff  }
0x337: {  	v7 =	vld.idx.msk [tilespmem:v7+s14+$0x0], $0xffff;
	[tilespmem:s2+$0x30] =	vst v4  }
0x338: {  	[tilespmem:s2+$0xB0] =	vst v6;
	v49 =	vld.idx.msk [tilespmem:v5+s4+$0x0], $0xffff  }
0x339: {  	v4 =	vld [tilespmem:s16+$0x840]  }
0x33a: {  	[tilespmem:s29+$0xFFFFFFD0] =	vst v3;
	v5 =	vld.idx.msk [tilespmem:v5+s14+$0x0], $0xffff  }
0x33b: {  	[tilespmem:s2+$0xFFFFFF30] =	vst v9  }
0x33c: {  	v3 =	vld.idx.msk [tilespmem:v8+s14+$0x0], $0xffff;
	[tilespmem:s2+$0xFFFFFFB0] =	vst v7  }
0x33d: {  	v6 =	vld [tilespmem:s1+$0x0]  }
0x33e: {  	v7 =	vld.idx.msk [tilespmem:v8+s4+$0x0], $0xffff;
	[tilespmem:s0+$0x50] =	vst v49  }
0x33f: {  	[tilespmem:s0+$0xD0] =	vst v5  }
0x340: {  	v8 =	vld [tilespmem:s3+$0x860]  }
0x341: {  	[tilespmem:s29+$0xFFFFFF50] =	vst v2;
	v10 =	vld.idx.msk [tilespmem:v4+s4+$0x0], $0xffff  }
0x342: {  	[tilespmem:s0+$0xFFFFFFC0] =	vst v3;
	v2 =	vld.idx.msk [tilespmem:v4+s14+$0x0], $0xffff  }
0x343: {  	v4 =	vld [tilespmem:s30+$0x20];
	[tilespmem:s0+$0xFFFFFF40] =	vst v7  }
0x344: {  	v3 =	vld [tilespmem:s31+$0x10]  }
0x345: {  	v5 =	vld.idx.msk [tilespmem:v6+s4+$0x0], $0xffff  }
0x346: {  	v6 =	vld.idx.msk [tilespmem:v6+s14+$0x0], $0xffff;
	[tilespmem:s2+$0x40] =	vst v10  }
0x347: {  	[tilespmem:s2+$0xC0] =	vst v2  }
0x348: {  	v2 =	vld [tilespmem:s16+$0x850]  }
0x349: {  	v7 =	vld.idx.msk [tilespmem:v8+s4+$0x0], $0xffff  }
0x34a: {  	v8 =	vld.idx.msk [tilespmem:v8+s14+$0x0], $0xffff;
	[tilespmem:s2+$0xFFFFFF40] =	vst v5  }
0x34b: {  	[tilespmem:s2+$0xFFFFFFC0] =	vst v6;
	v6 =	vld.idx.msk [tilespmem:v4+s4+$0x0], $0xffff  }
0x34c: {  	v5 =	vld [tilespmem:s1+$0x10]  }
0x34d: {  	v51 =	vld.idx.msk [tilespmem:v3+s4+$0x0], $0xffff  }
0x34e: {  	v4 =	vld.idx.msk [tilespmem:v4+s14+$0x0], $0xffff  }
0x34f: {  	v3 =	vld.idx.msk [tilespmem:v3+s14+$0x0], $0xffff;
	[tilespmem:s0+$0x60] =	vst v7  }
0x350: {  	[tilespmem:s0+$0xE0] =	vst v8;
	v50 =	vld.idx.msk [tilespmem:v2+s4+$0x0], $0xffff  }
0x351: {  	v2 =	vld.idx.msk [tilespmem:v2+s14+$0x0], $0xffff;
	[tilespmem:s29+$0xFFFFFF60] =	vst v6  }
0x352: {  	[tilespmem:s0+$0xFFFFFF50] =	vst v51  }
0x353: {  	[tilespmem:s29+$0xFFFFFFE0] =	vst v4;
	v4 =	vld [tilespmem:s3+$0x870]  }
0x354: {  	[tilespmem:s0+$0xFFFFFFD0] =	vst v3;
	v6 =	vld.idx.msk [tilespmem:v5+s4+$0x0], $0xffff  }
0x355: {  	v5 =	vld.idx.msk [tilespmem:v5+s14+$0x0], $0xffff;
	[tilespmem:s2+$0x50] =	vst v50  }
0x356: {  	v3 =	vld [tilespmem:s31+$0x20];
	[tilespmem:s2+$0xD0] =	vst v2  }
0x357: {  	v2 =	vld [tilespmem:s16+$0x860];
	_ =	sdelay $0x1  }
0x358: {  	[tilespmem:s2+$0xFFFFFF50] =	vst v6  }
0x359: {  	v7 =	vld [tilespmem:s30+$0x30];
	[tilespmem:s2+$0xFFFFFFD0] =	vst v5  }
0x35a: {  	v5 =	vld [tilespmem:s1+$0x20]  }
0x35b: {  	v54 =	vld.idx.msk [tilespmem:v4+s14+$0x0], $0xffff  }
0x35c: {  	v4 =	vld.idx.msk [tilespmem:v4+s4+$0x0], $0xffff  }
0x35d: {  	v52 =	vld.idx.msk [tilespmem:v3+s4+$0x0], $0xffff  }
0x35e: {  	v8 =	vld.idx.msk [tilespmem:v2+s4+$0x0], $0xffff  }
0x35f: {  	v2 =	vld.idx.msk [tilespmem:v2+s14+$0x0], $0xffff  }
0x360: {  	v3 =	vld.idx.msk [tilespmem:v3+s14+$0x0], $0xffff  }
0x361: {  	v6 =	vld.idx.msk [tilespmem:v1+s14+$0x0], $0xffff  }
0x362: {  	[tilespmem:s0+$0xFFFFFF60] =	vst v52;
	v53 =	vld.idx.msk [tilespmem:v5+s4+$0x0], $0xffff  }
0x363: {  	v5 =	vld.idx.msk [tilespmem:v5+s14+$0x0], $0xffff;
	[tilespmem:s2+$0x60] =	vst v8  }
0x364: {  	v1 =	vld.idx.msk [tilespmem:v1+s4+$0x0], $0xffff;
	[tilespmem:s2+$0xE0] =	vst v2  }
0x365: {  	[tilespmem:s0+$0xFFFFFFE0] =	vst v3;
	v2 =	vld [tilespmem:s16+$0x870]  }
0x366: {  	v3 =	vld [tilespmem:s31+$0x30]  }
0x367: {  	v8 =	vld.idx.msk [tilespmem:v0+s4+$0x0], $0xffff;
	[tilespmem:s2+$0xFFFFFF60] =	vst v53  }
0x368: {  	v0 =	vld.idx.msk [tilespmem:v0+s14+$0x0], $0xffff;
	[tilespmem:s2+$0xFFFFFFE0] =	vst v5  }
0x369: {  	v5 =	vld [tilespmem:s1+$0x30]  }
0x36a: {  	[tilespmem:s29+$0x70] =	vst v1;
	v1 =	vld.idx.msk [tilespmem:v7+s4+$0x0], $0xffff  }
0x36b: {  	[tilespmem:s29+$0xF0] =	vst v6;
	v6 =	vld.idx.msk [tilespmem:v7+s14+$0x0], $0xffff  }
0x36c: {  	[tilespmem:s0+$0xF0] =	vst v54  }
0x36d: {  	[tilespmem:s28+$0xFFFFFFF0] =	vst v0;
	v0 =	vld.idx.msk [tilespmem:v2+s14+$0x0], $0xffff  }
0x36e: {  	[tilespmem:s0+$0x70] =	vst v4;
	v4 =	vld.idx.msk [tilespmem:v3+s4+$0x0], $0xffff  }
0x36f: {  	[tilespmem:s29+$0xFFFFFF70] =	vst v1;
	v1 =	vld.idx.msk [tilespmem:v3+s14+$0x0], $0xffff  }
0x370: {  	[tilespmem:s29+$0xFFFFFFF0] =	vst v6;
	v2 =	vld.idx.msk [tilespmem:v2+s4+$0x0], $0xffff  }
0x371: {  	[tilespmem:s28+$0xFFFFFF70] =	vst v8;
	v3 =	vld.idx.msk [tilespmem:v5+s4+$0x0], $0xffff  }
0x372: {  	[tilespmem:s2+$0xF0] =	vst v0;
	v0 =	vld.idx.msk [tilespmem:v5+s14+$0x0], $0xffff  }
0x373: {  	[tilespmem:s0+$0xFFFFFF70] =	vst v4  }
0x374: {  	[tilespmem:s0+$0xFFFFFFF0] =	vst v1  }
0x375: {  	[tilespmem:s2+$0x70] =	vst v2  }
0x376: {  	[tilespmem:s2+$0xFFFFFF70] =	vst v3  }
0x377: {  	s19 =	simm.s32 $0x4000;
	[tilespmem:s2+$0xFFFFFFF0] =	vst v0  }
0x378: {  	[hbm4b:s11+s21] =	stream.strided.scatter [tilespmem:s19], [sflag:$0x3], $0x3200, s22, s21, $0x38;
	[tilespmem:$0xA400] =	vst v63  }
0x379: {  	_ =	swait.ge [sflag:s24], $0x1C00  }
0x37a: {  	[sflag:s24] =	ssyncset.done $0x0  }
0x37b: {  	[sflag:s24] =	ssyncadd.s32 $0xFFFFE400  }
0x37c: {  	s23 =	simm.s32 $0x0;
	s25 =	simm.s32 $0x80;
	_ =	swait.ge [sflag:s18], $0x3200  }
0x37d: {  	s1 =	sand.u32 $0x380, s25;
	s0 =	sand.u32 $0x1C00, s23;
	[sflag:s18] =	ssyncset.done $0x0  }
0x37e: {  	s1 =	sor.u32 s1, s0;
	[sflag:s18] =	ssyncadd.s32 $0xFFFFCE00  }
0x37f: {  	v0 =	vld [tilespmem:s1+$0x2400]  }
0x380: {  	s19 =	simm.s32 $0x2440  }
0x381: {  	v1 =	vld [tilespmem:s19+$0xFFFFFFC0];
	_ =	sdelay $0x5  }
0x382: {  	v2 =	vld.idx.msk [tilespmem:v0+s4+$0x0], $0xffff  }
0x383: {  	v0 =	vld.idx.msk [tilespmem:v0+s14+$0x0], $0xffff  }
0x384: {  	v3 =	vld.idx.msk [tilespmem:v1+s4+$0x0], $0xffff  }
0x385: {  	v1 =	vld.idx.msk [tilespmem:v1+s14+$0x0], $0xffff  }
0x386: {  	s28 =	simm.s32 $0x73F0  }
0x387: {  	[tilespmem:s28+$0xFFFFFF10] =	vst v2  }
0x388: {  	[tilespmem:s28+$0xFFFFFF90] =	vst v0  }
0x389: {  	[tilespmem:s28+$0xFFFFFE10] =	vst v3;
	v0 =	vld [tilespmem:s1+$0x2410]  }
0x38a: {  	[tilespmem:s28+$0xFFFFFE90] =	vst v1  }
0x38b: {  	v1 =	vld [tilespmem:s19+$0xFFFFFFD0];
	_ =	sdelay $0x5  }
0x38c: {  	v2 =	vld.idx.msk [tilespmem:v0+s4+$0x0], $0xffff  }
0x38d: {  	v0 =	vld.idx.msk [tilespmem:v0+s14+$0x0], $0xffff  }
0x38e: {  	v3 =	vld.idx.msk [tilespmem:v1+s4+$0x0], $0xffff  }
0x38f: {  	v1 =	vld.idx.msk [tilespmem:v1+s14+$0x0], $0xffff;
	_ =	sdelay $0x1  }
0x390: {  	[tilespmem:s28+$0xFFFFFF20] =	vst v2  }
0x391: {  	[tilespmem:s28+$0xFFFFFFA0] =	vst v0  }
0x392: {  	[tilespmem:s28+$0xFFFFFE20] =	vst v3  }
0x393: {  	[tilespmem:s28+$0xFFFFFEA0] =	vst v1;
	v0 =	vld [tilespmem:s1+$0x2420]  }
0x394: {  	v1 =	vld [tilespmem:s19+$0xFFFFFFE0];
	_ =	sdelay $0x1  }
0x395: {  	s3 =	simm.s32 $0x180;
	s2 =	simm.s32 $0x100  }
0x396: {  	s0 =	sand.u32 $0x1C00, s2;
	s2 =	sand.u32 $0x380, s3  }
0x397: {  	s25 =	sor.u32 s2, s0  }
0x398: {  	v4 =	vld [tilespmem:s25+$0x2400];
	_ =	sdelay $0x1  }
0x399: {  	v2 =	vld.idx.msk [tilespmem:v0+s4+$0x0], $0xffff  }
0x39a: {  	v3 =	vld.idx.msk [tilespmem:v1+s4+$0x0], $0xffff  }
0x39b: {  	v0 =	vld.idx.msk [tilespmem:v0+s14+$0x0], $0xffff  }
0x39c: {  	v1 =	vld.idx.msk [tilespmem:v1+s14+$0x0], $0xffff  }
0x39d: {  	s30 =	simm.s32 $0x2540  }
0x39e: {  	[tilespmem:s28+$0xFFFFFF30] =	vst v2;
	v2 =	vld [tilespmem:s30+$0xFFFFFFC0]  }
0x39f: {  	[tilespmem:s28+$0xFFFFFE30] =	vst v3;
	v3 =	vld.idx.msk [tilespmem:v4+s4+$0x0], $0xffff  }
0x3a0: {  	[tilespmem:s28+$0xFFFFFFB0] =	vst v0;
	v4 =	vld.idx.msk [tilespmem:v4+s14+$0x0], $0xffff  }
0x3a1: {  	[tilespmem:s28+$0xFFFFFEB0] =	vst v1;
	v0 =	vld [tilespmem:s1+$0x2430]  }
0x3a2: {  	v1 =	vld [tilespmem:s19+$0xFFFFFFF0]  }
0x3a3: {  	s29 =	simm.s32 $0x75F0  }
0x3a4: {  	[tilespmem:s29+$0xFFFFFF10] =	vst v3  }
0x3a5: {  	[tilespmem:s29+$0xFFFFFF90] =	vst v4  }
0x3a6: {  	v4 =	vld [tilespmem:s25+$0x2410]  }
0x3a7: {  	v6 =	vld.idx.msk [tilespmem:v2+s4+$0x0], $0xffff  }
0x3a8: {  	v2 =	vld.idx.msk [tilespmem:v2+s14+$0x0], $0xffff  }
0x3a9: {  	v5 =	vld.idx.msk [tilespmem:v0+s4+$0x0], $0xffff  }
0x3aa: {  	v3 =	vld.idx.msk [tilespmem:v1+s4+$0x0], $0xffff  }
0x3ab: {  	v0 =	vld.idx.msk [tilespmem:v0+s14+$0x0], $0xffff  }
0x3ac: {  	[tilespmem:s29+$0xFFFFFE10] =	vst v6  }
0x3ad: {  	v1 =	vld.idx.msk [tilespmem:v1+s14+$0x0], $0xffff;
	[tilespmem:s29+$0xFFFFFE90] =	vst v2  }
0x3ae: {  	[tilespmem:s28+$0xFFFFFF40] =	vst v5;
	v2 =	vld [tilespmem:s30+$0xFFFFFFD0]  }
0x3af: {  	[tilespmem:s28+$0xFFFFFE40] =	vst v3;
	v3 =	vld.idx.msk [tilespmem:v4+s4+$0x0], $0xffff  }
0x3b0: {  	[tilespmem:s28+$0xFFFFFFC0] =	vst v0;
	v4 =	vld.idx.msk [tilespmem:v4+s14+$0x0], $0xffff  }
0x3b1: {  	v0 =	vld [tilespmem:s1+$0x2440];
	_ =	sdelay $0x2  }
0x3b2: {  	[tilespmem:s29+$0xFFFFFF20] =	vst v3  }
0x3b3: {  	[tilespmem:s29+$0xFFFFFFA0] =	vst v4  }
0x3b4: {  	v3 =	vld [tilespmem:s25+$0x2420];
	_ =	sdelay $0x1  }
0x3b5: {  	v6 =	vld.idx.msk [tilespmem:v2+s4+$0x0], $0xffff  }
0x3b6: {  	v5 =	vld.idx.msk [tilespmem:v0+s4+$0x0], $0xffff  }
0x3b7: {  	[tilespmem:s28+$0xFFFFFEC0] =	vst v1;
	v0 =	vld.idx.msk [tilespmem:v0+s14+$0x0], $0xffff  }
0x3b8: {  	v1 =	vld [tilespmem:s19+$0x0]  }
0x3b9: {  	v2 =	vld.idx.msk [tilespmem:v2+s14+$0x0], $0xffff  }
0x3ba: {  	[tilespmem:s29+$0xFFFFFE20] =	vst v6  }
0x3bb: {  	[tilespmem:s28+$0xFFFFFF50] =	vst v5;
	v6 =	vld.idx.msk [tilespmem:v3+s4+$0x0], $0xffff  }
0x3bc: {  	[tilespmem:s28+$0xFFFFFFD0] =	vst v0;
	v3 =	vld.idx.msk [tilespmem:v3+s14+$0x0], $0xffff  }
0x3bd: {  	v0 =	vld [tilespmem:s1+$0x2450]  }
0x3be: {  	[tilespmem:s29+$0xFFFFFEA0] =	vst v2  }
0x3bf: {  	s31 =	simm.s32 $0x2640;
	v2 =	vld [tilespmem:s30+$0xFFFFFFE0]  }
0x3c0: {  	v4 =	vld [tilespmem:s31+$0xFFFFFFC0]  }
0x3c1: {  	v5 =	vld.idx.msk [tilespmem:v1+s4+$0x0], $0xffff;
	[tilespmem:s29+$0xFFFFFF30] =	vst v6  }
0x3c2: {  	v1 =	vld.idx.msk [tilespmem:v1+s14+$0x0], $0xffff;
	[tilespmem:s29+$0xFFFFFFB0] =	vst v3  }
0x3c3: {  	v3 =	vld [tilespmem:s25+$0x2430];
	_ =	sdelay $0x1  }
0x3c4: {  	v7 =	vld.idx.msk [tilespmem:v0+s4+$0x0], $0xffff  }
0x3c5: {  	s5 =	simm.s32 $0x200;
	s6 =	simm.s32 $0x280;
	v0 =	vld.idx.msk [tilespmem:v0+s14+$0x0], $0xffff  }
0x3c6: {  	s0 =	sand.u32 $0x1C00, s5;
	s2 =	sand.u32 $0x380, s6;
	[tilespmem:s28+$0xFFFFFE50] =	vst v5;
	v5 =	vld.idx.msk [tilespmem:v2+s4+$0x0], $0xffff  }
0x3c7: {  	s3 =	sor.u32 s2, s0;
	[tilespmem:s28+$0xFFFFFED0] =	vst v1;
	v1 =	vld.idx.msk [tilespmem:v2+s14+$0x0], $0xffff  }
0x3c8: {  	v2 =	vld [tilespmem:s3+$0x2400]  }
0x3c9: {  	v6 =	vld.idx.msk [tilespmem:v4+s4+$0x0], $0xffff;
	[tilespmem:s28+$0xFFFFFF60] =	vst v7  }
0x3ca: {  	[tilespmem:s28+$0xFFFFFFE0] =	vst v0;
	v8 =	vld.idx.msk [tilespmem:v3+s4+$0x0], $0xffff  }
0x3cb: {  	[tilespmem:s29+$0xFFFFFE30] =	vst v5;
	v0 =	vld [tilespmem:s1+$0x2460]  }
0x3cc: {  	[tilespmem:s29+$0xFFFFFEB0] =	vst v1;
	v3 =	vld.idx.msk [tilespmem:v3+s14+$0x0], $0xffff  }
0x3cd: {  	v1 =	vld [tilespmem:s30+$0xFFFFFFF0]  }
0x3ce: {  	v4 =	vld.idx.msk [tilespmem:v4+s14+$0x0], $0xffff  }
0x3cf: {  	v5 =	vld [tilespmem:s19+$0x10]  }
0x3d0: {  	v7 =	vld.idx.msk [tilespmem:v2+s4+$0x0], $0xffff;
	[tilespmem:s29+$0xFFFFFF40] =	vst v8  }
0x3d1: {  	v2 =	vld.idx.msk [tilespmem:v2+s14+$0x0], $0xffff;
	[tilespmem:s29+$0xFFFFFFC0] =	vst v3  }
0x3d2: {  	v8 =	vld [tilespmem:s25+$0x2440]  }
0x3d3: {  	v55 =	vld.idx.msk [tilespmem:v0+s4+$0x0], $0xffff  }
0x3d4: {  	s0 =	simm.s32 $0x77F0;
	v0 =	vld.idx.msk [tilespmem:v0+s14+$0x0], $0xffff  }
0x3d5: {  	[tilespmem:s0+$0xFFFFFF10] =	vst v7;
	v7 =	vld.idx.msk [tilespmem:v1+s4+$0x0], $0xffff  }
0x3d6: {  	[tilespmem:s0+$0xFFFFFF90] =	vst v2;
	v1 =	vld.idx.msk [tilespmem:v1+s14+$0x0], $0xffff  }
0x3d7: {  	[tilespmem:s0+$0xFFFFFE10] =	vst v6;
	v2 =	vld [tilespmem:s3+$0x2410]  }
0x3d8: {  	[tilespmem:s0+$0xFFFFFE90] =	vst v4;
	v3 =	vld.idx.msk [tilespmem:v5+s4+$0x0], $0xffff  }
0x3d9: {  	[tilespmem:s28+$0xFFFFFFF0] =	vst v0;
	v0 =	vld [tilespmem:s31+$0xFFFFFFD0]  }
0x3da: {  	[tilespmem:s29+$0xFFFFFE40] =	vst v7;
	v56 =	vld.idx.msk [tilespmem:v8+s4+$0x0], $0xffff  }
0x3db: {  	[tilespmem:s29+$0xFFFFFEC0] =	vst v1;
	v8 =	vld.idx.msk [tilespmem:v8+s14+$0x0], $0xffff  }
0x3dc: {  	v1 =	vld [tilespmem:s30+$0x0]  }
0x3dd: {  	v5 =	vld.idx.msk [tilespmem:v5+s14+$0x0], $0xffff;
	[tilespmem:s28+$0xFFFFFF70] =	vst v55  }
0x3de: {  	v4 =	vld [tilespmem:s1+$0x2470]  }
0x3df: {  	v7 =	vld.idx.msk [tilespmem:v2+s4+$0x0], $0xffff;
	[tilespmem:s29+$0xFFFFFF50] =	vst v56  }
0x3e0: {  	v2 =	vld.idx.msk [tilespmem:v2+s14+$0x0], $0xffff;
	[tilespmem:s29+$0xFFFFFFD0] =	vst v8  }
0x3e1: {  	v8 =	vld [tilespmem:s25+$0x2450]  }
0x3e2: {  	v57 =	vld.idx.msk [tilespmem:v0+s4+$0x0], $0xffff  }
0x3e3: {  	v0 =	vld.idx.msk [tilespmem:v0+s14+$0x0], $0xffff  }
0x3e4: {  	[tilespmem:s28+$0xFFFFFE60] =	vst v3;
	v58 =	vld.idx.msk [tilespmem:v1+s4+$0x0], $0xffff  }
0x3e5: {  	[tilespmem:s28+$0xFFFFFEE0] =	vst v5;
	v1 =	vld.idx.msk [tilespmem:v1+s14+$0x0], $0xffff  }
0x3e6: {  	v3 =	vld [tilespmem:s19+$0x20];
	s1 =	simm.s32 $0x2740;
	[tilespmem:s0+$0xFFFFFF20] =	vst v7  }
0x3e7: {  	s16 =	simm.s32 $0x380;
	s23 =	simm.s32 $0x300;
	v6 =	vld [tilespmem:s1+$0xFFFFFFC0];
	[tilespmem:s0+$0xFFFFFFA0] =	vst v2  }
0x3e8: {  	s5 =	sand.u32 $0x1C00, s23;
	s2 =	sand.u32 $0x380, s16;
	v2 =	vld [tilespmem:s3+$0x2420];
	[tilespmem:s0+$0xFFFFFE20] =	vst v57  }
0x3e9: {  	s16 =	sor.u32 s2, s5;
	v7 =	vld.idx.msk [tilespmem:v4+s14+$0x0], $0xffff;
	[tilespmem:s0+$0xFFFFFEA0] =	vst v0  }
0x3ea: {  	[tilespmem:s29+$0xFFFFFED0] =	vst v1;
	v1 =	vld [tilespmem:s16+$0x2400]  }
0x3eb: {  	v0 =	vld [tilespmem:s31+$0xFFFFFFE0]  }
0x3ec: {  	v11 =	vld.idx.msk [tilespmem:v8+s4+$0x0], $0xffff  }
0x3ed: {  	v8 =	vld.idx.msk [tilespmem:v8+s14+$0x0], $0xffff  }
0x3ee: {  	v4 =	vld.idx.msk [tilespmem:v4+s4+$0x0], $0xffff  }
0x3ef: {  	v59 =	vld.idx.msk [tilespmem:v6+s4+$0x0], $0xffff  }
0x3f0: {  	v62 =	vld.idx.msk [tilespmem:v6+s14+$0x0], $0xffff  }
0x3f1: {  	v5 =	vld.idx.msk [tilespmem:v2+s4+$0x0], $0xffff;
	[tilespmem:s29+$0xFFFFFF60] =	vst v11  }
0x3f2: {  	v2 =	vld.idx.msk [tilespmem:v2+s14+$0x0], $0xffff;
	[tilespmem:s29+$0xFFFFFFE0] =	vst v8  }
0x3f3: {  	v61 =	vld [tilespmem:s25+$0x2460]  }
0x3f4: {  	v6 =	vld.idx.msk [tilespmem:v1+s4+$0x0], $0xffff  }
0x3f5: {  	v60 =	vld.idx.msk [tilespmem:v0+s4+$0x0], $0xffff  }
0x3f6: {  	[tilespmem:s0+$0xFFFFFF30] =	vst v5;
	v0 =	vld.idx.msk [tilespmem:v0+s14+$0x0], $0xffff  }
0x3f7: {  	[tilespmem:s0+$0xFFFFFFB0] =	vst v2;
	v1 =	vld.idx.msk [tilespmem:v1+s14+$0x0], $0xffff  }
0x3f8: {  	v2 =	vld [tilespmem:s3+$0x2430]  }
0x3f9: {  	[tilespmem:s29+$0xFFFFFE50] =	vst v58;
	v8 =	vld.idx.msk [tilespmem:v3+s4+$0x0], $0xffff  }
0x3fa: {  	v5 =	vld [tilespmem:s30+$0x10];
	[tilespmem:s0+$0xFFFFFE30] =	vst v60  }
0x3fb: {  	s2 =	simm.s32 $0x79F0;
	[tilespmem:s0+$0xFFFFFEB0] =	vst v0;
	v0 =	vld.idx.msk [tilespmem:v3+s14+$0x0], $0xffff  }
0x3fc: {  	[tilespmem:s2+$0xFFFFFF10] =	vst v6;
	v3 =	vld [tilespmem:s31+$0xFFFFFFF0]  }
0x3fd: {  	[tilespmem:s2+$0xFFFFFF90] =	vst v1  }
0x3fe: {  	v6 =	vld [tilespmem:s16+$0x2410]  }
0x3ff: {  	[tilespmem:s28+$0xFFFFFE70] =	vst v8;
	v8 =	vld.idx.msk [tilespmem:v61+s4+$0x0], $0xffff  }
0x400: {  	[tilespmem:s28+$0x0] =	vst v7;
	v7 =	vld.idx.msk [tilespmem:v2+s4+$0x0], $0xffff  }
0x401: {  	[tilespmem:s28+$0xFFFFFF80] =	vst v4;
	v12 =	vld.idx.msk [tilespmem:v2+s14+$0x0], $0xffff  }
0x402: {  	[tilespmem:s28+$0xFFFFFEF0] =	vst v0;
	v0 =	vld.idx.msk [tilespmem:v61+s14+$0x0], $0xffff  }
0x403: {  	[tilespmem:s2+$0xFFFFFE10] =	vst v59;
	v2 =	vld.idx.msk [tilespmem:v5+s4+$0x0], $0xffff  }
0x404: {  	[tilespmem:s29+$0xFFFFFF70] =	vst v8;
	v63 =	vld.idx.msk [tilespmem:v3+s4+$0x0], $0xffff  }
0x405: {  	[tilespmem:s0+$0xFFFFFF40] =	vst v7;
	v4 =	vld.idx.msk [tilespmem:v3+s14+$0x0], $0xffff  }
0x406: {  	[tilespmem:s0+$0xFFFFFFC0] =	vst v12;
	v3 =	vld.idx.msk [tilespmem:v5+s14+$0x0], $0xffff  }
0x407: {  	v5 =	vld [tilespmem:s3+$0x2440];
	[tilespmem:s29+$0xFFFFFFF0] =	vst v0  }
0x408: {  	[tilespmem:s2+$0xFFFFFE90] =	vst v62;
	v1 =	vld [tilespmem:s25+$0x2470]  }
0x409: {  	v7 =	vld [tilespmem:s1+$0xFFFFFFD0]  }
0x40a: {  	v0 =	vld [tilespmem:s19+$0x30];
	s19 =	simm.s32 $0x6;
	s25 =	simm.s32 $0x2840;
	[tilespmem:s0+$0xFFFFFE40] =	vst v63  }
.LBB2_8:
0x40b: {  	v8 =	vld [tilespmem:s25+$0xFFFFFFC0];
	[tilespmem:s0+$0xFFFFFEC0] =	vst v4  }
0x40c: {  	v4 =	vld [tilespmem:s31+$0x0];
	[tilespmem:s29+$0xFFFFFE60] =	vst v2  }
0x40d: {  	v2 =	vld.idx.msk [tilespmem:v6+s4+$0x0], $0xffff;
	[tilespmem:s29+$0xFFFFFEE0] =	vst v3  }
0x40e: {  	v3 =	vld.idx.msk [tilespmem:v6+s14+$0x0], $0xffff  }
0x40f: {  	v6 =	vld.idx.msk [tilespmem:v5+s4+$0x0], $0xffff  }
0x410: {  	v9 =	vld.idx.msk [tilespmem:v1+s14+$0x0], $0xffff  }
0x411: {  	v5 =	vld.idx.msk [tilespmem:v5+s14+$0x0], $0xffff  }
0x412: {  	v10 =	vld.idx.msk [tilespmem:v7+s4+$0x0], $0xffff  }
0x413: {  	v7 =	vld.idx.msk [tilespmem:v7+s14+$0x0], $0xffff;
	[tilespmem:s2+$0xFFFFFF20] =	vst v2  }
0x414: {  	[tilespmem:s2+$0xFFFFFFA0] =	vst v3;
	v2 =	vld.idx.msk [tilespmem:v4+s4+$0x0], $0xffff  }
0x415: {  	v3 =	vld [tilespmem:s16+$0x2420];
	[tilespmem:s0+$0xFFFFFF50] =	vst v6  }
0x416: {  	v1 =	vld.idx.msk [tilespmem:v1+s4+$0x0], $0xffff;
	[tilespmem:s29+$0x0] =	vst v9  }
0x417: {  	v4 =	vld.idx.msk [tilespmem:v4+s14+$0x0], $0xffff;
	[tilespmem:s0+$0xFFFFFFD0] =	vst v5  }
0x418: {  	[tilespmem:s2+$0xFFFFFE20] =	vst v10;
	v5 =	vld [tilespmem:s3+$0x2450]  }
0x419: {  	[tilespmem:s2+$0xFFFFFEA0] =	vst v7;
	v6 =	vld [tilespmem:s30+$0x20]  }
0x41a: {  	v7 =	vld [tilespmem:s1+$0xFFFFFFE0];
	[tilespmem:s0+$0xFFFFFE50] =	vst v2  }
0x41b: {  	v2 =	vld.idx.msk [tilespmem:v0+s4+$0x0], $0xffff  }
0x41c: {  	[tilespmem:s29+$0xFFFFFF80] =	vst v1;
	v0 =	vld.idx.msk [tilespmem:v0+s14+$0x0], $0xffff  }
0x41d: {  	v1 =	vld.idx.msk [tilespmem:v8+s4+$0x0], $0xffff;
	[tilespmem:s0+$0xFFFFFED0] =	vst v4  }
0x41e: {  	v4 =	vld.idx.msk [tilespmem:v3+s4+$0x0], $0xffff  }
0x41f: {  	v3 =	vld.idx.msk [tilespmem:v3+s14+$0x0], $0xffff  }
0x420: {  	s23 =	sadd.s32 $0x100, s23;
	v9 =	vld.idx.msk [tilespmem:v5+s4+$0x0], $0xffff  }
0x421: {  	s5 =	sadd.s32 $0x80, s23;
	v5 =	vld.idx.msk [tilespmem:v5+s14+$0x0], $0xffff;
	[tilespmem:s28+$0xFFFFFE80] =	vst v2  }
0x422: {  	s6 =	sand.u32 $0x1C00, s23;
	s5 =	sand.u32 $0x380, s5;
	v2 =	vld.idx.msk [tilespmem:v7+s4+$0x0], $0xffff;
	[tilespmem:s28+$0xFFFFFF00] =	vst v0;
	s28 =	smov.u32 s29  }
0x423: {  	s5 =	sor.u32 s5, s6;
	s29 =	smov.u32 s0;
	s0 =	smov.u32 s2;
	v0 =	vld.idx.msk [tilespmem:v7+s14+$0x0], $0xffff  }
0x424: {  	v7 =	vld [tilespmem:s5+$0x2400];
	[tilespmem:s2+$0xFFFFFF30] =	vst v4  }
0x425: {  	[tilespmem:s2+$0xFFFFFFB0] =	vst v3;
	v3 =	vld [tilespmem:s31+$0x10]  }
0x426: {  	v4 =	vld [tilespmem:s16+$0x2430];
	[tilespmem:s29+$0xFFFFFF60] =	vst v9  }
0x427: {  	[tilespmem:s29+$0xFFFFFFE0] =	vst v5;
	v5 =	vld.idx.msk [tilespmem:v6+s4+$0x0], $0xffff  }
0x428: {  	[tilespmem:s2+$0xFFFFFE30] =	vst v2;
	v2 =	vld [tilespmem:s3+$0x2460]  }
0x429: {  	[tilespmem:s2+$0xFFFFFEB0] =	vst v0;
	v0 =	vld.idx.msk [tilespmem:v6+s14+$0x0], $0xffff  }
0x42a: {  	v6 =	vld [tilespmem:s1+$0xFFFFFFF0]  }
0x42b: {  	v8 =	vld.idx.msk [tilespmem:v8+s14+$0x0], $0xffff  }
0x42c: {  	s19 =	sadd.s32 $0x2, s19;
	v9 =	vld.idx.msk [tilespmem:v7+s4+$0x0], $0xffff  }
0x42d: {  	p0 =	slt.u32 s19, $0x30;
	v7 =	vld.idx.msk [tilespmem:v7+s14+$0x0], $0xffff;
	[tilespmem:s28+$0xFFFFFE70] =	vst v5  }
0x42e: {  	v5 =	vld.idx.msk [tilespmem:v4+s4+$0x0], $0xffff  }
0x42f: {  	v10 =	vld.idx.msk [tilespmem:v4+s14+$0x0], $0xffff;
	[tilespmem:s28+$0xFFFFFEF0] =	vst v0  }
0x430: {  	v0 =	vld.idx.msk [tilespmem:v2+s4+$0x0], $0xffff  }
0x431: {  	s2 =	sadd.s32 $0x200, s2;
	v11 =	vld.idx.msk [tilespmem:v2+s14+$0x0], $0xffff  }
0x432: {  	[tilespmem:s2+$0xFFFFFF10] =	vst v9;
	v9 =	vld.idx.msk [tilespmem:v6+s4+$0x0], $0xffff  }
0x433: {  	[tilespmem:s2+$0xFFFFFF90] =	vst v7;
	v4 =	vld.idx.msk [tilespmem:v6+s14+$0x0], $0xffff  }
0x434: {  	[tilespmem:s0+$0xFFFFFF40] =	vst v5;
	v2 =	vld.idx.msk [tilespmem:v3+s4+$0x0], $0xffff  }
0x435: {  	v6 =	vld [tilespmem:s5+$0x2410];
	[tilespmem:s0+$0xFFFFFFC0] =	vst v10  }
.Ltmp3:
0x436: {  	v3 =	vld.idx.msk [tilespmem:v3+s14+$0x0], $0xffff;
	[tilespmem:s29+$0xFFFFFF70] =	vst v0;
	(pc) =	sbr.rel @p0 .LBB2_8-.Ltmp3, $4  }
0x437: {  	v5 =	vld [tilespmem:s16+$0x2440];
	[tilespmem:s29+$0xFFFFFFF0] =	vst v11  }
0x438: {  	[tilespmem:s2+$0xFFFFFE10] =	vst v1;
	v1 =	vld [tilespmem:s3+$0x2470];
	s3 =	smov.u32 s16;
	s16 =	smov.u32 s5  }
0x439: {  	[tilespmem:s2+$0xFFFFFE90] =	vst v8;
	v0 =	vld [tilespmem:s30+$0x30];
	s30 =	smov.u32 s31;
	s31 =	smov.u32 s1;
	s1 =	smov.u32 s25  }
0x43a: {  	s25 =	sadd.s32 $0x100, s25;
	v7 =	vld [tilespmem:s1+$0xFFFFFFD0];
	[tilespmem:s0+$0xFFFFFE40] =	vst v9  }
0x43b: {  	_ =	sdelay $0x5  }
0x43c: {  	v8 =	vld.idx.msk [tilespmem:v6+s4+$0x0], $0xffff  }
0x43d: {  	v27 =	vld.idx.msk [tilespmem:v6+s14+$0x0], $0xffff  }
0x43e: {  	v9 =	vld.idx.msk [tilespmem:v7+s4+$0x0], $0xffff  }
0x43f: {  	v28 =	vld.idx.msk [tilespmem:v7+s14+$0x0], $0xffff;
	_ =	sdelay $0x1  }
0x440: {  	[tilespmem:s2+$0xFFFFFF20] =	vst v8  }
0x441: {  	[tilespmem:s2+$0xFFFFFFA0] =	vst v27  }
0x442: {  	v6 =	vld [tilespmem:s16+$0x2420];
	[tilespmem:s2+$0xFFFFFE20] =	vst v9  }
0x443: {  	[tilespmem:s2+$0xFFFFFEA0] =	vst v28  }
0x444: {  	v7 =	vld [tilespmem:s1+$0xFFFFFFE0];
	_ =	sdelay $0x5  }
0x445: {  	v8 =	vld.idx.msk [tilespmem:v6+s4+$0x0], $0xffff  }
0x446: {  	v6 =	vld.idx.msk [tilespmem:v6+s14+$0x0], $0xffff  }
0x447: {  	v9 =	vld.idx.msk [tilespmem:v7+s4+$0x0], $0xffff  }
0x448: {  	v7 =	vld.idx.msk [tilespmem:v7+s14+$0x0], $0xffff;
	_ =	sdelay $0x1  }
0x449: {  	[tilespmem:s2+$0xFFFFFF30] =	vst v8  }
0x44a: {  	[tilespmem:s2+$0xFFFFFFB0] =	vst v6  }
0x44b: {  	v6 =	vld [tilespmem:s16+$0x2430];
	[tilespmem:s2+$0xFFFFFE30] =	vst v9  }
0x44c: {  	[tilespmem:s2+$0xFFFFFEB0] =	vst v7  }
0x44d: {  	v7 =	vld [tilespmem:s1+$0xFFFFFFF0];
	_ =	sdelay $0x1  }
0x44e: {  	[tilespmem:s0+$0xFFFFFEC0] =	vst v4;
	v29 =	vld.idx.msk [tilespmem:v5+s4+$0x0], $0xffff  }
0x44f: {  	v32 =	vld [tilespmem:s31+$0x0]  }
0x450: {  	v30 =	vld.idx.msk [tilespmem:v5+s14+$0x0], $0xffff;
	_ =	sdelay $0x1  }
0x451: {  	v31 =	vld.idx.msk [tilespmem:v6+s4+$0x0], $0xffff  }
0x452: {  	v6 =	vld.idx.msk [tilespmem:v6+s14+$0x0], $0xffff  }
0x453: {  	[tilespmem:s0+$0xFFFFFF50] =	vst v29;
	v9 =	vld.idx.msk [tilespmem:v7+s4+$0x0], $0xffff  }
0x454: {  	[tilespmem:s0+$0xFFFFFFD0] =	vst v30;
	v7 =	vld.idx.msk [tilespmem:v7+s14+$0x0], $0xffff  }
0x455: {  	v5 =	vld [tilespmem:s3+$0x2450]  }
0x456: {  	v34 =	vld.idx.msk [tilespmem:v32+s4+$0x0], $0xffff;
	[tilespmem:s2+$0xFFFFFF40] =	vst v31  }
0x457: {  	v37 =	vld.idx.msk [tilespmem:v32+s14+$0x0], $0xffff;
	[tilespmem:s2+$0xFFFFFFC0] =	vst v6  }
0x458: {  	v4 =	vld [tilespmem:s16+$0x2440];
	[tilespmem:s2+$0xFFFFFE40] =	vst v9  }
0x459: {  	[tilespmem:s2+$0xFFFFFEC0] =	vst v7  }
0x45a: {  	v33 =	vld [tilespmem:s1+$0x0]  }
0x45b: {  	[tilespmem:s0+$0xFFFFFE50] =	vst v34  }
0x45c: {  	[tilespmem:s0+$0xFFFFFED0] =	vst v37  }
0x45d: {  	[tilespmem:s29+$0xFFFFFEE0] =	vst v3;
	v3 =	vld [tilespmem:s31+$0x10];
	_ =	sdelay $0x1  }
0x45e: {  	v35 =	vld.idx.msk [tilespmem:v5+s4+$0x0], $0xffff  }
0x45f: {  	v10 =	vld.idx.msk [tilespmem:v4+s4+$0x0], $0xffff  }
0x460: {  	v36 =	vld.idx.msk [tilespmem:v4+s14+$0x0], $0xffff  }
0x461: {  	v39 =	vld.idx.msk [tilespmem:v33+s4+$0x0], $0xffff  }
0x462: {  	v6 =	vld.idx.msk [tilespmem:v33+s14+$0x0], $0xffff  }
0x463: {  	[tilespmem:s29+$0xFFFFFE60] =	vst v2;
	v5 =	vld.idx.msk [tilespmem:v5+s14+$0x0], $0xffff  }
0x464: {  	v44 =	vld.idx.msk [tilespmem:v3+s4+$0x0], $0xffff;
	[tilespmem:s2+$0xFFFFFF50] =	vst v10  }
0x465: {  	v3 =	vld.idx.msk [tilespmem:v3+s14+$0x0], $0xffff;
	[tilespmem:s2+$0xFFFFFFD0] =	vst v36  }
0x466: {  	v2 =	vld [tilespmem:s16+$0x2450];
	[tilespmem:s2+$0xFFFFFE50] =	vst v39  }
0x467: {  	[tilespmem:s2+$0xFFFFFED0] =	vst v6  }
0x468: {  	[tilespmem:s0+$0xFFFFFFE0] =	vst v5;
	v5 =	vld [tilespmem:s1+$0x10]  }
0x469: {  	[tilespmem:s0+$0xFFFFFF60] =	vst v35  }
0x46a: {  	v40 =	vld [tilespmem:s3+$0x2460];
	[tilespmem:s0+$0xFFFFFE60] =	vst v44  }
0x46b: {  	v38 =	vld [tilespmem:s30+$0x20];
	[tilespmem:s0+$0xFFFFFEE0] =	vst v3  }
0x46c: {  	v3 =	vld [tilespmem:s31+$0x20]  }
0x46d: {  	v46 =	vld.idx.msk [tilespmem:v1+s14+$0x0], $0xffff  }
0x46e: {  	v43 =	vld.idx.msk [tilespmem:v2+s4+$0x0], $0xffff  }
0x46f: {  	v2 =	vld.idx.msk [tilespmem:v2+s14+$0x0], $0xffff  }
0x470: {  	v45 =	vld.idx.msk [tilespmem:v5+s4+$0x0], $0xffff  }
0x471: {  	v5 =	vld.idx.msk [tilespmem:v5+s14+$0x0], $0xffff  }
0x472: {  	v42 =	vld.idx.msk [tilespmem:v40+s4+$0x0], $0xffff  }
0x473: {  	v8 =	vld.idx.msk [tilespmem:v40+s14+$0x0], $0xffff;
	[tilespmem:s2+$0xFFFFFF60] =	vst v43  }
0x474: {  	v51 =	vld.idx.msk [tilespmem:v3+s4+$0x0], $0xffff;
	[tilespmem:s2+$0xFFFFFFE0] =	vst v2  }
0x475: {  	v2 =	vld [tilespmem:s16+$0x2460];
	[tilespmem:s2+$0xFFFFFE60] =	vst v45  }
0x476: {  	v3 =	vld.idx.msk [tilespmem:v3+s14+$0x0], $0xffff;
	[tilespmem:s2+$0xFFFFFEE0] =	vst v5  }
0x477: {  	v5 =	vld [tilespmem:s1+$0x20]  }
0x478: {  	v47 =	vld.idx.msk [tilespmem:v1+s4+$0x0], $0xffff;
	[tilespmem:s0+$0xFFFFFF70] =	vst v42  }
0x479: {  	v41 =	vld.idx.msk [tilespmem:v38+s4+$0x0], $0xffff;
	[tilespmem:s0+$0xFFFFFFF0] =	vst v8  }
0x47a: {  	v48 =	vld [tilespmem:s3+$0x2470];
	[tilespmem:s0+$0xFFFFFE70] =	vst v51  }
0x47b: {  	v4 =	vld.idx.msk [tilespmem:v38+s14+$0x0], $0xffff;
	[tilespmem:s0+$0xFFFFFEF0] =	vst v3  }
0x47c: {  	v3 =	vld [tilespmem:s31+$0x30]  }
0x47d: {  	v50 =	vld.idx.msk [tilespmem:v2+s4+$0x0], $0xffff  }
0x47e: {  	v2 =	vld.idx.msk [tilespmem:v2+s14+$0x0], $0xffff  }
0x47f: {  	v52 =	vld.idx.msk [tilespmem:v5+s4+$0x0], $0xffff  }
0x480: {  	[tilespmem:s29+$0xFFFFFE70] =	vst v41;
	v5 =	vld.idx.msk [tilespmem:v5+s14+$0x0], $0xffff  }
0x481: {  	v53 =	vld.idx.msk [tilespmem:v0+s4+$0x0], $0xffff;
	[tilespmem:s29+$0xFFFFFEF0] =	vst v4  }
0x482: {  	v49 =	vld [tilespmem:s30+$0x30];
	[tilespmem:s2+$0xFFFFFF70] =	vst v50  }
0x483: {  	v54 =	vld.idx.msk [tilespmem:v0+s14+$0x0], $0xffff;
	[tilespmem:s2+$0xFFFFFFF0] =	vst v2  }
0x484: {  	v8 =	vld [tilespmem:s16+$0x2470];
	[tilespmem:s2+$0xFFFFFE70] =	vst v52  }
0x485: {  	v55 =	vld.idx.msk [tilespmem:v48+s14+$0x0], $0xffff;
	[tilespmem:s2+$0xFFFFFEF0] =	vst v5  }
0x486: {  	v5 =	vld [tilespmem:s1+$0x30]  }
0x487: {  	[tilespmem:s29+$0x0] =	vst v46;
	v4 =	vld.idx.msk [tilespmem:v48+s4+$0x0], $0xffff  }
0x488: {  	[tilespmem:s29+$0xFFFFFF80] =	vst v47;
	v60 =	vld.idx.msk [tilespmem:v3+s4+$0x0], $0xffff  }
0x489: {  	[tilespmem:s28+$0xFFFFFE80] =	vst v53;
	v61 =	vld.idx.msk [tilespmem:v3+s14+$0x0], $0xffff  }
0x48a: {  	[tilespmem:s28+$0xFFFFFF00] =	vst v54;
	v56 =	vld.idx.msk [tilespmem:v49+s4+$0x0], $0xffff  }
0x48b: {  	[tilespmem:s0+$0x0] =	vst v55;
	v57 =	vld.idx.msk [tilespmem:v49+s14+$0x0], $0xffff  }
0x48c: {  	[tilespmem:s0+$0xFFFFFF80] =	vst v4;
	v58 =	vld.idx.msk [tilespmem:v8+s14+$0x0], $0xffff  }
0x48d: {  	[tilespmem:s0+$0xFFFFFE80] =	vst v60;
	v59 =	vld.idx.msk [tilespmem:v8+s4+$0x0], $0xffff  }
0x48e: {  	[tilespmem:s0+$0xFFFFFF00] =	vst v61;
	v62 =	vld.idx.msk [tilespmem:v5+s4+$0x0], $0xffff  }
0x48f: {  	[tilespmem:s29+$0xFFFFFE80] =	vst v56;
	v63 =	vld.idx.msk [tilespmem:v5+s14+$0x0], $0xffff  }
0x490: {  	[tilespmem:s29+$0xFFFFFF00] =	vst v57  }
0x491: {  	[tilespmem:s2+$0x0] =	vst v58  }
0x492: {  	[tilespmem:s2+$0xFFFFFF80] =	vst v59  }
0x493: {  	[tilespmem:s2+$0xFFFFFE80] =	vst v62  }
0x494: {  	s26 =	sadd.s32 $0x1, s26;
	s31 =	simm.s32 $0x7200;
	[tilespmem:s2+$0xFFFFFF00] =	vst v63  }
0x495: {  	[hbm4b:s12+s21] =	stream.strided.scatter [tilespmem:s31], [sflag:$0x4], $0x3200, s22, s21, $0x38;
	[tilespmem:$0xA400] =	vst v63  }
0x496: {  	p0 =	sne.s32 s26, s13;
	_ =	swait.ge [sflag:s17], $0x3200  }
.Ltmp4:
0x497: {  	[sflag:s17] =	ssyncset.done $0x0;
	(pc) =	sbr.rel @p0 .LBB2_1-.Ltmp4, $4  }
0x498: {  	[sflag:s17] =	ssyncadd.s32 $0xFFFFCE00  }
0x499: {  	_ =	swait.ge [sflag:s18], $0x3200  }
0x49a: {  	[sflag:s18] =	ssyncset.done $0x0  }
0x49b: {  	[sflag:s18] =	ssyncadd.s32 $0xFFFFCE00  }
0x49c: {  	_ =	sfence.sel $0x180000  }
0x49d: {  	[bflag:$0x0] =	sbarrier.arrive $0xFFFF  }
0x49e: {  	_ =	strace $0x90000047  }
0x49f: {  	s0 =	stileid.u32;
	[bflag:$0x2] =	sbarrier.arrive $0xFFFF  }
0x4a0: {  	p0 =	sne.s32 s0, $0x0;
	s0 =	rddreg [dreg:$0x4]  }
0x4a1: {  	s0 =	sadd.s32 @!p0 $0x100000, s0  }
0x4a2: {  	[sflag:s0] =	ssyncadd.tile.s32 @!p0 $0x1;
	_ =	shalt  }
.Lfunc_end2:
_tile_overlayer_lowered:
.L_overlay_start_2:
0x4a3: {  	(tag) =	ssettag $0x2  }
0x4a4: {  	s0 =	rddreg [dreg:$0x0];
	s2 =	stileid.u32  }
0x4a5: {  	s1 =	rddreg [dreg:$0x1];
	p0 =	sne.s32 s2, $0x0  }
0x4a6: {  	s3 =	rddreg [dreg:$0x2];
	[bflag:$0x3] =	sbarrier.arrive $0xFFFF;
	s2 =	simm.s32 @!p0 $0x1C05  }
0x4a7: {  	[timem:s3], [sflag:s2] =	dma.local @!p0 [hbm:s0], s1  }
0x4a8: {  	s0 =	simm.s32 @!p0 $0x5  }
0x4a9: {  	_ =	swait.ge @!p0 [sflag:s0], s1  }
0x4aa: {  	s1 =	ssub.s32 @!p0 $0x0, s1;
	[sflag:s0] =	ssyncset.done @!p0 $0x0  }
0x4ab: {  	[sflag:s0] =	ssyncadd.s32 @!p0 s1  }
0x4ac: {  	[bflag:$0x3] =	sbarrier.arrive $0xFFFF  }
0x4ad: {  	_ =	shalt  }

</sc_bundles>
